<compile_context>
chip_gen: v7x
topology: tpu7x:2x2x1
jax: 0.10.2.dev20260603
libtpu: 0.0.44.dev20260713+nightly
codegen_flags: <defaults>
</compile_context>

<pallas_src>
import dataclasses
import functools

import jax
import jax.numpy as jnp
from jax import lax
from jax.experimental import pallas as pl
from jax.experimental.pallas import tpu as pltpu
from jax.experimental.pallas import tpu_sc as plsc

NUM_CORES = 2
NUM_SUBCORES = 16
NUM_WORKERS = NUM_CORES * NUM_SUBCORES
TC_BATCH = 16


def _prep_body(sp_ref, tt_ref, comb_ref):
    comb_ref[...] = sp_ref[...] + tt_ref[0:1, :]


def _combined_table(special_table, type_table):
    n, d = special_table.shape
    return pl.pallas_call(
        _prep_body,
        out_shape=jax.ShapeDtypeStruct((n, d), jnp.float32),
    )(special_table, type_table)


def _coord_body(cx_ref, cy_ref, w_ref, b_ref, tt_ref, out_ref):
    blk_b, t = cx_ref.shape
    d = w_ref.shape[1]
    bias = (b_ref[0:1, :] + tt_ref[1:2, :]).reshape(1, 1, d)
    w0 = w_ref[0:1, :].reshape(1, 1, d)
    w1 = w_ref[1:2, :].reshape(1, 1, d)
    cx3 = jax.lax.broadcast_in_dim(cx_ref[...], (blk_b, t, d), (0, 1))
    cy3 = jax.lax.broadcast_in_dim(cy_ref[...], (blk_b, t, d), (0, 1))
    out_ref[...] = cx3 * w0 + cy3 * w1 + bias


def _coord_linear(cx, cy, W, b2d, type_table):
    bsz, t = cx.shape
    d = W.shape[1]
    return pl.pallas_call(
        _coord_body,
        grid=(bsz // TC_BATCH,),
        in_specs=[
            pl.BlockSpec((TC_BATCH, t), lambda i: (i, 0)),
            pl.BlockSpec((TC_BATCH, t), lambda i: (i, 0)),
            pl.BlockSpec((2, d), lambda i: (0, 0)),
            pl.BlockSpec((1, d), lambda i: (0, 0)),
            pl.BlockSpec((2, d), lambda i: (0, 0)),
        ],
        out_specs=pl.BlockSpec((TC_BATCH, t, d), lambda i: (i, 0, 0)),
        out_shape=jax.ShapeDtypeStruct((bsz, t, d), jnp.float32),
    )(cx, cy, W, b2d, type_table)


def _sc_special(comb_flat, token_ids, d):
    bsz, t = token_ids.shape
    rows = bsz * t
    rows_w = bsz // NUM_WORKERS
    mesh = plsc.VectorSubcoreMesh(
        core_axis_name="core", subcore_axis_name="subcore"
    )
    cp = pltpu.CompilerParams()
    if "needs_layout_passes" in pltpu.CompilerParams.__dataclass_fields__:
        cp = dataclasses.replace(cp, needs_layout_passes=False)

    @functools.partial(
        pl.kernel,
        out_type=jax.ShapeDtypeStruct((rows, d), jnp.float32),
        mesh=mesh,
        compiler_params=cp,
        scratch_types=[
            pltpu.VMEM((rows_w, t), jnp.int32),
            pltpu.VMEM((t, d), jnp.float32),
            pltpu.VMEM((t, d), jnp.float32),
            pltpu.VMEM((3 * d,), jnp.float32),
            pltpu.SemaphoreType.DMA,
            pltpu.SemaphoreType.DMA,
        ],
    )
    def k(table_hbm, ids_hbm, out_hbm, ids_v, buf0, buf1, tab_v, w0, w1):
        wid = lax.axis_index("subcore") * NUM_CORES + lax.axis_index("core")
        pltpu.sync_copy(ids_hbm.at[pl.ds(wid * rows_w, rows_w)], ids_v)
        pltpu.sync_copy(table_hbm, tab_v)

        lanes = lax.iota(jnp.int32, 16)
        bufs = (buf0, buf1)
        wsem = (w0, w1)

        @pl.loop(0, rows_w, step=2)
        def _(g):
            for b in range(2):
                i = g + b
                buf = bufs[b]

                @pl.when(i >= 2)
                def _():
                    pltpu.make_async_copy(
                        buf, out_hbm.at[pl.ds(0, t)], wsem[b]
                    ).wait()

                @pl.loop(0, t, step=4)
                def _(r, _buf=buf, _i=i):
                    ci = jnp.full((16,), _i, jnp.int32)
                    offs = []
                    for u in range(4):
                        tid = plsc.load_gather(
                            ids_v, [ci, jnp.full((16,), r + u, jnp.int32)]
                        )
                        offs.append(tid * d + lanes)
                    for c in range(0, d, 16):
                        vals = [
                            plsc.load_gather(tab_v, [offs[u] + c])
                            for u in range(4)
                        ]
                        for u in range(4):
                            _buf[r + u, pl.ds(c, 16)] = vals[u]

                pltpu.async_copy(
                    buf,
                    out_hbm.at[pl.ds((wid * rows_w + i) * t, t)],
                    wsem[b],
                )

        for b in range(2):
            pltpu.make_async_copy(
                bufs[b], out_hbm.at[pl.ds(0, t)], wsem[b]
            ).wait()

    return k(comb_flat, token_ids)


def kernel(token_ids, coords, special_table, type_table, W, b):
    bsz, t = token_ids.shape
    d = special_table.shape[1]

    b2d = b.reshape(1, d)
    comb = _combined_table(special_table, type_table)
    special_flat = _sc_special(
        comb.reshape(3 * d), token_ids.astype(jnp.int32), d
    )
    coord_out = _coord_linear(
        coords[:, :, 0], coords[:, :, 1], W, b2d, type_table
    )
    return special_flat.reshape(bsz, t, d), coord_out

# --- scband reference (transcript-rebuilt; emitter-appended) ---
"""Pipeline reference for scband-sequence-embedding-55619826483542 (READ-ONLY COPY).

The authoritative reference and input builder live on the scoring server;
editing this copy changes nothing except your own understanding.
"""

import jax, jax.numpy as jnp
import numpy as np


def setup_inputs(seed: int = 0) -> dict:
    key = jax.random.key(seed)
    k1, k2, k3, k4, k5, k6 = jax.random.split(key, 6)
    B, T, D = 1024, 200, 256
    token_ids = jax.random.randint(k1, (B, T), 0, 3)
    coords = jax.random.uniform(k2, (B, T, 2), dtype=jnp.float32)
    special_table = jax.random.normal(k3, (3, D), dtype=jnp.float32) * 0.02
    type_table = jax.random.normal(k4, (2, D), dtype=jnp.float32) * 0.02
    W = jax.random.normal(k5, (2, D), dtype=jnp.float32) * 0.02
    b = jax.random.normal(k6, (D,), dtype=jnp.float32) * 0.02
    return {
        "token_ids": token_ids,
        "coords": coords,
        "special_table": special_table,
        "type_table": type_table,
        "W": W,
        "b": b,
    }


def reference(token_ids, coords, special_table, type_table, W, b):
    # embed_special_token: special_token_embed(token_ids) + token_type_embed(zeros)
    tok_embeds = jnp.take(special_table, token_ids, axis=0)
    tok_type = jnp.take(type_table, jnp.zeros_like(token_ids), axis=0)
    special_out = tok_embeds + tok_type

    # embed_coordinates: Linear(2->D)(coords) + token_type_embed(ones)
    coord_embeds = coords @ W + b
    coord_type = jnp.take(type_table, jnp.ones_like(token_ids), axis=0)
    coord_out = coord_embeds + coord_type

    return special_out, coord_out

if __name__ == "__main__":
    import jax
    _d = setup_inputs()
    print(jax.jit(kernel)(*tuple(_d.values())))

</pallas_src>

<mosaic_0001>
#map = affine_map<(d0, d1) -> (0)>
#map1 = affine_map<(d0, d1) -> (0, 0)>
module attributes {stable_mosaic.version = 14 : i64} {
  func.func @k(%arg0: i32, %arg1: i32, %arg2: memref<768xf32, #tpu.memory_space<hbm>>, %arg3: memref<1024x200xi32, #tpu.memory_space<hbm>>, %arg4: memref<204800x256xf32, #tpu.memory_space<hbm>>, %arg5: memref<32x200xi32, #tpu.memory_space<vmem>>, %arg6: memref<200x256xf32, #tpu.memory_space<vmem>>, %arg7: memref<200x256xf32, #tpu.memory_space<vmem>>, %arg8: memref<768xf32, #tpu.memory_space<vmem>>, %arg9: memref<!tpu.dma_semaphore, #tpu.memory_space<semaphore_mem>>, %arg10: memref<!tpu.dma_semaphore, #tpu.memory_space<semaphore_mem>>) attributes {dimension_semantics = [#tpu.dimension_semantics<core_parallel>, #tpu.dimension_semantics<subcore_parallel>], iteration_bounds = array<i64: 2, 16>, scalar_prefetch = 0 : i64, scratch_operands = 6 : i64, tpu.core_type = #tpu.core_type<sc_vector_subcore>, window_params = [{transform_indices = #map}, {transform_indices = #map1}, {transform_indices = #map1}]} {
    %mul3A = arith.constant 2 : i32
    %mul3A_0 = arith.muli %arg1, %mul3A : i32
    %add3A = arith.addi %mul3A_0, %arg0 : i32
    %mul3A_1 = arith.constant 32 : i32
    %mul3A_2 = arith.muli %add3A, %mul3A_1 : i32
    "tpu.region"() ({
      %run_scoped3A = tpu.sem_alloc : memref<!tpu.dma_semaphore, #tpu.memory_space<semaphore_mem>>
      %dma_start3A = arith.constant 0 : i32
      %dma_start3A_18 = tpu.memref_slice %arg3[%mul3A_2, %dma_start3A] : memref<1024x200xi32, #tpu.memory_space<hbm>> -> memref<32x200xi32, #tpu.memory_space<hbm>>
      %dma_start3A_19 = arith.constant 0 : i32
      %dma_start3A_20 = tpu.memref_slice %arg3[%mul3A_2, %dma_start3A_19] : memref<1024x200xi32, #tpu.memory_space<hbm>> -> memref<32x200xi32, #tpu.memory_space<hbm>>
      tpu.enqueue_dma source(%dma_start3A_20 : memref<32x200xi32, #tpu.memory_space<hbm>>) target(%arg5 : memref<32x200xi32, #tpu.memory_space<vmem>>) target_semaphore(%run_scoped3A : memref<!tpu.dma_semaphore, #tpu.memory_space<semaphore_mem>>)
      %dma_wait3A_21 = arith.constant 0 : i32
      %dma_wait3A_22 = tpu.memref_slice %arg3[%mul3A_2, %dma_wait3A_21] : memref<1024x200xi32, #tpu.memory_space<hbm>> -> memref<32x200xi32, #tpu.memory_space<hbm>>
      %dma_wait3A_23 = arith.constant 0 : i32
      %dma_wait3A_24 = tpu.memref_slice %arg3[%mul3A_2, %dma_wait3A_23] : memref<1024x200xi32, #tpu.memory_space<hbm>> -> memref<32x200xi32, #tpu.memory_space<hbm>>
      tpu.wait_dma2 semaphore(%run_scoped3A : memref<!tpu.dma_semaphore, #tpu.memory_space<semaphore_mem>>) src(%dma_wait3A_24 : memref<32x200xi32, #tpu.memory_space<hbm>>) dst(%arg5 : memref<32x200xi32, #tpu.memory_space<vmem>>)
      tpu.yield
    }) : () -> ()
    "tpu.region"() ({
      %run_scoped3A = tpu.sem_alloc : memref<!tpu.dma_semaphore, #tpu.memory_space<semaphore_mem>>
      tpu.enqueue_dma source(%arg2 : memref<768xf32, #tpu.memory_space<hbm>>) target(%arg8 : memref<768xf32, #tpu.memory_space<vmem>>) target_semaphore(%run_scoped3A : memref<!tpu.dma_semaphore, #tpu.memory_space<semaphore_mem>>)
      tpu.wait_dma2 semaphore(%run_scoped3A : memref<!tpu.dma_semaphore, #tpu.memory_space<semaphore_mem>>) src(%arg2 : memref<768xf32, #tpu.memory_space<hbm>>) dst(%arg8 : memref<768xf32, #tpu.memory_space<vmem>>)
      tpu.yield
    }) : () -> ()
    %iota3A = tpu.iota {dimensions = array<i32: 0>} : vector<16xi32>
    %scan3A = arith.constant 0 : i32
    %scan3A_3 = arith.constant 16 : i32
    %scan3A_4 = arith.addi %scan3A, %scan3A_3 : i32
    %scan3A_5 = arith.constant 1 : i32
    scf.for %scan3A_18 = %scan3A to %scan3A_4 step %scan3A_5  : i32 {
      %mul3A_19 = arith.constant 2 : i32
      %mul3A_20 = arith.muli %scan3A_18, %mul3A_19 : i32
      %add3A_21 = arith.constant 0 : i32
      %add3A_22 = arith.addi %add3A_21, %mul3A_20 : i32
      %add3A_23 = arith.constant 0 : i32
      %add3A_24 = arith.addi %add3A_22, %add3A_23 : i32
      %ge3A = arith.constant 2 : i32
      %ge3A_25 = arith.cmpi sge, %add3A_24, %ge3A : i32
      %convert_element_type3A = arith.extui %ge3A_25 : i1 to i32
      %cond3A = arith.constant 0 : i32
      %cond3A_26 = arith.cmpi ne, %convert_element_type3A, %cond3A : i32
      scf.if %cond3A_26 {
        %dma_wait3A_61 = arith.constant 0 : i32
        %dma_wait3A_62 = arith.constant 0 : i32
        %dma_wait3A_63 = tpu.memref_slice %arg4[%dma_wait3A_61, %dma_wait3A_62] : memref<204800x256xf32, #tpu.memory_space<hbm>> -> memref<200x256xf32, #tpu.memory_space<hbm>>
        %dma_wait3A_64 = arith.constant 0 : i32
        %dma_wait3A_65 = arith.constant 0 : i32
        %dma_wait3A_66 = tpu.memref_slice %arg4[%dma_wait3A_64, %dma_wait3A_65] : memref<204800x256xf32, #tpu.memory_space<hbm>> -> memref<200x256xf32, #tpu.memory_space<hbm>>
        tpu.wait_dma2 semaphore(%arg9 : memref<!tpu.dma_semaphore, #tpu.memory_space<semaphore_mem>>) src(%arg6 : memref<200x256xf32, #tpu.memory_space<vmem>>) dst(%dma_wait3A_66 : memref<200x256xf32, #tpu.memory_space<hbm>>)
      } else {
      }
      %scan3A_27 = arith.constant 0 : i32
      %scan3A_28 = arith.constant 50 : i32
      %scan3A_29 = arith.addi %scan3A_27, %scan3A_28 : i32
      %scan3A_30 = arith.constant 1 : i32
      scf.for %scan3A_61 = %scan3A_27 to %scan3A_29 step %scan3A_30  : i32 {
        %mul3A_62 = arith.constant 4 : i32
        %mul3A_63 = arith.muli %scan3A_61, %mul3A_62 : i32
        %add3A_64 = arith.constant 0 : i32
        %add3A_65 = arith.addi %add3A_64, %mul3A_63 : i32
        %broadcast_in_dim3A = vector.broadcast %add3A_24 : i32 to vector<16xi32>
        %add3A_66 = arith.constant 0 : i32
        %add3A_67 = arith.addi %add3A_65, %add3A_66 : i32
        %broadcast_in_dim3A_68 = vector.broadcast %add3A_67 : i32 to vector<16xi32>
        %gather3A = tpu.vector_load_idx %arg5[%broadcast_in_dim3A, %broadcast_in_dim3A_68] : memref<32x200xi32, #tpu.memory_space<vmem>>[vector<16xi32>, vector<16xi32>], vector<16xi32>,
        %mul3A_69 = arith.constant 256 : i32
        %mul3A_70 = vector.broadcast %mul3A_69 : i32 to vector<16xi32>
        %mul3A_71 = arith.muli %gather3A, %mul3A_70 : vector<16xi32>
        %add3A_72 = arith.addi %mul3A_71, %iota3A : vector<16xi32>
        %add3A_73 = arith.constant 1 : i32
        %add3A_74 = arith.addi %add3A_65, %add3A_73 : i32
        %broadcast_in_dim3A_75 = vector.broadcast %add3A_74 : i32 to vector<16xi32>
        %gather3A_76 = tpu.vector_load_idx %arg5[%broadcast_in_dim3A, %broadcast_in_dim3A_75] : memref<32x200xi32, #tpu.memory_space<vmem>>[vector<16xi32>, vector<16xi32>], vector<16xi32>,
        %mul3A_77 = arith.constant 256 : i32
        %mul3A_78 = vector.broadcast %mul3A_77 : i32 to vector<16xi32>
        %mul3A_79 = arith.muli %gather3A_76, %mul3A_78 : vector<16xi32>
        %add3A_80 = arith.addi %mul3A_79, %iota3A : vector<16xi32>
        %add3A_81 = arith.constant 2 : i32
        %add3A_82 = arith.addi %add3A_65, %add3A_81 : i32
        %broadcast_in_dim3A_83 = vector.broadcast %add3A_82 : i32 to vector<16xi32>
        %gather3A_84 = tpu.vector_load_idx %arg5[%broadcast_in_dim3A, %broadcast_in_dim3A_83] : memref<32x200xi32, #tpu.memory_space<vmem>>[vector<16xi32>, vector<16xi32>], vector<16xi32>,
        %mul3A_85 = arith.constant 256 : i32
        %mul3A_86 = vector.broadcast %mul3A_85 : i32 to vector<16xi32>
        %mul3A_87 = arith.muli %gather3A_84, %mul3A_86 : vector<16xi32>
        %add3A_88 = arith.addi %mul3A_87, %iota3A : vector<16xi32>
        %add3A_89 = arith.constant 3 : i32
        %add3A_90 = arith.addi %add3A_65, %add3A_89 : i32
        %broadcast_in_dim3A_91 = vector.broadcast %add3A_90 : i32 to vector<16xi32>
        %gather3A_92 = tpu.vector_load_idx %arg5[%broadcast_in_dim3A, %broadcast_in_dim3A_91] : memref<32x200xi32, #tpu.memory_space<vmem>>[vector<16xi32>, vector<16xi32>], vector<16xi32>,
        %mul3A_93 = arith.constant 256 : i32
        %mul3A_94 = vector.broadcast %mul3A_93 : i32 to vector<16xi32>
        %mul3A_95 = arith.muli %gather3A_92, %mul3A_94 : vector<16xi32>
        %add3A_96 = arith.addi %mul3A_95, %iota3A : vector<16xi32>
        %add3A_97 = arith.constant 0 : i32
        %add3A_98 = vector.broadcast %add3A_97 : i32 to vector<16xi32>
        %add3A_99 = arith.addi %add3A_72, %add3A_98 : vector<16xi32>
        %gather3A_100 = tpu.vector_load_idx %arg8[%add3A_99] : memref<768xf32, #tpu.memory_space<vmem>>[vector<16xi32>], vector<16xf32>,
        %add3A_101 = arith.constant 0 : i32
        %add3A_102 = vector.broadcast %add3A_101 : i32 to vector<16xi32>
        %add3A_103 = arith.addi %add3A_80, %add3A_102 : vector<16xi32>
        %gather3A_104 = tpu.vector_load_idx %arg8[%add3A_103] : memref<768xf32, #tpu.memory_space<vmem>>[vector<16xi32>], vector<16xf32>,
        %add3A_105 = arith.constant 0 : i32
        %add3A_106 = vector.broadcast %add3A_105 : i32 to vector<16xi32>
        %add3A_107 = arith.addi %add3A_88, %add3A_106 : vector<16xi32>
        %gather3A_108 = tpu.vector_load_idx %arg8[%add3A_107] : memref<768xf32, #tpu.memory_space<vmem>>[vector<16xi32>], vector<16xf32>,
        %add3A_109 = arith.constant 0 : i32
        %add3A_110 = vector.broadcast %add3A_109 : i32 to vector<16xi32>
        %add3A_111 = arith.addi %add3A_96, %add3A_110 : vector<16xi32>
        %gather3A_112 = tpu.vector_load_idx %arg8[%add3A_111] : memref<768xf32, #tpu.memory_space<vmem>>[vector<16xi32>], vector<16xf32>,
        %add3A_113 = arith.constant 0 : i32
        %add3A_114 = arith.addi %add3A_65, %add3A_113 : i32
        %swap3A = arith.index_cast %add3A_114 : i32 to index
        %swap3A_115 = arith.constant 0 : index
        %swap3A_116 = tpu.vector_load %arg6[%swap3A, %swap3A_115] {strides = array<i32>} : memref<200x256xf32, #tpu.memory_space<vmem>>, vector<16xf32>,
        tpu.vector_store %arg6[%swap3A, %swap3A_115], %gather3A_100 {strides = array<i32>} : memref<200x256xf32, #tpu.memory_space<vmem>>, vector<16xf32>,
        %add3A_117 = arith.constant 1 : i32
        %add3A_118 = arith.addi %add3A_65, %add3A_117 : i32
        %swap3A_119 = arith.index_cast %add3A_118 : i32 to index
        %swap3A_120 = arith.constant 0 : index
        %swap3A_121 = tpu.vector_load %arg6[%swap3A_119, %swap3A_120] {strides = array<i32>} : memref<200x256xf32, #tpu.memory_space<vmem>>, vector<16xf32>,
        tpu.vector_store %arg6[%swap3A_119, %swap3A_120], %gather3A_104 {strides = array<i32>} : memref<200x256xf32, #tpu.memory_space<vmem>>, vector<16xf32>,
        %add3A_122 = arith.constant 2 : i32
        %add3A_123 = arith.addi %add3A_65, %add3A_122 : i32
        %swap3A_124 = arith.index_cast %add3A_123 : i32 to index
        %swap3A_125 = arith.constant 0 : index
        %swap3A_126 = tpu.vector_load %arg6[%swap3A_124, %swap3A_125] {strides = array<i32>} : memref<200x256xf32, #tpu.memory_space<vmem>>, vector<16xf32>,
        tpu.vector_store %arg6[%swap3A_124, %swap3A_125], %gather3A_108 {strides = array<i32>} : memref<200x256xf32, #tpu.memory_space<vmem>>, vector<16xf32>,
        %add3A_127 = arith.constant 3 : i32
        %add3A_128 = arith.addi %add3A_65, %add3A_127 : i32
        %swap3A_129 = arith.index_cast %add3A_128 : i32 to index
        %swap3A_130 = arith.constant 0 : index
        %swap3A_131 = tpu.vector_load %arg6[%swap3A_129, %swap3A_130] {strides = array<i32>} : memref<200x256xf32, #tpu.memory_space<vmem>>, vector<16xf32>,
        tpu.vector_store %arg6[%swap3A_129, %swap3A_130], %gather3A_112 {strides = array<i32>} : memref<200x256xf32, #tpu.memory_space<vmem>>, vector<16xf32>,
        %add3A_132 = arith.constant 16 : i32
        %add3A_133 = vector.broadcast %add3A_132 : i32 to vector<16xi32>
        %add3A_134 = arith.addi %add3A_72, %add3A_133 : vector<16xi32>
        %gather3A_135 = tpu.vector_load_idx %arg8[%add3A_134] : memref<768xf32, #tpu.memory_space<vmem>>[vector<16xi32>], vector<16xf32>,
        %add3A_136 = arith.constant 16 : i32
        %add3A_137 = vector.broadcast %add3A_136 : i32 to vector<16xi32>
        %add3A_138 = arith.addi %add3A_80, %add3A_137 : vector<16xi32>
        %gather3A_139 = tpu.vector_load_idx %arg8[%add3A_138] : memref<768xf32, #tpu.memory_space<vmem>>[vector<16xi32>], vector<16xf32>,
        %add3A_140 = arith.constant 16 : i32
        %add3A_141 = vector.broadcast %add3A_140 : i32 to vector<16xi32>
        %add3A_142 = arith.addi %add3A_88, %add3A_141 : vector<16xi32>
        %gather3A_143 = tpu.vector_load_idx %arg8[%add3A_142] : memref<768xf32, #tpu.memory_space<vmem>>[vector<16xi32>], vector<16xf32>,
        %add3A_144 = arith.constant 16 : i32
        %add3A_145 = vector.broadcast %add3A_144 : i32 to vector<16xi32>
        %add3A_146 = arith.addi %add3A_96, %add3A_145 : vector<16xi32>
        %gather3A_147 = tpu.vector_load_idx %arg8[%add3A_146] : memref<768xf32, #tpu.memory_space<vmem>>[vector<16xi32>], vector<16xf32>,
        %add3A_148 = arith.constant 0 : i32
        %add3A_149 = arith.addi %add3A_65, %add3A_148 : i32
        %swap3A_150 = arith.index_cast %add3A_149 : i32 to index
        %swap3A_151 = arith.constant 16 : index
        %swap3A_152 = tpu.vector_load %arg6[%swap3A_150, %swap3A_151] {strides = array<i32>} : memref<200x256xf32, #tpu.memory_space<vmem>>, vector<16xf32>,
        tpu.vector_store %arg6[%swap3A_150, %swap3A_151], %gather3A_135 {strides = array<i32>} : memref<200x256xf32, #tpu.memory_space<vmem>>, vector<16xf32>,
        %add3A_153 = arith.constant 1 : i32
        %add3A_154 = arith.addi %add3A_65, %add3A_153 : i32
        %swap3A_155 = arith.index_cast %add3A_154 : i32 to index
        %swap3A_156 = arith.constant 16 : index
        %swap3A_157 = tpu.vector_load %arg6[%swap3A_155, %swap3A_156] {strides = array<i32>} : memref<200x256xf32, #tpu.memory_space<vmem>>, vector<16xf32>,
        tpu.vector_store %arg6[%swap3A_155, %swap3A_156], %gather3A_139 {strides = array<i32>} : memref<200x256xf32, #tpu.memory_space<vmem>>, vector<16xf32>,
        %add3A_158 = arith.constant 2 : i32
        %add3A_159 = arith.addi %add3A_65, %add3A_158 : i32
        %swap3A_160 = arith.index_cast %add3A_159 : i32 to index
        %swap3A_161 = arith.constant 16 : index
        %swap3A_162 = tpu.vector_load %arg6[%swap3A_160, %swap3A_161] {strides = array<i32>} : memref<200x256xf32, #tpu.memory_space<vmem>>, vector<16xf32>,
        tpu.vector_store %arg6[%swap3A_160, %swap3A_161], %gather3A_143 {strides = array<i32>} : memref<200x256xf32, #tpu.memory_space<vmem>>, vector<16xf32>,
        %add3A_163 = arith.constant 3 : i32
        %add3A_164 = arith.addi %add3A_65, %add3A_163 : i32
        %swap3A_165 = arith.index_cast %add3A_164 : i32 to index
        %swap3A_166 = arith.constant 16 : index
        %swap3A_167 = tpu.vector_load %arg6[%swap3A_165, %swap3A_166] {strides = array<i32>} : memref<200x256xf32, #tpu.memory_space<vmem>>, vector<16xf32>,
        tpu.vector_store %arg6[%swap3A_165, %swap3A_166], %gather3A_147 {strides = array<i32>} : memref<200x256xf32, #tpu.memory_space<vmem>>, vector<16xf32>,
        %add3A_168 = arith.constant 32 : i32
        %add3A_169 = vector.broadcast %add3A_168 : i32 to vector<16xi32>
        %add3A_170 = arith.addi %add3A_72, %add3A_169 : vector<16xi32>
        %gather3A_171 = tpu.vector_load_idx %arg8[%add3A_170] : memref<768xf32, #tpu.memory_space<vmem>>[vector<16xi32>], vector<16xf32>,
        %add3A_172 = arith.constant 32 : i32
        %add3A_173 = vector.broadcast %add3A_172 : i32 to vector<16xi32>
        %add3A_174 = arith.addi %add3A_80, %add3A_173 : vector<16xi32>
        %gather3A_175 = tpu.vector_load_idx %arg8[%add3A_174] : memref<768xf32, #tpu.memory_space<vmem>>[vector<16xi32>], vector<16xf32>,
        %add3A_176 = arith.constant 32 : i32
        %add3A_177 = vector.broadcast %add3A_176 : i32 to vector<16xi32>
        %add3A_178 = arith.addi %add3A_88, %add3A_177 : vector<16xi32>
        %gather3A_179 = tpu.vector_load_idx %arg8[%add3A_178] : memref<768xf32, #tpu.memory_space<vmem>>[vector<16xi32>], vector<16xf32>,
        %add3A_180 = arith.constant 32 : i32
        %add3A_181 = vector.broadcast %add3A_180 : i32 to vector<16xi32>
        %add3A_182 = arith.addi %add3A_96, %add3A_181 : vector<16xi32>
        %gather3A_183 = tpu.vector_load_idx %arg8[%add3A_182] : memref<768xf32, #tpu.memory_space<vmem>>[vector<16xi32>], vector<16xf32>,
        %add3A_184 = arith.constant 0 : i32
        %add3A_185 = arith.addi %add3A_65, %add3A_184 : i32
        %swap3A_186 = arith.index_cast %add3A_185 : i32 to index
        %swap3A_187 = arith.constant 32 : index
        %swap3A_188 = tpu.vector_load %arg6[%swap3A_186, %swap3A_187] {strides = array<i32>} : memref<200x256xf32, #tpu.memory_space<vmem>>, vector<16xf32>,
        tpu.vector_store %arg6[%swap3A_186, %swap3A_187], %gather3A_171 {strides = array<i32>} : memref<200x256xf32, #tpu.memory_space<vmem>>, vector<16xf32>,
        %add3A_189 = arith.constant 1 : i32
        %add3A_190 = arith.addi %add3A_65, %add3A_189 : i32
        %swap3A_191 = arith.index_cast %add3A_190 : i32 to index
        %swap3A_192 = arith.constant 32 : index
        %swap3A_193 = tpu.vector_load %arg6[%swap3A_191, %swap3A_192] {strides = array<i32>} : memref<200x256xf32, #tpu.memory_space<vmem>>, vector<16xf32>,
        tpu.vector_store %arg6[%swap3A_191, %swap3A_192], %gather3A_175 {strides = array<i32>} : memref<200x256xf32, #tpu.memory_space<vmem>>, vector<16xf32>,
        %add3A_194 = arith.constant 2 : i32
        %add3A_195 = arith.addi %add3A_65, %add3A_194 : i32
        %swap3A_196 = arith.index_cast %add3A_195 : i32 to index
        %swap3A_197 = arith.constant 32 : index
        %swap3A_198 = tpu.vector_load %arg6[%swap3A_196, %swap3A_197] {strides = array<i32>} : memref<200x256xf32, #tpu.memory_space<vmem>>, vector<16xf32>,
        tpu.vector_store %arg6[%swap3A_196, %swap3A_197], %gather3A_179 {strides = array<i32>} : memref<200x256xf32, #tpu.memory_space<vmem>>, vector<16xf32>,
        %add3A_199 = arith.constant 3 : i32
        %add3A_200 = arith.addi %add3A_65, %add3A_199 : i32
        %swap3A_201 = arith.index_cast %add3A_200 : i32 to index
        %swap3A_202 = arith.constant 32 : index
        %swap3A_203 = tpu.vector_load %arg6[%swap3A_201, %swap3A_202] {strides = array<i32>} : memref<200x256xf32, #tpu.memory_space<vmem>>, vector<16xf32>,
        tpu.vector_store %arg6[%swap3A_201, %swap3A_202], %gather3A_183 {strides = array<i32>} : memref<200x256xf32, #tpu.memory_space<vmem>>, vector<16xf32>,
        %add3A_204 = arith.constant 48 : i32
        %add3A_205 = vector.broadcast %add3A_204 : i32 to vector<16xi32>
        %add3A_206 = arith.addi %add3A_72, %add3A_205 : vector<16xi32>
        %gather3A_207 = tpu.vector_load_idx %arg8[%add3A_206] : memref<768xf32, #tpu.memory_space<vmem>>[vector<16xi32>], vector<16xf32>,
        %add3A_208 = arith.constant 48 : i32
        %add3A_209 = vector.broadcast %add3A_208 : i32 to vector<16xi32>
        %add3A_210 = arith.addi %add3A_80, %add3A_209 : vector<16xi32>
        %gather3A_211 = tpu.vector_load_idx %arg8[%add3A_210] : memref<768xf32, #tpu.memory_space<vmem>>[vector<16xi32>], vector<16xf32>,
        %add3A_212 = arith.constant 48 : i32
        %add3A_213 = vector.broadcast %add3A_212 : i32 to vector<16xi32>
        %add3A_214 = arith.addi %add3A_88, %add3A_213 : vector<16xi32>
        %gather3A_215 = tpu.vector_load_idx %arg8[%add3A_214] : memref<768xf32, #tpu.memory_space<vmem>>[vector<16xi32>], vector<16xf32>,
        %add3A_216 = arith.constant 48 : i32
        %add3A_217 = vector.broadcast %add3A_216 : i32 to vector<16xi32>
        %add3A_218 = arith.addi %add3A_96, %add3A_217 : vector<16xi32>
        %gather3A_219 = tpu.vector_load_idx %arg8[%add3A_218] : memref<768xf32, #tpu.memory_space<vmem>>[vector<16xi32>], vector<16xf32>,
        %add3A_220 = arith.constant 0 : i32
        %add3A_221 = arith.addi %add3A_65, %add3A_220 : i32
        %swap3A_222 = arith.index_cast %add3A_221 : i32 to index
        %swap3A_223 = arith.constant 48 : index
        %swap3A_224 = tpu.vector_load %arg6[%swap3A_222, %swap3A_223] {strides = array<i32>} : memref<200x256xf32, #tpu.memory_space<vmem>>, vector<16xf32>,
        tpu.vector_store %arg6[%swap3A_222, %swap3A_223], %gather3A_207 {strides = array<i32>} : memref<200x256xf32, #tpu.memory_space<vmem>>, vector<16xf32>,
        %add3A_225 = arith.constant 1 : i32
        %add3A_226 = arith.addi %add3A_65, %add3A_225 : i32
        %swap3A_227 = arith.index_cast %add3A_226 : i32 to index
        %swap3A_228 = arith.constant 48 : index
        %swap3A_229 = tpu.vector_load %arg6[%swap3A_227, %swap3A_228] {strides = array<i32>} : memref<200x256xf32, #tpu.memory_space<vmem>>, vector<16xf32>,
        tpu.vector_store %arg6[%swap3A_227, %swap3A_228], %gather3A_211 {strides = array<i32>} : memref<200x256xf32, #tpu.memory_space<vmem>>, vector<16xf32>,
        %add3A_230 = arith.constant 2 : i32
        %add3A_231 = arith.addi %add3A_65, %add3A_230 : i32
        %swap3A_232 = arith.index_cast %add3A_231 : i32 to index
        %swap3A_233 = arith.constant 48 : index
        %swap3A_234 = tpu.vector_load %arg6[%swap3A_232, %swap3A_233] {strides = array<i32>} : memref<200x256xf32, #tpu.memory_space<vmem>>, vector<16xf32>,
        tpu.vector_store %arg6[%swap3A_232, %swap3A_233], %gather3A_215 {strides = array<i32>} : memref<200x256xf32, #tpu.memory_space<vmem>>, vector<16xf32>,
        %add3A_235 = arith.constant 3 : i32
        %add3A_236 = arith.addi %add3A_65, %add3A_235 : i32
        %swap3A_237 = arith.index_cast %add3A_236 : i32 to index
        %swap3A_238 = arith.constant 48 : index
        %swap3A_239 = tpu.vector_load %arg6[%swap3A_237, %swap3A_238] {strides = array<i32>} : memref<200x256xf32, #tpu.memory_space<vmem>>, vector<16xf32>,
        tpu.vector_store %arg6[%swap3A_237, %swap3A_238], %gather3A_219 {strides = array<i32>} : memref<200x256xf32, #tpu.memory_space<vmem>>, vector<16xf32>,
        %add3A_240 = arith.constant 64 : i32
        %add3A_241 = vector.broadcast %add3A_240 : i32 to vector<16xi32>
        %add3A_242 = arith.addi %add3A_72, %add3A_241 : vector<16xi32>
        %gather3A_243 = tpu.vector_load_idx %arg8[%add3A_242] : memref<768xf32, #tpu.memory_space<vmem>>[vector<16xi32>], vector<16xf32>,
        %add3A_244 = arith.constant 64 : i32
        %add3A_245 = vector.broadcast %add3A_244 : i32 to vector<16xi32>
        %add3A_246 = arith.addi %add3A_80, %add3A_245 : vector<16xi32>
        %gather3A_247 = tpu.vector_load_idx %arg8[%add3A_246] : memref<768xf32, #tpu.memory_space<vmem>>[vector<16xi32>], vector<16xf32>,
        %add3A_248 = arith.constant 64 : i32
        %add3A_249 = vector.broadcast %add3A_248 : i32 to vector<16xi32>
        %add3A_250 = arith.addi %add3A_88, %add3A_249 : vector<16xi32>
        %gather3A_251 = tpu.vector_load_idx %arg8[%add3A_250] : memref<768xf32, #tpu.memory_space<vmem>>[vector<16xi32>], vector<16xf32>,
        %add3A_252 = arith.constant 64 : i32
        %add3A_253 = vector.broadcast %add3A_252 : i32 to vector<16xi32>
        %add3A_254 = arith.addi %add3A_96, %add3A_253 : vector<16xi32>
        %gather3A_255 = tpu.vector_load_idx %arg8[%add3A_254] : memref<768xf32, #tpu.memory_space<vmem>>[vector<16xi32>], vector<16xf32>,
        %add3A_256 = arith.constant 0 : i32
        %add3A_257 = arith.addi %add3A_65, %add3A_256 : i32
        %swap3A_258 = arith.index_cast %add3A_257 : i32 to index
        %swap3A_259 = arith.constant 64 : index
        %swap3A_260 = tpu.vector_load %arg6[%swap3A_258, %swap3A_259] {strides = array<i32>} : memref<200x256xf32, #tpu.memory_space<vmem>>, vector<16xf32>,
        tpu.vector_store %arg6[%swap3A_258, %swap3A_259], %gather3A_243 {strides = array<i32>} : memref<200x256xf32, #tpu.memory_space<vmem>>, vector<16xf32>,
        %add3A_261 = arith.constant 1 : i32
        %add3A_262 = arith.addi %add3A_65, %add3A_261 : i32
        %swap3A_263 = arith.index_cast %add3A_262 : i32 to index
        %swap3A_264 = arith.constant 64 : index
        %swap3A_265 = tpu.vector_load %arg6[%swap3A_263, %swap3A_264] {strides = array<i32>} : memref<200x256xf32, #tpu.memory_space<vmem>>, vector<16xf32>,
        tpu.vector_store %arg6[%swap3A_263, %swap3A_264], %gather3A_247 {strides = array<i32>} : memref<200x256xf32, #tpu.memory_space<vmem>>, vector<16xf32>,
        %add3A_266 = arith.constant 2 : i32
        %add3A_267 = arith.addi %add3A_65, %add3A_266 : i32
        %swap3A_268 = arith.index_cast %add3A_267 : i32 to index
        %swap3A_269 = arith.constant 64 : index
        %swap3A_270 = tpu.vector_load %arg6[%swap3A_268, %swap3A_269] {strides = array<i32>} : memref<200x256xf32, #tpu.memory_space<vmem>>, vector<16xf32>,
        tpu.vector_store %arg6[%swap3A_268, %swap3A_269], %gather3A_251 {strides = array<i32>} : memref<200x256xf32, #tpu.memory_space<vmem>>, vector<16xf32>,
        %add3A_271 = arith.constant 3 : i32
        %add3A_272 = arith.addi %add3A_65, %add3A_271 : i32
        %swap3A_273 = arith.index_cast %add3A_272 : i32 to index
        %swap3A_274 = arith.constant 64 : index
        %swap3A_275 = tpu.vector_load %arg6[%swap3A_273, %swap3A_274] {strides = array<i32>} : memref<200x256xf32, #tpu.memory_space<vmem>>, vector<16xf32>,
        tpu.vector_store %arg6[%swap3A_273, %swap3A_274], %gather3A_255 {strides = array<i32>} : memref<200x256xf32, #tpu.memory_space<vmem>>, vector<16xf32>,
        %add3A_276 = arith.constant 80 : i32
        %add3A_277 = vector.broadcast %add3A_276 : i32 to vector<16xi32>
        %add3A_278 = arith.addi %add3A_72, %add3A_277 : vector<16xi32>
        %gather3A_279 = tpu.vector_load_idx %arg8[%add3A_278] : memref<768xf32, #tpu.memory_space<vmem>>[vector<16xi32>], vector<16xf32>,
        %add3A_280 = arith.constant 80 : i32
        %add3A_281 = vector.broadcast %add3A_280 : i32 to vector<16xi32>
        %add3A_282 = arith.addi %add3A_80, %add3A_281 : vector<16xi32>
        %gather3A_283 = tpu.vector_load_idx %arg8[%add3A_282] : memref<768xf32, #tpu.memory_space<vmem>>[vector<16xi32>], vector<16xf32>,
        %add3A_284 = arith.constant 80 : i32
        %add3A_285 = vector.broadcast %add3A_284 : i32 to vector<16xi32>
        %add3A_286 = arith.addi %add3A_88, %add3A_285 : vector<16xi32>
        %gather3A_287 = tpu.vector_load_idx %arg8[%add3A_286] : memref<768xf32, #tpu.memory_space<vmem>>[vector<16xi32>], vector<16xf32>,
        %add3A_288 = arith.constant 80 : i32
        %add3A_289 = vector.broadcast %add3A_288 : i32 to vector<16xi32>
        %add3A_290 = arith.addi %add3A_96, %add3A_289 : vector<16xi32>
        %gather3A_291 = tpu.vector_load_idx %arg8[%add3A_290] : memref<768xf32, #tpu.memory_space<vmem>>[vector<16xi32>], vector<16xf32>,
        %add3A_292 = arith.constant 0 : i32
        %add3A_293 = arith.addi %add3A_65, %add3A_292 : i32
        %swap3A_294 = arith.index_cast %add3A_293 : i32 to index
        %swap3A_295 = arith.constant 80 : index
        %swap3A_296 = tpu.vector_load %arg6[%swap3A_294, %swap3A_295] {strides = array<i32>} : memref<200x256xf32, #tpu.memory_space<vmem>>, vector<16xf32>,
        tpu.vector_store %arg6[%swap3A_294, %swap3A_295], %gather3A_279 {strides = array<i32>} : memref<200x256xf32, #tpu.memory_space<vmem>>, vector<16xf32>,
        %add3A_297 = arith.constant 1 : i32
        %add3A_298 = arith.addi %add3A_65, %add3A_297 : i32
        %swap3A_299 = arith.index_cast %add3A_298 : i32 to index
        %swap3A_300 = arith.constant 80 : index
        %swap3A_301 = tpu.vector_load %arg6[%swap3A_299, %swap3A_300] {strides = array<i32>} : memref<200x256xf32, #tpu.memory_space<vmem>>, vector<16xf32>,
        tpu.vector_store %arg6[%swap3A_299, %swap3A_300], %gather3A_283 {strides = array<i32>} : memref<200x256xf32, #tpu.memory_space<vmem>>, vector<16xf32>,
        %add3A_302 = arith.constant 2 : i32
        %add3A_303 = arith.addi %add3A_65, %add3A_302 : i32
        %swap3A_304 = arith.index_cast %add3A_303 : i32 to index
        %swap3A_305 = arith.constant 80 : index
        %swap3A_306 = tpu.vector_load %arg6[%swap3A_304, %swap3A_305] {strides = array<i32>} : memref<200x256xf32, #tpu.memory_space<vmem>>, vector<16xf32>,
        tpu.vector_store %arg6[%swap3A_304, %swap3A_305], %gather3A_287 {strides = array<i32>} : memref<200x256xf32, #tpu.memory_space<vmem>>, vector<16xf32>,
        %add3A_307 = arith.constant 3 : i32
        %add3A_308 = arith.addi %add3A_65, %add3A_307 : i32
        %swap3A_309 = arith.index_cast %add3A_308 : i32 to index
        %swap3A_310 = arith.constant 80 : index
        %swap3A_311 = tpu.vector_load %arg6[%swap3A_309, %swap3A_310] {strides = array<i32>} : memref<200x256xf32, #tpu.memory_space<vmem>>, vector<16xf32>,
        tpu.vector_store %arg6[%swap3A_309, %swap3A_310], %gather3A_291 {strides = array<i32>} : memref<200x256xf32, #tpu.memory_space<vmem>>, vector<16xf32>,
        %add3A_312 = arith.constant 96 : i32
        %add3A_313 = vector.broadcast %add3A_312 : i32 to vector<16xi32>
        %add3A_314 = arith.addi %add3A_72, %add3A_313 : vector<16xi32>
        %gather3A_315 = tpu.vector_load_idx %arg8[%add3A_314] : memref<768xf32, #tpu.memory_space<vmem>>[vector<16xi32>], vector<16xf32>,
        %add3A_316 = arith.constant 96 : i32
        %add3A_317 = vector.broadcast %add3A_316 : i32 to vector<16xi32>
        %add3A_318 = arith.addi %add3A_80, %add3A_317 : vector<16xi32>
        %gather3A_319 = tpu.vector_load_idx %arg8[%add3A_318] : memref<768xf32, #tpu.memory_space<vmem>>[vector<16xi32>], vector<16xf32>,
        %add3A_320 = arith.constant 96 : i32
        %add3A_321 = vector.broadcast %add3A_320 : i32 to vector<16xi32>
        %add3A_322 = arith.addi %add3A_88, %add3A_321 : vector<16xi32>
        %gather3A_323 = tpu.vector_load_idx %arg8[%add3A_322] : memref<768xf32, #tpu.memory_space<vmem>>[vector<16xi32>], vector<16xf32>,
        %add3A_324 = arith.constant 96 : i32
        %add3A_325 = vector.broadcast %add3A_324 : i32 to vector<16xi32>
        %add3A_326 = arith.addi %add3A_96, %add3A_325 : vector<16xi32>
        %gather3A_327 = tpu.vector_load_idx %arg8[%add3A_326] : memref<768xf32, #tpu.memory_space<vmem>>[vector<16xi32>], vector<16xf32>,
        %add3A_328 = arith.constant 0 : i32
        %add3A_329 = arith.addi %add3A_65, %add3A_328 : i32
        %swap3A_330 = arith.index_cast %add3A_329 : i32 to index
        %swap3A_331 = arith.constant 96 : index
        %swap3A_332 = tpu.vector_load %arg6[%swap3A_330, %swap3A_331] {strides = array<i32>} : memref<200x256xf32, #tpu.memory_space<vmem>>, vector<16xf32>,
        tpu.vector_store %arg6[%swap3A_330, %swap3A_331], %gather3A_315 {strides = array<i32>} : memref<200x256xf32, #tpu.memory_space<vmem>>, vector<16xf32>,
        %add3A_333 = arith.constant 1 : i32
        %add3A_334 = arith.addi %add3A_65, %add3A_333 : i32
        %swap3A_335 = arith.index_cast %add3A_334 : i32 to index
        %swap3A_336 = arith.constant 96 : index
        %swap3A_337 = tpu.vector_load %arg6[%swap3A_335, %swap3A_336] {strides = array<i32>} : memref<200x256xf32, #tpu.memory_space<vmem>>, vector<16xf32>,
        tpu.vector_store %arg6[%swap3A_335, %swap3A_336], %gather3A_319 {strides = array<i32>} : memref<200x256xf32, #tpu.memory_space<vmem>>, vector<16xf32>,
        %add3A_338 = arith.constant 2 : i32
        %add3A_339 = arith.addi %add3A_65, %add3A_338 : i32
        %swap3A_340 = arith.index_cast %add3A_339 : i32 to index
        %swap3A_341 = arith.constant 96 : index
        %swap3A_342 = tpu.vector_load %arg6[%swap3A_340, %swap3A_341] {strides = array<i32>} : memref<200x256xf32, #tpu.memory_space<vmem>>, vector<16xf32>,
        tpu.vector_store %arg6[%swap3A_340, %swap3A_341], %gather3A_323 {strides = array<i32>} : memref<200x256xf32, #tpu.memory_space<vmem>>, vector<16xf32>,
        %add3A_343 = arith.constant 3 : i32
        %add3A_344 = arith.addi %add3A_65, %add3A_343 : i32
        %swap3A_345 = arith.index_cast %add3A_344 : i32 to index
        %swap3A_346 = arith.constant 96 : index
        %swap3A_347 = tpu.vector_load %arg6[%swap3A_345, %swap3A_346] {strides = array<i32>} : memref<200x256xf32, #tpu.memory_space<vmem>>, vector<16xf32>,
        tpu.vector_store %arg6[%swap3A_345, %swap3A_346], %gather3A_327 {strides = array<i32>} : memref<200x256xf32, #tpu.memory_space<vmem>>, vector<16xf32>,
        %add3A_348 = arith.constant 112 : i32
        %add3A_349 = vector.broadcast %add3A_348 : i32 to vector<16xi32>
        %add3A_350 = arith.addi %add3A_72, %add3A_349 : vector<16xi32>
        %gather3A_351 = tpu.vector_load_idx %arg8[%add3A_350] : memref<768xf32, #tpu.memory_space<vmem>>[vector<16xi32>], vector<16xf32>,
        %add3A_352 = arith.constant 112 : i32
        %add3A_353 = vector.broadcast %add3A_352 : i32 to vector<16xi32>
        %add3A_354 = arith.addi %add3A_80, %add3A_353 : vector<16xi32>
        %gather3A_355 = tpu.vector_load_idx %arg8[%add3A_354] : memref<768xf32, #tpu.memory_space<vmem>>[vector<16xi32>], vector<16xf32>,
        %add3A_356 = arith.constant 112 : i32
        %add3A_357 = vector.broadcast %add3A_356 : i32 to vector<16xi32>
        %add3A_358 = arith.addi %add3A_88, %add3A_357 : vector<16xi32>
        %gather3A_359 = tpu.vector_load_idx %arg8[%add3A_358] : memref<768xf32, #tpu.memory_space<vmem>>[vector<16xi32>], vector<16xf32>,
        %add3A_360 = arith.constant 112 : i32
        %add3A_361 = vector.broadcast %add3A_360 : i32 to vector<16xi32>
        %add3A_362 = arith.addi %add3A_96, %add3A_361 : vector<16xi32>
        %gather3A_363 = tpu.vector_load_idx %arg8[%add3A_362] : memref<768xf32, #tpu.memory_space<vmem>>[vector<16xi32>], vector<16xf32>,
        %add3A_364 = arith.constant 0 : i32
        %add3A_365 = arith.addi %add3A_65, %add3A_364 : i32
        %swap3A_366 = arith.index_cast %add3A_365 : i32 to index
        %swap3A_367 = arith.constant 112 : index
        %swap3A_368 = tpu.vector_load %arg6[%swap3A_366, %swap3A_367] {strides = array<i32>} : memref<200x256xf32, #tpu.memory_space<vmem>>, vector<16xf32>,
        tpu.vector_store %arg6[%swap3A_366, %swap3A_367], %gather3A_351 {strides = array<i32>} : memref<200x256xf32, #tpu.memory_space<vmem>>, vector<16xf32>,
        %add3A_369 = arith.constant 1 : i32
        %add3A_370 = arith.addi %add3A_65, %add3A_369 : i32
        %swap3A_371 = arith.index_cast %add3A_370 : i32 to index
        %swap3A_372 = arith.constant 112 : index
        %swap3A_373 = tpu.vector_load %arg6[%swap3A_371, %swap3A_372] {strides = array<i32>} : memref<200x256xf32, #tpu.memory_space<vmem>>, vector<16xf32>,
        tpu.vector_store %arg6[%swap3A_371, %swap3A_372], %gather3A_355 {strides = array<i32>} : memref<200x256xf32, #tpu.memory_space<vmem>>, vector<16xf32>,
        %add3A_374 = arith.constant 2 : i32
        %add3A_375 = arith.addi %add3A_65, %add3A_374 : i32
        %swap3A_376 = arith.index_cast %add3A_375 : i32 to index
        %swap3A_377 = arith.constant 112 : index
        %swap3A_378 = tpu.vector_load %arg6[%swap3A_376, %swap3A_377] {strides = array<i32>} : memref<200x256xf32, #tpu.memory_space<vmem>>, vector<16xf32>,
        tpu.vector_store %arg6[%swap3A_376, %swap3A_377], %gather3A_359 {strides = array<i32>} : memref<200x256xf32, #tpu.memory_space<vmem>>, vector<16xf32>,
        %add3A_379 = arith.constant 3 : i32
        %add3A_380 = arith.addi %add3A_65, %add3A_379 : i32
        %swap3A_381 = arith.index_cast %add3A_380 : i32 to index
        %swap3A_382 = arith.constant 112 : index
        %swap3A_383 = tpu.vector_load %arg6[%swap3A_381, %swap3A_382] {strides = array<i32>} : memref<200x256xf32, #tpu.memory_space<vmem>>, vector<16xf32>,
        tpu.vector_store %arg6[%swap3A_381, %swap3A_382], %gather3A_363 {strides = array<i32>} : memref<200x256xf32, #tpu.memory_space<vmem>>, vector<16xf32>,
        %add3A_384 = arith.constant 128 : i32
        %add3A_385 = vector.broadcast %add3A_384 : i32 to vector<16xi32>
        %add3A_386 = arith.addi %add3A_72, %add3A_385 : vector<16xi32>
        %gather3A_387 = tpu.vector_load_idx %arg8[%add3A_386] : memref<768xf32, #tpu.memory_space<vmem>>[vector<16xi32>], vector<16xf32>,
        %add3A_388 = arith.constant 128 : i32
        %add3A_389 = vector.broadcast %add3A_388 : i32 to vector<16xi32>
        %add3A_390 = arith.addi %add3A_80, %add3A_389 : vector<16xi32>
        %gather3A_391 = tpu.vector_load_idx %arg8[%add3A_390] : memref<768xf32, #tpu.memory_space<vmem>>[vector<16xi32>], vector<16xf32>,
        %add3A_392 = arith.constant 128 : i32
        %add3A_393 = vector.broadcast %add3A_392 : i32 to vector<16xi32>
        %add3A_394 = arith.addi %add3A_88, %add3A_393 : vector<16xi32>
        %gather3A_395 = tpu.vector_load_idx %arg8[%add3A_394] : memref<768xf32, #tpu.memory_space<vmem>>[vector<16xi32>], vector<16xf32>,
        %add3A_396 = arith.constant 128 : i32
        %add3A_397 = vector.broadcast %add3A_396 : i32 to vector<16xi32>
        %add3A_398 = arith.addi %add3A_96, %add3A_397 : vector<16xi32>
        %gather3A_399 = tpu.vector_load_idx %arg8[%add3A_398] : memref<768xf32, #tpu.memory_space<vmem>>[vector<16xi32>], vector<16xf32>,
        %add3A_400 = arith.constant 0 : i32
        %add3A_401 = arith.addi %add3A_65, %add3A_400 : i32
        %swap3A_402 = arith.index_cast %add3A_401 : i32 to index
        %swap3A_403 = arith.constant 128 : index
        %swap3A_404 = tpu.vector_load %arg6[%swap3A_402, %swap3A_403] {strides = array<i32>} : memref<200x256xf32, #tpu.memory_space<vmem>>, vector<16xf32>,
        tpu.vector_store %arg6[%swap3A_402, %swap3A_403], %gather3A_387 {strides = array<i32>} : memref<200x256xf32, #tpu.memory_space<vmem>>, vector<16xf32>,
        %add3A_405 = arith.constant 1 : i32
        %add3A_406 = arith.addi %add3A_65, %add3A_405 : i32
        %swap3A_407 = arith.index_cast %add3A_406 : i32 to index
        %swap3A_408 = arith.constant 128 : index
        %swap3A_409 = tpu.vector_load %arg6[%swap3A_407, %swap3A_408] {strides = array<i32>} : memref<200x256xf32, #tpu.memory_space<vmem>>, vector<16xf32>,
        tpu.vector_store %arg6[%swap3A_407, %swap3A_408], %gather3A_391 {strides = array<i32>} : memref<200x256xf32, #tpu.memory_space<vmem>>, vector<16xf32>,
        %add3A_410 = arith.constant 2 : i32
        %add3A_411 = arith.addi %add3A_65, %add3A_410 : i32
        %swap3A_412 = arith.index_cast %add3A_411 : i32 to index
        %swap3A_413 = arith.constant 128 : index
        %swap3A_414 = tpu.vector_load %arg6[%swap3A_412, %swap3A_413] {strides = array<i32>} : memref<200x256xf32, #tpu.memory_space<vmem>>, vector<16xf32>,
        tpu.vector_store %arg6[%swap3A_412, %swap3A_413], %gather3A_395 {strides = array<i32>} : memref<200x256xf32, #tpu.memory_space<vmem>>, vector<16xf32>,
        %add3A_415 = arith.constant 3 : i32
        %add3A_416 = arith.addi %add3A_65, %add3A_415 : i32
        %swap3A_417 = arith.index_cast %add3A_416 : i32 to index
        %swap3A_418 = arith.constant 128 : index
        %swap3A_419 = tpu.vector_load %arg6[%swap3A_417, %swap3A_418] {strides = array<i32>} : memref<200x256xf32, #tpu.memory_space<vmem>>, vector<16xf32>,
        tpu.vector_store %arg6[%swap3A_417, %swap3A_418], %gather3A_399 {strides = array<i32>} : memref<200x256xf32, #tpu.memory_space<vmem>>, vector<16xf32>,
        %add3A_420 = arith.constant 144 : i32
        %add3A_421 = vector.broadcast %add3A_420 : i32 to vector<16xi32>
        %add3A_422 = arith.addi %add3A_72, %add3A_421 : vector<16xi32>
        %gather3A_423 = tpu.vector_load_idx %arg8[%add3A_422] : memref<768xf32, #tpu.memory_space<vmem>>[vector<16xi32>], vector<16xf32>,
        %add3A_424 = arith.constant 144 : i32
        %add3A_425 = vector.broadcast %add3A_424 : i32 to vector<16xi32>
        %add3A_426 = arith.addi %add3A_80, %add3A_425 : vector<16xi32>
        %gather3A_427 = tpu.vector_load_idx %arg8[%add3A_426] : memref<768xf32, #tpu.memory_space<vmem>>[vector<16xi32>], vector<16xf32>,
        %add3A_428 = arith.constant 144 : i32
        %add3A_429 = vector.broadcast %add3A_428 : i32 to vector<16xi32>
        %add3A_430 = arith.addi %add3A_88, %add3A_429 : vector<16xi32>
        %gather3A_431 = tpu.vector_load_idx %arg8[%add3A_430] : memref<768xf32, #tpu.memory_space<vmem>>[vector<16xi32>], vector<16xf32>,
        %add3A_432 = arith.constant 144 : i32
        %add3A_433 = vector.broadcast %add3A_432 : i32 to vector<16xi32>
        %add3A_434 = arith.addi %add3A_96, %add3A_433 : vector<16xi32>
        %gather3A_435 = tpu.vector_load_idx %arg8[%add3A_434] : memref<768xf32, #tpu.memory_space<vmem>>[vector<16xi32>], vector<16xf32>,
        %add3A_436 = arith.constant 0 : i32
        %add3A_437 = arith.addi %add3A_65, %add3A_436 : i32
        %swap3A_438 = arith.index_cast %add3A_437 : i32 to index
        %swap3A_439 = arith.constant 144 : index
        %swap3A_440 = tpu.vector_load %arg6[%swap3A_438, %swap3A_439] {strides = array<i32>} : memref<200x256xf32, #tpu.memory_space<vmem>>, vector<16xf32>,
        tpu.vector_store %arg6[%swap3A_438, %swap3A_439], %gather3A_423 {strides = array<i32>} : memref<200x256xf32, #tpu.memory_space<vmem>>, vector<16xf32>,
        %add3A_441 = arith.constant 1 : i32
        %add3A_442 = arith.addi %add3A_65, %add3A_441 : i32
        %swap3A_443 = arith.index_cast %add3A_442 : i32 to index
        %swap3A_444 = arith.constant 144 : index
        %swap3A_445 = tpu.vector_load %arg6[%swap3A_443, %swap3A_444] {strides = array<i32>} : memref<200x256xf32, #tpu.memory_space<vmem>>, vector<16xf32>,
        tpu.vector_store %arg6[%swap3A_443, %swap3A_444], %gather3A_427 {strides = array<i32>} : memref<200x256xf32, #tpu.memory_space<vmem>>, vector<16xf32>,
        %add3A_446 = arith.constant 2 : i32
        %add3A_447 = arith.addi %add3A_65, %add3A_446 : i32
        %swap3A_448 = arith.index_cast %add3A_447 : i32 to index
        %swap3A_449 = arith.constant 144 : index
        %swap3A_450 = tpu.vector_load %arg6[%swap3A_448, %swap3A_449] {strides = array<i32>} : memref<200x256xf32, #tpu.memory_space<vmem>>, vector<16xf32>,
        tpu.vector_store %arg6[%swap3A_448, %swap3A_449], %gather3A_431 {strides = array<i32>} : memref<200x256xf32, #tpu.memory_space<vmem>>, vector<16xf32>,
        %add3A_451 = arith.constant 3 : i32
        %add3A_452 = arith.addi %add3A_65, %add3A_451 : i32
        %swap3A_453 = arith.index_cast %add3A_452 : i32 to index
        %swap3A_454 = arith.constant 144 : index
        %swap3A_455 = tpu.vector_load %arg6[%swap3A_453, %swap3A_454] {strides = array<i32>} : memref<200x256xf32, #tpu.memory_space<vmem>>, vector<16xf32>,
        tpu.vector_store %arg6[%swap3A_453, %swap3A_454], %gather3A_435 {strides = array<i32>} : memref<200x256xf32, #tpu.memory_space<vmem>>, vector<16xf32>,
        %add3A_456 = arith.constant 160 : i32
        %add3A_457 = vector.broadcast %add3A_456 : i32 to vector<16xi32>
        %add3A_458 = arith.addi %add3A_72, %add3A_457 : vector<16xi32>
        %gather3A_459 = tpu.vector_load_idx %arg8[%add3A_458] : memref<768xf32, #tpu.memory_space<vmem>>[vector<16xi32>], vector<16xf32>,
        %add3A_460 = arith.constant 160 : i32
        %add3A_461 = vector.broadcast %add3A_460 : i32 to vector<16xi32>
        %add3A_462 = arith.addi %add3A_80, %add3A_461 : vector<16xi32>
        %gather3A_463 = tpu.vector_load_idx %arg8[%add3A_462] : memref<768xf32, #tpu.memory_space<vmem>>[vector<16xi32>], vector<16xf32>,
        %add3A_464 = arith.constant 160 : i32
        %add3A_465 = vector.broadcast %add3A_464 : i32 to vector<16xi32>
        %add3A_466 = arith.addi %add3A_88, %add3A_465 : vector<16xi32>
        %gather3A_467 = tpu.vector_load_idx %arg8[%add3A_466] : memref<768xf32, #tpu.memory_space<vmem>>[vector<16xi32>], vector<16xf32>,
        %add3A_468 = arith.constant 160 : i32
        %add3A_469 = vector.broadcast %add3A_468 : i32 to vector<16xi32>
        %add3A_470 = arith.addi %add3A_96, %add3A_469 : vector<16xi32>
        %gather3A_471 = tpu.vector_load_idx %arg8[%add3A_470] : memref<768xf32, #tpu.memory_space<vmem>>[vector<16xi32>], vector<16xf32>,
        %add3A_472 = arith.constant 0 : i32
        %add3A_473 = arith.addi %add3A_65, %add3A_472 : i32
        %swap3A_474 = arith.index_cast %add3A_473 : i32 to index
        %swap3A_475 = arith.constant 160 : index
        %swap3A_476 = tpu.vector_load %arg6[%swap3A_474, %swap3A_475] {strides = array<i32>} : memref<200x256xf32, #tpu.memory_space<vmem>>, vector<16xf32>,
        tpu.vector_store %arg6[%swap3A_474, %swap3A_475], %gather3A_459 {strides = array<i32>} : memref<200x256xf32, #tpu.memory_space<vmem>>, vector<16xf32>,
        %add3A_477 = arith.constant 1 : i32
        %add3A_478 = arith.addi %add3A_65, %add3A_477 : i32
        %swap3A_479 = arith.index_cast %add3A_478 : i32 to index
        %swap3A_480 = arith.constant 160 : index
        %swap3A_481 = tpu.vector_load %arg6[%swap3A_479, %swap3A_480] {strides = array<i32>} : memref<200x256xf32, #tpu.memory_space<vmem>>, vector<16xf32>,
        tpu.vector_store %arg6[%swap3A_479, %swap3A_480], %gather3A_463 {strides = array<i32>} : memref<200x256xf32, #tpu.memory_space<vmem>>, vector<16xf32>,
        %add3A_482 = arith.constant 2 : i32
        %add3A_483 = arith.addi %add3A_65, %add3A_482 : i32
        %swap3A_484 = arith.index_cast %add3A_483 : i32 to index
        %swap3A_485 = arith.constant 160 : index
        %swap3A_486 = tpu.vector_load %arg6[%swap3A_484, %swap3A_485] {strides = array<i32>} : memref<200x256xf32, #tpu.memory_space<vmem>>, vector<16xf32>,
        tpu.vector_store %arg6[%swap3A_484, %swap3A_485], %gather3A_467 {strides = array<i32>} : memref<200x256xf32, #tpu.memory_space<vmem>>, vector<16xf32>,
        %add3A_487 = arith.constant 3 : i32
        %add3A_488 = arith.addi %add3A_65, %add3A_487 : i32
        %swap3A_489 = arith.index_cast %add3A_488 : i32 to index
        %swap3A_490 = arith.constant 160 : index
        %swap3A_491 = tpu.vector_load %arg6[%swap3A_489, %swap3A_490] {strides = array<i32>} : memref<200x256xf32, #tpu.memory_space<vmem>>, vector<16xf32>,
        tpu.vector_store %arg6[%swap3A_489, %swap3A_490], %gather3A_471 {strides = array<i32>} : memref<200x256xf32, #tpu.memory_space<vmem>>, vector<16xf32>,
        %add3A_492 = arith.constant 176 : i32
        %add3A_493 = vector.broadcast %add3A_492 : i32 to vector<16xi32>
        %add3A_494 = arith.addi %add3A_72, %add3A_493 : vector<16xi32>
        %gather3A_495 = tpu.vector_load_idx %arg8[%add3A_494] : memref<768xf32, #tpu.memory_space<vmem>>[vector<16xi32>], vector<16xf32>,
        %add3A_496 = arith.constant 176 : i32
        %add3A_497 = vector.broadcast %add3A_496 : i32 to vector<16xi32>
        %add3A_498 = arith.addi %add3A_80, %add3A_497 : vector<16xi32>
        %gather3A_499 = tpu.vector_load_idx %arg8[%add3A_498] : memref<768xf32, #tpu.memory_space<vmem>>[vector<16xi32>], vector<16xf32>,
        %add3A_500 = arith.constant 176 : i32
        %add3A_501 = vector.broadcast %add3A_500 : i32 to vector<16xi32>
        %add3A_502 = arith.addi %add3A_88, %add3A_501 : vector<16xi32>
        %gather3A_503 = tpu.vector_load_idx %arg8[%add3A_502] : memref<768xf32, #tpu.memory_space<vmem>>[vector<16xi32>], vector<16xf32>,
        %add3A_504 = arith.constant 176 : i32
        %add3A_505 = vector.broadcast %add3A_504 : i32 to vector<16xi32>
        %add3A_506 = arith.addi %add3A_96, %add3A_505 : vector<16xi32>
        %gather3A_507 = tpu.vector_load_idx %arg8[%add3A_506] : memref<768xf32, #tpu.memory_space<vmem>>[vector<16xi32>], vector<16xf32>,
        %add3A_508 = arith.constant 0 : i32
        %add3A_509 = arith.addi %add3A_65, %add3A_508 : i32
        %swap3A_510 = arith.index_cast %add3A_509 : i32 to index
        %swap3A_511 = arith.constant 176 : index
        %swap3A_512 = tpu.vector_load %arg6[%swap3A_510, %swap3A_511] {strides = array<i32>} : memref<200x256xf32, #tpu.memory_space<vmem>>, vector<16xf32>,
        tpu.vector_store %arg6[%swap3A_510, %swap3A_511], %gather3A_495 {strides = array<i32>} : memref<200x256xf32, #tpu.memory_space<vmem>>, vector<16xf32>,
        %add3A_513 = arith.constant 1 : i32
        %add3A_514 = arith.addi %add3A_65, %add3A_513 : i32
        %swap3A_515 = arith.index_cast %add3A_514 : i32 to index
        %swap3A_516 = arith.constant 176 : index
        %swap3A_517 = tpu.vector_load %arg6[%swap3A_515, %swap3A_516] {strides = array<i32>} : memref<200x256xf32, #tpu.memory_space<vmem>>, vector<16xf32>,
        tpu.vector_store %arg6[%swap3A_515, %swap3A_516], %gather3A_499 {strides = array<i32>} : memref<200x256xf32, #tpu.memory_space<vmem>>, vector<16xf32>,
        %add3A_518 = arith.constant 2 : i32
        %add3A_519 = arith.addi %add3A_65, %add3A_518 : i32
        %swap3A_520 = arith.index_cast %add3A_519 : i32 to index
        %swap3A_521 = arith.constant 176 : index
        %swap3A_522 = tpu.vector_load %arg6[%swap3A_520, %swap3A_521] {strides = array<i32>} : memref<200x256xf32, #tpu.memory_space<vmem>>, vector<16xf32>,
        tpu.vector_store %arg6[%swap3A_520, %swap3A_521], %gather3A_503 {strides = array<i32>} : memref<200x256xf32, #tpu.memory_space<vmem>>, vector<16xf32>,
        %add3A_523 = arith.constant 3 : i32
        %add3A_524 = arith.addi %add3A_65, %add3A_523 : i32
        %swap3A_525 = arith.index_cast %add3A_524 : i32 to index
        %swap3A_526 = arith.constant 176 : index
        %swap3A_527 = tpu.vector_load %arg6[%swap3A_525, %swap3A_526] {strides = array<i32>} : memref<200x256xf32, #tpu.memory_space<vmem>>, vector<16xf32>,
        tpu.vector_store %arg6[%swap3A_525, %swap3A_526], %gather3A_507 {strides = array<i32>} : memref<200x256xf32, #tpu.memory_space<vmem>>, vector<16xf32>,
        %add3A_528 = arith.constant 192 : i32
        %add3A_529 = vector.broadcast %add3A_528 : i32 to vector<16xi32>
        %add3A_530 = arith.addi %add3A_72, %add3A_529 : vector<16xi32>
        %gather3A_531 = tpu.vector_load_idx %arg8[%add3A_530] : memref<768xf32, #tpu.memory_space<vmem>>[vector<16xi32>], vector<16xf32>,
        %add3A_532 = arith.constant 192 : i32
        %add3A_533 = vector.broadcast %add3A_532 : i32 to vector<16xi32>
        %add3A_534 = arith.addi %add3A_80, %add3A_533 : vector<16xi32>
        %gather3A_535 = tpu.vector_load_idx %arg8[%add3A_534] : memref<768xf32, #tpu.memory_space<vmem>>[vector<16xi32>], vector<16xf32>,
        %add3A_536 = arith.constant 192 : i32
        %add3A_537 = vector.broadcast %add3A_536 : i32 to vector<16xi32>
        %add3A_538 = arith.addi %add3A_88, %add3A_537 : vector<16xi32>
        %gather3A_539 = tpu.vector_load_idx %arg8[%add3A_538] : memref<768xf32, #tpu.memory_space<vmem>>[vector<16xi32>], vector<16xf32>,
        %add3A_540 = arith.constant 192 : i32
        %add3A_541 = vector.broadcast %add3A_540 : i32 to vector<16xi32>
        %add3A_542 = arith.addi %add3A_96, %add3A_541 : vector<16xi32>
        %gather3A_543 = tpu.vector_load_idx %arg8[%add3A_542] : memref<768xf32, #tpu.memory_space<vmem>>[vector<16xi32>], vector<16xf32>,
        %add3A_544 = arith.constant 0 : i32
        %add3A_545 = arith.addi %add3A_65, %add3A_544 : i32
        %swap3A_546 = arith.index_cast %add3A_545 : i32 to index
        %swap3A_547 = arith.constant 192 : index
        %swap3A_548 = tpu.vector_load %arg6[%swap3A_546, %swap3A_547] {strides = array<i32>} : memref<200x256xf32, #tpu.memory_space<vmem>>, vector<16xf32>,
        tpu.vector_store %arg6[%swap3A_546, %swap3A_547], %gather3A_531 {strides = array<i32>} : memref<200x256xf32, #tpu.memory_space<vmem>>, vector<16xf32>,
        %add3A_549 = arith.constant 1 : i32
        %add3A_550 = arith.addi %add3A_65, %add3A_549 : i32
        %swap3A_551 = arith.index_cast %add3A_550 : i32 to index
        %swap3A_552 = arith.constant 192 : index
        %swap3A_553 = tpu.vector_load %arg6[%swap3A_551, %swap3A_552] {strides = array<i32>} : memref<200x256xf32, #tpu.memory_space<vmem>>, vector<16xf32>,
        tpu.vector_store %arg6[%swap3A_551, %swap3A_552], %gather3A_535 {strides = array<i32>} : memref<200x256xf32, #tpu.memory_space<vmem>>, vector<16xf32>,
        %add3A_554 = arith.constant 2 : i32
        %add3A_555 = arith.addi %add3A_65, %add3A_554 : i32
        %swap3A_556 = arith.index_cast %add3A_555 : i32 to index
        %swap3A_557 = arith.constant 192 : index
        %swap3A_558 = tpu.vector_load %arg6[%swap3A_556, %swap3A_557] {strides = array<i32>} : memref<200x256xf32, #tpu.memory_space<vmem>>, vector<16xf32>,
        tpu.vector_store %arg6[%swap3A_556, %swap3A_557], %gather3A_539 {strides = array<i32>} : memref<200x256xf32, #tpu.memory_space<vmem>>, vector<16xf32>,
        %add3A_559 = arith.constant 3 : i32
        %add3A_560 = arith.addi %add3A_65, %add3A_559 : i32
        %swap3A_561 = arith.index_cast %add3A_560 : i32 to index
        %swap3A_562 = arith.constant 192 : index
        %swap3A_563 = tpu.vector_load %arg6[%swap3A_561, %swap3A_562] {strides = array<i32>} : memref<200x256xf32, #tpu.memory_space<vmem>>, vector<16xf32>,
        tpu.vector_store %arg6[%swap3A_561, %swap3A_562], %gather3A_543 {strides = array<i32>} : memref<200x256xf32, #tpu.memory_space<vmem>>, vector<16xf32>,
        %add3A_564 = arith.constant 208 : i32
        %add3A_565 = vector.broadcast %add3A_564 : i32 to vector<16xi32>
        %add3A_566 = arith.addi %add3A_72, %add3A_565 : vector<16xi32>
        %gather3A_567 = tpu.vector_load_idx %arg8[%add3A_566] : memref<768xf32, #tpu.memory_space<vmem>>[vector<16xi32>], vector<16xf32>,
        %add3A_568 = arith.constant 208 : i32
        %add3A_569 = vector.broadcast %add3A_568 : i32 to vector<16xi32>
        %add3A_570 = arith.addi %add3A_80, %add3A_569 : vector<16xi32>
        %gather3A_571 = tpu.vector_load_idx %arg8[%add3A_570] : memref<768xf32, #tpu.memory_space<vmem>>[vector<16xi32>], vector<16xf32>,
        %add3A_572 = arith.constant 208 : i32
        %add3A_573 = vector.broadcast %add3A_572 : i32 to vector<16xi32>
        %add3A_574 = arith.addi %add3A_88, %add3A_573 : vector<16xi32>
        %gather3A_575 = tpu.vector_load_idx %arg8[%add3A_574] : memref<768xf32, #tpu.memory_space<vmem>>[vector<16xi32>], vector<16xf32>,
        %add3A_576 = arith.constant 208 : i32
        %add3A_577 = vector.broadcast %add3A_576 : i32 to vector<16xi32>
        %add3A_578 = arith.addi %add3A_96, %add3A_577 : vector<16xi32>
        %gather3A_579 = tpu.vector_load_idx %arg8[%add3A_578] : memref<768xf32, #tpu.memory_space<vmem>>[vector<16xi32>], vector<16xf32>,
        %add3A_580 = arith.constant 0 : i32
        %add3A_581 = arith.addi %add3A_65, %add3A_580 : i32
        %swap3A_582 = arith.index_cast %add3A_581 : i32 to index
        %swap3A_583 = arith.constant 208 : index
        %swap3A_584 = tpu.vector_load %arg6[%swap3A_582, %swap3A_583] {strides = array<i32>} : memref<200x256xf32, #tpu.memory_space<vmem>>, vector<16xf32>,
        tpu.vector_store %arg6[%swap3A_582, %swap3A_583], %gather3A_567 {strides = array<i32>} : memref<200x256xf32, #tpu.memory_space<vmem>>, vector<16xf32>,
        %add3A_585 = arith.constant 1 : i32
        %add3A_586 = arith.addi %add3A_65, %add3A_585 : i32
        %swap3A_587 = arith.index_cast %add3A_586 : i32 to index
        %swap3A_588 = arith.constant 208 : index
        %swap3A_589 = tpu.vector_load %arg6[%swap3A_587, %swap3A_588] {strides = array<i32>} : memref<200x256xf32, #tpu.memory_space<vmem>>, vector<16xf32>,
        tpu.vector_store %arg6[%swap3A_587, %swap3A_588], %gather3A_571 {strides = array<i32>} : memref<200x256xf32, #tpu.memory_space<vmem>>, vector<16xf32>,
        %add3A_590 = arith.constant 2 : i32
        %add3A_591 = arith.addi %add3A_65, %add3A_590 : i32
        %swap3A_592 = arith.index_cast %add3A_591 : i32 to index
        %swap3A_593 = arith.constant 208 : index
        %swap3A_594 = tpu.vector_load %arg6[%swap3A_592, %swap3A_593] {strides = array<i32>} : memref<200x256xf32, #tpu.memory_space<vmem>>, vector<16xf32>,
        tpu.vector_store %arg6[%swap3A_592, %swap3A_593], %gather3A_575 {strides = array<i32>} : memref<200x256xf32, #tpu.memory_space<vmem>>, vector<16xf32>,
        %add3A_595 = arith.constant 3 : i32
        %add3A_596 = arith.addi %add3A_65, %add3A_595 : i32
        %swap3A_597 = arith.index_cast %add3A_596 : i32 to index
        %swap3A_598 = arith.constant 208 : index
        %swap3A_599 = tpu.vector_load %arg6[%swap3A_597, %swap3A_598] {strides = array<i32>} : memref<200x256xf32, #tpu.memory_space<vmem>>, vector<16xf32>,
        tpu.vector_store %arg6[%swap3A_597, %swap3A_598], %gather3A_579 {strides = array<i32>} : memref<200x256xf32, #tpu.memory_space<vmem>>, vector<16xf32>,
        %add3A_600 = arith.constant 224 : i32
        %add3A_601 = vector.broadcast %add3A_600 : i32 to vector<16xi32>
        %add3A_602 = arith.addi %add3A_72, %add3A_601 : vector<16xi32>
        %gather3A_603 = tpu.vector_load_idx %arg8[%add3A_602] : memref<768xf32, #tpu.memory_space<vmem>>[vector<16xi32>], vector<16xf32>,
        %add3A_604 = arith.constant 224 : i32
        %add3A_605 = vector.broadcast %add3A_604 : i32 to vector<16xi32>
        %add3A_606 = arith.addi %add3A_80, %add3A_605 : vector<16xi32>
        %gather3A_607 = tpu.vector_load_idx %arg8[%add3A_606] : memref<768xf32, #tpu.memory_space<vmem>>[vector<16xi32>], vector<16xf32>,
        %add3A_608 = arith.constant 224 : i32
        %add3A_609 = vector.broadcast %add3A_608 : i32 to vector<16xi32>
        %add3A_610 = arith.addi %add3A_88, %add3A_609 : vector<16xi32>
        %gather3A_611 = tpu.vector_load_idx %arg8[%add3A_610] : memref<768xf32, #tpu.memory_space<vmem>>[vector<16xi32>], vector<16xf32>,
        %add3A_612 = arith.constant 224 : i32
        %add3A_613 = vector.broadcast %add3A_612 : i32 to vector<16xi32>
        %add3A_614 = arith.addi %add3A_96, %add3A_613 : vector<16xi32>
        %gather3A_615 = tpu.vector_load_idx %arg8[%add3A_614] : memref<768xf32, #tpu.memory_space<vmem>>[vector<16xi32>], vector<16xf32>,
        %add3A_616 = arith.constant 0 : i32
        %add3A_617 = arith.addi %add3A_65, %add3A_616 : i32
        %swap3A_618 = arith.index_cast %add3A_617 : i32 to index
        %swap3A_619 = arith.constant 224 : index
        %swap3A_620 = tpu.vector_load %arg6[%swap3A_618, %swap3A_619] {strides = array<i32>} : memref<200x256xf32, #tpu.memory_space<vmem>>, vector<16xf32>,
        tpu.vector_store %arg6[%swap3A_618, %swap3A_619], %gather3A_603 {strides = array<i32>} : memref<200x256xf32, #tpu.memory_space<vmem>>, vector<16xf32>,
        %add3A_621 = arith.constant 1 : i32
        %add3A_622 = arith.addi %add3A_65, %add3A_621 : i32
        %swap3A_623 = arith.index_cast %add3A_622 : i32 to index
        %swap3A_624 = arith.constant 224 : index
        %swap3A_625 = tpu.vector_load %arg6[%swap3A_623, %swap3A_624] {strides = array<i32>} : memref<200x256xf32, #tpu.memory_space<vmem>>, vector<16xf32>,
        tpu.vector_store %arg6[%swap3A_623, %swap3A_624], %gather3A_607 {strides = array<i32>} : memref<200x256xf32, #tpu.memory_space<vmem>>, vector<16xf32>,
        %add3A_626 = arith.constant 2 : i32
        %add3A_627 = arith.addi %add3A_65, %add3A_626 : i32
        %swap3A_628 = arith.index_cast %add3A_627 : i32 to index
        %swap3A_629 = arith.constant 224 : index
        %swap3A_630 = tpu.vector_load %arg6[%swap3A_628, %swap3A_629] {strides = array<i32>} : memref<200x256xf32, #tpu.memory_space<vmem>>, vector<16xf32>,
        tpu.vector_store %arg6[%swap3A_628, %swap3A_629], %gather3A_611 {strides = array<i32>} : memref<200x256xf32, #tpu.memory_space<vmem>>, vector<16xf32>,
        %add3A_631 = arith.constant 3 : i32
        %add3A_632 = arith.addi %add3A_65, %add3A_631 : i32
        %swap3A_633 = arith.index_cast %add3A_632 : i32 to index
        %swap3A_634 = arith.constant 224 : index
        %swap3A_635 = tpu.vector_load %arg6[%swap3A_633, %swap3A_634] {strides = array<i32>} : memref<200x256xf32, #tpu.memory_space<vmem>>, vector<16xf32>,
        tpu.vector_store %arg6[%swap3A_633, %swap3A_634], %gather3A_615 {strides = array<i32>} : memref<200x256xf32, #tpu.memory_space<vmem>>, vector<16xf32>,
        %add3A_636 = arith.constant 240 : i32
        %add3A_637 = vector.broadcast %add3A_636 : i32 to vector<16xi32>
        %add3A_638 = arith.addi %add3A_72, %add3A_637 : vector<16xi32>
        %gather3A_639 = tpu.vector_load_idx %arg8[%add3A_638] : memref<768xf32, #tpu.memory_space<vmem>>[vector<16xi32>], vector<16xf32>,
        %add3A_640 = arith.constant 240 : i32
        %add3A_641 = vector.broadcast %add3A_640 : i32 to vector<16xi32>
        %add3A_642 = arith.addi %add3A_80, %add3A_641 : vector<16xi32>
        %gather3A_643 = tpu.vector_load_idx %arg8[%add3A_642] : memref<768xf32, #tpu.memory_space<vmem>>[vector<16xi32>], vector<16xf32>,
        %add3A_644 = arith.constant 240 : i32
        %add3A_645 = vector.broadcast %add3A_644 : i32 to vector<16xi32>
        %add3A_646 = arith.addi %add3A_88, %add3A_645 : vector<16xi32>
        %gather3A_647 = tpu.vector_load_idx %arg8[%add3A_646] : memref<768xf32, #tpu.memory_space<vmem>>[vector<16xi32>], vector<16xf32>,
        %add3A_648 = arith.constant 240 : i32
        %add3A_649 = vector.broadcast %add3A_648 : i32 to vector<16xi32>
        %add3A_650 = arith.addi %add3A_96, %add3A_649 : vector<16xi32>
        %gather3A_651 = tpu.vector_load_idx %arg8[%add3A_650] : memref<768xf32, #tpu.memory_space<vmem>>[vector<16xi32>], vector<16xf32>,
        %add3A_652 = arith.constant 0 : i32
        %add3A_653 = arith.addi %add3A_65, %add3A_652 : i32
        %swap3A_654 = arith.index_cast %add3A_653 : i32 to index
        %swap3A_655 = arith.constant 240 : index
        %swap3A_656 = tpu.vector_load %arg6[%swap3A_654, %swap3A_655] {strides = array<i32>} : memref<200x256xf32, #tpu.memory_space<vmem>>, vector<16xf32>,
        tpu.vector_store %arg6[%swap3A_654, %swap3A_655], %gather3A_639 {strides = array<i32>} : memref<200x256xf32, #tpu.memory_space<vmem>>, vector<16xf32>,
        %add3A_657 = arith.constant 1 : i32
        %add3A_658 = arith.addi %add3A_65, %add3A_657 : i32
        %swap3A_659 = arith.index_cast %add3A_658 : i32 to index
        %swap3A_660 = arith.constant 240 : index
        %swap3A_661 = tpu.vector_load %arg6[%swap3A_659, %swap3A_660] {strides = array<i32>} : memref<200x256xf32, #tpu.memory_space<vmem>>, vector<16xf32>,
        tpu.vector_store %arg6[%swap3A_659, %swap3A_660], %gather3A_643 {strides = array<i32>} : memref<200x256xf32, #tpu.memory_space<vmem>>, vector<16xf32>,
        %add3A_662 = arith.constant 2 : i32
        %add3A_663 = arith.addi %add3A_65, %add3A_662 : i32
        %swap3A_664 = arith.index_cast %add3A_663 : i32 to index
        %swap3A_665 = arith.constant 240 : index
        %swap3A_666 = tpu.vector_load %arg6[%swap3A_664, %swap3A_665] {strides = array<i32>} : memref<200x256xf32, #tpu.memory_space<vmem>>, vector<16xf32>,
        tpu.vector_store %arg6[%swap3A_664, %swap3A_665], %gather3A_647 {strides = array<i32>} : memref<200x256xf32, #tpu.memory_space<vmem>>, vector<16xf32>,
        %add3A_667 = arith.constant 3 : i32
        %add3A_668 = arith.addi %add3A_65, %add3A_667 : i32
        %swap3A_669 = arith.index_cast %add3A_668 : i32 to index
        %swap3A_670 = arith.constant 240 : index
        %swap3A_671 = tpu.vector_load %arg6[%swap3A_669, %swap3A_670] {strides = array<i32>} : memref<200x256xf32, #tpu.memory_space<vmem>>, vector<16xf32>,
        tpu.vector_store %arg6[%swap3A_669, %swap3A_670], %gather3A_651 {strides = array<i32>} : memref<200x256xf32, #tpu.memory_space<vmem>>, vector<16xf32>,
      }
      %scan3A_31 = arith.constant 50 : i32
      %mul3A_32 = arith.constant 32 : i32
      %mul3A_33 = arith.muli %add3A, %mul3A_32 : i32
      %add3A_34 = arith.addi %mul3A_33, %add3A_24 : i32
      %mul3A_35 = arith.constant 200 : i32
      %mul3A_36 = arith.muli %add3A_34, %mul3A_35 : i32
      %dma_start3A = arith.constant 0 : i32
      %dma_start3A_37 = tpu.memref_slice %arg4[%mul3A_36, %dma_start3A] : memref<204800x256xf32, #tpu.memory_space<hbm>> -> memref<200x256xf32, #tpu.memory_space<hbm>>
      %dma_start3A_38 = arith.constant 0 : i32
      %dma_start3A_39 = tpu.memref_slice %arg4[%mul3A_36, %dma_start3A_38] : memref<204800x256xf32, #tpu.memory_space<hbm>> -> memref<200x256xf32, #tpu.memory_space<hbm>>
      tpu.enqueue_dma source(%arg6 : memref<200x256xf32, #tpu.memory_space<vmem>>) target(%dma_start3A_39 : memref<200x256xf32, #tpu.memory_space<hbm>>) target_semaphore(%arg9 : memref<!tpu.dma_semaphore, #tpu.memory_space<semaphore_mem>>)
      %add3A_40 = arith.constant 1 : i32
      %add3A_41 = arith.addi %add3A_22, %add3A_40 : i32
      %ge3A_42 = arith.constant 2 : i32
      %ge3A_43 = arith.cmpi sge, %add3A_41, %ge3A_42 : i32
      %convert_element_type3A_44 = arith.extui %ge3A_43 : i1 to i32
      %cond3A_45 = arith.constant 0 : i32
      %cond3A_46 = arith.cmpi ne, %convert_element_type3A_44, %cond3A_45 : i32
      scf.if %cond3A_46 {
        %dma_wait3A_61 = arith.constant 0 : i32
        %dma_wait3A_62 = arith.constant 0 : i32
        %dma_wait3A_63 = tpu.memref_slice %arg4[%dma_wait3A_61, %dma_wait3A_62] : memref<204800x256xf32, #tpu.memory_space<hbm>> -> memref<200x256xf32, #tpu.memory_space<hbm>>
        %dma_wait3A_64 = arith.constant 0 : i32
        %dma_wait3A_65 = arith.constant 0 : i32
        %dma_wait3A_66 = tpu.memref_slice %arg4[%dma_wait3A_64, %dma_wait3A_65] : memref<204800x256xf32, #tpu.memory_space<hbm>> -> memref<200x256xf32, #tpu.memory_space<hbm>>
        tpu.wait_dma2 semaphore(%arg10 : memref<!tpu.dma_semaphore, #tpu.memory_space<semaphore_mem>>) src(%arg7 : memref<200x256xf32, #tpu.memory_space<vmem>>) dst(%dma_wait3A_66 : memref<200x256xf32, #tpu.memory_space<hbm>>)
      } else {
      }
      %scan3A_47 = arith.constant 0 : i32
      %scan3A_48 = arith.constant 50 : i32
      %scan3A_49 = arith.addi %scan3A_47, %scan3A_48 : i32
      %scan3A_50 = arith.constant 1 : i32
      scf.for %scan3A_61 = %scan3A_47 to %scan3A_49 step %scan3A_50  : i32 {
        %mul3A_62 = arith.constant 4 : i32
        %mul3A_63 = arith.muli %scan3A_61, %mul3A_62 : i32
        %add3A_64 = arith.constant 0 : i32
        %add3A_65 = arith.addi %add3A_64, %mul3A_63 : i32
        %broadcast_in_dim3A = vector.broadcast %add3A_41 : i32 to vector<16xi32>
        %add3A_66 = arith.constant 0 : i32
        %add3A_67 = arith.addi %add3A_65, %add3A_66 : i32
        %broadcast_in_dim3A_68 = vector.broadcast %add3A_67 : i32 to vector<16xi32>
        %gather3A = tpu.vector_load_idx %arg5[%broadcast_in_dim3A, %broadcast_in_dim3A_68] : memref<32x200xi32, #tpu.memory_space<vmem>>[vector<16xi32>, vector<16xi32>], vector<16xi32>,
        %mul3A_69 = arith.constant 256 : i32
        %mul3A_70 = vector.broadcast %mul3A_69 : i32 to vector<16xi32>
        %mul3A_71 = arith.muli %gather3A, %mul3A_70 : vector<16xi32>
        %add3A_72 = arith.addi %mul3A_71, %iota3A : vector<16xi32>
        %add3A_73 = arith.constant 1 : i32
        %add3A_74 = arith.addi %add3A_65, %add3A_73 : i32
        %broadcast_in_dim3A_75 = vector.broadcast %add3A_74 : i32 to vector<16xi32>
        %gather3A_76 = tpu.vector_load_idx %arg5[%broadcast_in_dim3A, %broadcast_in_dim3A_75] : memref<32x200xi32, #tpu.memory_space<vmem>>[vector<16xi32>, vector<16xi32>], vector<16xi32>,
        %mul3A_77 = arith.constant 256 : i32
        %mul3A_78 = vector.broadcast %mul3A_77 : i32 to vector<16xi32>
        %mul3A_79 = arith.muli %gather3A_76, %mul3A_78 : vector<16xi32>
        %add3A_80 = arith.addi %mul3A_79, %iota3A : vector<16xi32>
        %add3A_81 = arith.constant 2 : i32
        %add3A_82 = arith.addi %add3A_65, %add3A_81 : i32
        %broadcast_in_dim3A_83 = vector.broadcast %add3A_82 : i32 to vector<16xi32>
        %gather3A_84 = tpu.vector_load_idx %arg5[%broadcast_in_dim3A, %broadcast_in_dim3A_83] : memref<32x200xi32, #tpu.memory_space<vmem>>[vector<16xi32>, vector<16xi32>], vector<16xi32>,
        %mul3A_85 = arith.constant 256 : i32
        %mul3A_86 = vector.broadcast %mul3A_85 : i32 to vector<16xi32>
        %mul3A_87 = arith.muli %gather3A_84, %mul3A_86 : vector<16xi32>
        %add3A_88 = arith.addi %mul3A_87, %iota3A : vector<16xi32>
        %add3A_89 = arith.constant 3 : i32
        %add3A_90 = arith.addi %add3A_65, %add3A_89 : i32
        %broadcast_in_dim3A_91 = vector.broadcast %add3A_90 : i32 to vector<16xi32>
        %gather3A_92 = tpu.vector_load_idx %arg5[%broadcast_in_dim3A, %broadcast_in_dim3A_91] : memref<32x200xi32, #tpu.memory_space<vmem>>[vector<16xi32>, vector<16xi32>], vector<16xi32>,
        %mul3A_93 = arith.constant 256 : i32
        %mul3A_94 = vector.broadcast %mul3A_93 : i32 to vector<16xi32>
        %mul3A_95 = arith.muli %gather3A_92, %mul3A_94 : vector<16xi32>
        %add3A_96 = arith.addi %mul3A_95, %iota3A : vector<16xi32>
        %add3A_97 = arith.constant 0 : i32
        %add3A_98 = vector.broadcast %add3A_97 : i32 to vector<16xi32>
        %add3A_99 = arith.addi %add3A_72, %add3A_98 : vector<16xi32>
        %gather3A_100 = tpu.vector_load_idx %arg8[%add3A_99] : memref<768xf32, #tpu.memory_space<vmem>>[vector<16xi32>], vector<16xf32>,
        %add3A_101 = arith.constant 0 : i32
        %add3A_102 = vector.broadcast %add3A_101 : i32 to vector<16xi32>
        %add3A_103 = arith.addi %add3A_80, %add3A_102 : vector<16xi32>
        %gather3A_104 = tpu.vector_load_idx %arg8[%add3A_103] : memref<768xf32, #tpu.memory_space<vmem>>[vector<16xi32>], vector<16xf32>,
        %add3A_105 = arith.constant 0 : i32
        %add3A_106 = vector.broadcast %add3A_105 : i32 to vector<16xi32>
        %add3A_107 = arith.addi %add3A_88, %add3A_106 : vector<16xi32>
        %gather3A_108 = tpu.vector_load_idx %arg8[%add3A_107] : memref<768xf32, #tpu.memory_space<vmem>>[vector<16xi32>], vector<16xf32>,
        %add3A_109 = arith.constant 0 : i32
        %add3A_110 = vector.broadcast %add3A_109 : i32 to vector<16xi32>
        %add3A_111 = arith.addi %add3A_96, %add3A_110 : vector<16xi32>
        %gather3A_112 = tpu.vector_load_idx %arg8[%add3A_111] : memref<768xf32, #tpu.memory_space<vmem>>[vector<16xi32>], vector<16xf32>,
        %add3A_113 = arith.constant 0 : i32
        %add3A_114 = arith.addi %add3A_65, %add3A_113 : i32
        %swap3A = arith.index_cast %add3A_114 : i32 to index
        %swap3A_115 = arith.constant 0 : index
        %swap3A_116 = tpu.vector_load %arg7[%swap3A, %swap3A_115] {strides = array<i32>} : memref<200x256xf32, #tpu.memory_space<vmem>>, vector<16xf32>,
        tpu.vector_store %arg7[%swap3A, %swap3A_115], %gather3A_100 {strides = array<i32>} : memref<200x256xf32, #tpu.memory_space<vmem>>, vector<16xf32>,
        %add3A_117 = arith.constant 1 : i32
        %add3A_118 = arith.addi %add3A_65, %add3A_117 : i32
        %swap3A_119 = arith.index_cast %add3A_118 : i32 to index
        %swap3A_120 = arith.constant 0 : index
        %swap3A_121 = tpu.vector_load %arg7[%swap3A_119, %swap3A_120] {strides = array<i32>} : memref<200x256xf32, #tpu.memory_space<vmem>>, vector<16xf32>,
        tpu.vector_store %arg7[%swap3A_119, %swap3A_120], %gather3A_104 {strides = array<i32>} : memref<200x256xf32, #tpu.memory_space<vmem>>, vector<16xf32>,
        %add3A_122 = arith.constant 2 : i32
        %add3A_123 = arith.addi %add3A_65, %add3A_122 : i32
        %swap3A_124 = arith.index_cast %add3A_123 : i32 to index
        %swap3A_125 = arith.constant 0 : index
        %swap3A_126 = tpu.vector_load %arg7[%swap3A_124, %swap3A_125] {strides = array<i32>} : memref<200x256xf32, #tpu.memory_space<vmem>>, vector<16xf32>,
        tpu.vector_store %arg7[%swap3A_124, %swap3A_125], %gather3A_108 {strides = array<i32>} : memref<200x256xf32, #tpu.memory_space<vmem>>, vector<16xf32>,
        %add3A_127 = arith.constant 3 : i32
        %add3A_128 = arith.addi %add3A_65, %add3A_127 : i32
        %swap3A_129 = arith.index_cast %add3A_128 : i32 to index
        %swap3A_130 = arith.constant 0 : index
        %swap3A_131 = tpu.vector_load %arg7[%swap3A_129, %swap3A_130] {strides = array<i32>} : memref<200x256xf32, #tpu.memory_space<vmem>>, vector<16xf32>,
        tpu.vector_store %arg7[%swap3A_129, %swap3A_130], %gather3A_112 {strides = array<i32>} : memref<200x256xf32, #tpu.memory_space<vmem>>, vector<16xf32>,
        %add3A_132 = arith.constant 16 : i32
        %add3A_133 = vector.broadcast %add3A_132 : i32 to vector<16xi32>
        %add3A_134 = arith.addi %add3A_72, %add3A_133 : vector<16xi32>
        %gather3A_135 = tpu.vector_load_idx %arg8[%add3A_134] : memref<768xf32, #tpu.memory_space<vmem>>[vector<16xi32>], vector<16xf32>,
        %add3A_136 = arith.constant 16 : i32
        %add3A_137 = vector.broadcast %add3A_136 : i32 to vector<16xi32>
        %add3A_138 = arith.addi %add3A_80, %add3A_137 : vector<16xi32>
        %gather3A_139 = tpu.vector_load_idx %arg8[%add3A_138] : memref<768xf32, #tpu.memory_space<vmem>>[vector<16xi32>], vector<16xf32>,
        %add3A_140 = arith.constant 16 : i32
        %add3A_141 = vector.broadcast %add3A_140 : i32 to vector<16xi32>
        %add3A_142 = arith.addi %add3A_88, %add3A_141 : vector<16xi32>
        %gather3A_143 = tpu.vector_load_idx %arg8[%add3A_142] : memref<768xf32, #tpu.memory_space<vmem>>[vector<16xi32>], vector<16xf32>,
        %add3A_144 = arith.constant 16 : i32
        %add3A_145 = vector.broadcast %add3A_144 : i32 to vector<16xi32>
        %add3A_146 = arith.addi %add3A_96, %add3A_145 : vector<16xi32>
        %gather3A_147 = tpu.vector_load_idx %arg8[%add3A_146] : memref<768xf32, #tpu.memory_space<vmem>>[vector<16xi32>], vector<16xf32>,
        %add3A_148 = arith.constant 0 : i32
        %add3A_149 = arith.addi %add3A_65, %add3A_148 : i32
        %swap3A_150 = arith.index_cast %add3A_149 : i32 to index
        %swap3A_151 = arith.constant 16 : index
        %swap3A_152 = tpu.vector_load %arg7[%swap3A_150, %swap3A_151] {strides = array<i32>} : memref<200x256xf32, #tpu.memory_space<vmem>>, vector<16xf32>,
        tpu.vector_store %arg7[%swap3A_150, %swap3A_151], %gather3A_135 {strides = array<i32>} : memref<200x256xf32, #tpu.memory_space<vmem>>, vector<16xf32>,
        %add3A_153 = arith.constant 1 : i32
        %add3A_154 = arith.addi %add3A_65, %add3A_153 : i32
        %swap3A_155 = arith.index_cast %add3A_154 : i32 to index
        %swap3A_156 = arith.constant 16 : index
        %swap3A_157 = tpu.vector_load %arg7[%swap3A_155, %swap3A_156] {strides = array<i32>} : memref<200x256xf32, #tpu.memory_space<vmem>>, vector<16xf32>,
        tpu.vector_store %arg7[%swap3A_155, %swap3A_156], %gather3A_139 {strides = array<i32>} : memref<200x256xf32, #tpu.memory_space<vmem>>, vector<16xf32>,
        %add3A_158 = arith.constant 2 : i32
        %add3A_159 = arith.addi %add3A_65, %add3A_158 : i32
        %swap3A_160 = arith.index_cast %add3A_159 : i32 to index
        %swap3A_161 = arith.constant 16 : index
        %swap3A_162 = tpu.vector_load %arg7[%swap3A_160, %swap3A_161] {strides = array<i32>} : memref<200x256xf32, #tpu.memory_space<vmem>>, vector<16xf32>,
        tpu.vector_store %arg7[%swap3A_160, %swap3A_161], %gather3A_143 {strides = array<i32>} : memref<200x256xf32, #tpu.memory_space<vmem>>, vector<16xf32>,
        %add3A_163 = arith.constant 3 : i32
        %add3A_164 = arith.addi %add3A_65, %add3A_163 : i32
        %swap3A_165 = arith.index_cast %add3A_164 : i32 to index
        %swap3A_166 = arith.constant 16 : index
        %swap3A_167 = tpu.vector_load %arg7[%swap3A_165, %swap3A_166] {strides = array<i32>} : memref<200x256xf32, #tpu.memory_space<vmem>>, vector<16xf32>,
        tpu.vector_store %arg7[%swap3A_165, %swap3A_166], %gather3A_147 {strides = array<i32>} : memref<200x256xf32, #tpu.memory_space<vmem>>, vector<16xf32>,
        %add3A_168 = arith.constant 32 : i32
        %add3A_169 = vector.broadcast %add3A_168 : i32 to vector<16xi32>
        %add3A_170 = arith.addi %add3A_72, %add3A_169 : vector<16xi32>
        %gather3A_171 = tpu.vector_load_idx %arg8[%add3A_170] : memref<768xf32, #tpu.memory_space<vmem>>[vector<16xi32>], vector<16xf32>,
        %add3A_172 = arith.constant 32 : i32
        %add3A_173 = vector.broadcast %add3A_172 : i32 to vector<16xi32>
        %add3A_174 = arith.addi %add3A_80, %add3A_173 : vector<16xi32>
        %gather3A_175 = tpu.vector_load_idx %arg8[%add3A_174] : memref<768xf32, #tpu.memory_space<vmem>>[vector<16xi32>], vector<16xf32>,
        %add3A_176 = arith.constant 32 : i32
        %add3A_177 = vector.broadcast %add3A_176 : i32 to vector<16xi32>
        %add3A_178 = arith.addi %add3A_88, %add3A_177 : vector<16xi32>
        %gather3A_179 = tpu.vector_load_idx %arg8[%add3A_178] : memref<768xf32, #tpu.memory_space<vmem>>[vector<16xi32>], vector<16xf32>,
        %add3A_180 = arith.constant 32 : i32
        %add3A_181 = vector.broadcast %add3A_180 : i32 to vector<16xi32>
        %add3A_182 = arith.addi %add3A_96, %add3A_181 : vector<16xi32>
        %gather3A_183 = tpu.vector_load_idx %arg8[%add3A_182] : memref<768xf32, #tpu.memory_space<vmem>>[vector<16xi32>], vector<16xf32>,
        %add3A_184 = arith.constant 0 : i32
        %add3A_185 = arith.addi %add3A_65, %add3A_184 : i32
        %swap3A_186 = arith.index_cast %add3A_185 : i32 to index
        %swap3A_187 = arith.constant 32 : index
        %swap3A_188 = tpu.vector_load %arg7[%swap3A_186, %swap3A_187] {strides = array<i32>} : memref<200x256xf32, #tpu.memory_space<vmem>>, vector<16xf32>,
        tpu.vector_store %arg7[%swap3A_186, %swap3A_187], %gather3A_171 {strides = array<i32>} : memref<200x256xf32, #tpu.memory_space<vmem>>, vector<16xf32>,
        %add3A_189 = arith.constant 1 : i32
        %add3A_190 = arith.addi %add3A_65, %add3A_189 : i32
        %swap3A_191 = arith.index_cast %add3A_190 : i32 to index
        %swap3A_192 = arith.constant 32 : index
        %swap3A_193 = tpu.vector_load %arg7[%swap3A_191, %swap3A_192] {strides = array<i32>} : memref<200x256xf32, #tpu.memory_space<vmem>>, vector<16xf32>,
        tpu.vector_store %arg7[%swap3A_191, %swap3A_192], %gather3A_175 {strides = array<i32>} : memref<200x256xf32, #tpu.memory_space<vmem>>, vector<16xf32>,
        %add3A_194 = arith.constant 2 : i32
        %add3A_195 = arith.addi %add3A_65, %add3A_194 : i32
        %swap3A_196 = arith.index_cast %add3A_195 : i32 to index
        %swap3A_197 = arith.constant 32 : index
        %swap3A_198 = tpu.vector_load %arg7[%swap3A_196, %swap3A_197] {strides = array<i32>} : memref<200x256xf32, #tpu.memory_space<vmem>>, vector<16xf32>,
        tpu.vector_store %arg7[%swap3A_196, %swap3A_197], %gather3A_179 {strides = array<i32>} : memref<200x256xf32, #tpu.memory_space<vmem>>, vector<16xf32>,
        %add3A_199 = arith.constant 3 : i32
        %add3A_200 = arith.addi %add3A_65, %add3A_199 : i32
        %swap3A_201 = arith.index_cast %add3A_200 : i32 to index
        %swap3A_202 = arith.constant 32 : index
        %swap3A_203 = tpu.vector_load %arg7[%swap3A_201, %swap3A_202] {strides = array<i32>} : memref<200x256xf32, #tpu.memory_space<vmem>>, vector<16xf32>,
        tpu.vector_store %arg7[%swap3A_201, %swap3A_202], %gather3A_183 {strides = array<i32>} : memref<200x256xf32, #tpu.memory_space<vmem>>, vector<16xf32>,
        %add3A_204 = arith.constant 48 : i32
        %add3A_205 = vector.broadcast %add3A_204 : i32 to vector<16xi32>
        %add3A_206 = arith.addi %add3A_72, %add3A_205 : vector<16xi32>
        %gather3A_207 = tpu.vector_load_idx %arg8[%add3A_206] : memref<768xf32, #tpu.memory_space<vmem>>[vector<16xi32>], vector<16xf32>,
        %add3A_208 = arith.constant 48 : i32
        %add3A_209 = vector.broadcast %add3A_208 : i32 to vector<16xi32>
        %add3A_210 = arith.addi %add3A_80, %add3A_209 : vector<16xi32>
        %gather3A_211 = tpu.vector_load_idx %arg8[%add3A_210] : memref<768xf32, #tpu.memory_space<vmem>>[vector<16xi32>], vector<16xf32>,
        %add3A_212 = arith.constant 48 : i32
        %add3A_213 = vector.broadcast %add3A_212 : i32 to vector<16xi32>
        %add3A_214 = arith.addi %add3A_88, %add3A_213 : vector<16xi32>
        %gather3A_215 = tpu.vector_load_idx %arg8[%add3A_214] : memref<768xf32, #tpu.memory_space<vmem>>[vector<16xi32>], vector<16xf32>,
        %add3A_216 = arith.constant 48 : i32
        %add3A_217 = vector.broadcast %add3A_216 : i32 to vector<16xi32>
        %add3A_218 = arith.addi %add3A_96, %add3A_217 : vector<16xi32>
        %gather3A_219 = tpu.vector_load_idx %arg8[%add3A_218] : memref<768xf32, #tpu.memory_space<vmem>>[vector<16xi32>], vector<16xf32>,
        %add3A_220 = arith.constant 0 : i32
        %add3A_221 = arith.addi %add3A_65, %add3A_220 : i32
        %swap3A_222 = arith.index_cast %add3A_221 : i32 to index
        %swap3A_223 = arith.constant 48 : index
        %swap3A_224 = tpu.vector_load %arg7[%swap3A_222, %swap3A_223] {strides = array<i32>} : memref<200x256xf32, #tpu.memory_space<vmem>>, vector<16xf32>,
        tpu.vector_store %arg7[%swap3A_222, %swap3A_223], %gather3A_207 {strides = array<i32>} : memref<200x256xf32, #tpu.memory_space<vmem>>, vector<16xf32>,
        %add3A_225 = arith.constant 1 : i32
        %add3A_226 = arith.addi %add3A_65, %add3A_225 : i32
        %swap3A_227 = arith.index_cast %add3A_226 : i32 to index
        %swap3A_228 = arith.constant 48 : index
        %swap3A_229 = tpu.vector_load %arg7[%swap3A_227, %swap3A_228] {strides = array<i32>} : memref<200x256xf32, #tpu.memory_space<vmem>>, vector<16xf32>,
        tpu.vector_store %arg7[%swap3A_227, %swap3A_228], %gather3A_211 {strides = array<i32>} : memref<200x256xf32, #tpu.memory_space<vmem>>, vector<16xf32>,
        %add3A_230 = arith.constant 2 : i32
        %add3A_231 = arith.addi %add3A_65, %add3A_230 : i32
        %swap3A_232 = arith.index_cast %add3A_231 : i32 to index
        %swap3A_233 = arith.constant 48 : index
        %swap3A_234 = tpu.vector_load %arg7[%swap3A_232, %swap3A_233] {strides = array<i32>} : memref<200x256xf32, #tpu.memory_space<vmem>>, vector<16xf32>,
        tpu.vector_store %arg7[%swap3A_232, %swap3A_233], %gather3A_215 {strides = array<i32>} : memref<200x256xf32, #tpu.memory_space<vmem>>, vector<16xf32>,
        %add3A_235 = arith.constant 3 : i32
        %add3A_236 = arith.addi %add3A_65, %add3A_235 : i32
        %swap3A_237 = arith.index_cast %add3A_236 : i32 to index
        %swap3A_238 = arith.constant 48 : index
        %swap3A_239 = tpu.vector_load %arg7[%swap3A_237, %swap3A_238] {strides = array<i32>} : memref<200x256xf32, #tpu.memory_space<vmem>>, vector<16xf32>,
        tpu.vector_store %arg7[%swap3A_237, %swap3A_238], %gather3A_219 {strides = array<i32>} : memref<200x256xf32, #tpu.memory_space<vmem>>, vector<16xf32>,
        %add3A_240 = arith.constant 64 : i32
        %add3A_241 = vector.broadcast %add3A_240 : i32 to vector<16xi32>
        %add3A_242 = arith.addi %add3A_72, %add3A_241 : vector<16xi32>
        %gather3A_243 = tpu.vector_load_idx %arg8[%add3A_242] : memref<768xf32, #tpu.memory_space<vmem>>[vector<16xi32>], vector<16xf32>,
        %add3A_244 = arith.constant 64 : i32
        %add3A_245 = vector.broadcast %add3A_244 : i32 to vector<16xi32>
        %add3A_246 = arith.addi %add3A_80, %add3A_245 : vector<16xi32>
        %gather3A_247 = tpu.vector_load_idx %arg8[%add3A_246] : memref<768xf32, #tpu.memory_space<vmem>>[vector<16xi32>], vector<16xf32>,
        %add3A_248 = arith.constant 64 : i32
        %add3A_249 = vector.broadcast %add3A_248 : i32 to vector<16xi32>
        %add3A_250 = arith.addi %add3A_88, %add3A_249 : vector<16xi32>
        %gather3A_251 = tpu.vector_load_idx %arg8[%add3A_250] : memref<768xf32, #tpu.memory_space<vmem>>[vector<16xi32>], vector<16xf32>,
        %add3A_252 = arith.constant 64 : i32
        %add3A_253 = vector.broadcast %add3A_252 : i32 to vector<16xi32>
        %add3A_254 = arith.addi %add3A_96, %add3A_253 : vector<16xi32>
        %gather3A_255 = tpu.vector_load_idx %arg8[%add3A_254] : memref<768xf32, #tpu.memory_space<vmem>>[vector<16xi32>], vector<16xf32>,
        %add3A_256 = arith.constant 0 : i32
        %add3A_257 = arith.addi %add3A_65, %add3A_256 : i32
        %swap3A_258 = arith.index_cast %add3A_257 : i32 to index
        %swap3A_259 = arith.constant 64 : index
        %swap3A_260 = tpu.vector_load %arg7[%swap3A_258, %swap3A_259] {strides = array<i32>} : memref<200x256xf32, #tpu.memory_space<vmem>>, vector<16xf32>,
        tpu.vector_store %arg7[%swap3A_258, %swap3A_259], %gather3A_243 {strides = array<i32>} : memref<200x256xf32, #tpu.memory_space<vmem>>, vector<16xf32>,
        %add3A_261 = arith.constant 1 : i32
        %add3A_262 = arith.addi %add3A_65, %add3A_261 : i32
        %swap3A_263 = arith.index_cast %add3A_262 : i32 to index
        %swap3A_264 = arith.constant 64 : index
        %swap3A_265 = tpu.vector_load %arg7[%swap3A_263, %swap3A_264] {strides = array<i32>} : memref<200x256xf32, #tpu.memory_space<vmem>>, vector<16xf32>,
        tpu.vector_store %arg7[%swap3A_263, %swap3A_264], %gather3A_247 {strides = array<i32>} : memref<200x256xf32, #tpu.memory_space<vmem>>, vector<16xf32>,
        %add3A_266 = arith.constant 2 : i32
        %add3A_267 = arith.addi %add3A_65, %add3A_266 : i32
        %swap3A_268 = arith.index_cast %add3A_267 : i32 to index
        %swap3A_269 = arith.constant 64 : index
        %swap3A_270 = tpu.vector_load %arg7[%swap3A_268, %swap3A_269] {strides = array<i32>} : memref<200x256xf32, #tpu.memory_space<vmem>>, vector<16xf32>,
        tpu.vector_store %arg7[%swap3A_268, %swap3A_269], %gather3A_251 {strides = array<i32>} : memref<200x256xf32, #tpu.memory_space<vmem>>, vector<16xf32>,
        %add3A_271 = arith.constant 3 : i32
        %add3A_272 = arith.addi %add3A_65, %add3A_271 : i32
        %swap3A_273 = arith.index_cast %add3A_272 : i32 to index
        %swap3A_274 = arith.constant 64 : index
        %swap3A_275 = tpu.vector_load %arg7[%swap3A_273, %swap3A_274] {strides = array<i32>} : memref<200x256xf32, #tpu.memory_space<vmem>>, vector<16xf32>,
        tpu.vector_store %arg7[%swap3A_273, %swap3A_274], %gather3A_255 {strides = array<i32>} : memref<200x256xf32, #tpu.memory_space<vmem>>, vector<16xf32>,
        %add3A_276 = arith.constant 80 : i32
        %add3A_277 = vector.broadcast %add3A_276 : i32 to vector<16xi32>
        %add3A_278 = arith.addi %add3A_72, %add3A_277 : vector<16xi32>
        %gather3A_279 = tpu.vector_load_idx %arg8[%add3A_278] : memref<768xf32, #tpu.memory_space<vmem>>[vector<16xi32>], vector<16xf32>,
        %add3A_280 = arith.constant 80 : i32
        %add3A_281 = vector.broadcast %add3A_280 : i32 to vector<16xi32>
        %add3A_282 = arith.addi %add3A_80, %add3A_281 : vector<16xi32>
        %gather3A_283 = tpu.vector_load_idx %arg8[%add3A_282] : memref<768xf32, #tpu.memory_space<vmem>>[vector<16xi32>], vector<16xf32>,
        %add3A_284 = arith.constant 80 : i32
        %add3A_285 = vector.broadcast %add3A_284 : i32 to vector<16xi32>
        %add3A_286 = arith.addi %add3A_88, %add3A_285 : vector<16xi32>
        %gather3A_287 = tpu.vector_load_idx %arg8[%add3A_286] : memref<768xf32, #tpu.memory_space<vmem>>[vector<16xi32>], vector<16xf32>,
        %add3A_288 = arith.constant 80 : i32
        %add3A_289 = vector.broadcast %add3A_288 : i32 to vector<16xi32>
        %add3A_290 = arith.addi %add3A_96, %add3A_289 : vector<16xi32>
        %gather3A_291 = tpu.vector_load_idx %arg8[%add3A_290] : memref<768xf32, #tpu.memory_space<vmem>>[vector<16xi32>], vector<16xf32>,
        %add3A_292 = arith.constant 0 : i32
        %add3A_293 = arith.addi %add3A_65, %add3A_292 : i32
        %swap3A_294 = arith.index_cast %add3A_293 : i32 to index
        %swap3A_295 = arith.constant 80 : index
        %swap3A_296 = tpu.vector_load %arg7[%swap3A_294, %swap3A_295] {strides = array<i32>} : memref<200x256xf32, #tpu.memory_space<vmem>>, vector<16xf32>,
        tpu.vector_store %arg7[%swap3A_294, %swap3A_295], %gather3A_279 {strides = array<i32>} : memref<200x256xf32, #tpu.memory_space<vmem>>, vector<16xf32>,
        %add3A_297 = arith.constant 1 : i32
        %add3A_298 = arith.addi %add3A_65, %add3A_297 : i32
        %swap3A_299 = arith.index_cast %add3A_298 : i32 to index
        %swap3A_300 = arith.constant 80 : index
        %swap3A_301 = tpu.vector_load %arg7[%swap3A_299, %swap3A_300] {strides = array<i32>} : memref<200x256xf32, #tpu.memory_space<vmem>>, vector<16xf32>,
        tpu.vector_store %arg7[%swap3A_299, %swap3A_300], %gather3A_283 {strides = array<i32>} : memref<200x256xf32, #tpu.memory_space<vmem>>, vector<16xf32>,
        %add3A_302 = arith.constant 2 : i32
        %add3A_303 = arith.addi %add3A_65, %add3A_302 : i32
        %swap3A_304 = arith.index_cast %add3A_303 : i32 to index
        %swap3A_305 = arith.constant 80 : index
        %swap3A_306 = tpu.vector_load %arg7[%swap3A_304, %swap3A_305] {strides = array<i32>} : memref<200x256xf32, #tpu.memory_space<vmem>>, vector<16xf32>,
        tpu.vector_store %arg7[%swap3A_304, %swap3A_305], %gather3A_287 {strides = array<i32>} : memref<200x256xf32, #tpu.memory_space<vmem>>, vector<16xf32>,
        %add3A_307 = arith.constant 3 : i32
        %add3A_308 = arith.addi %add3A_65, %add3A_307 : i32
        %swap3A_309 = arith.index_cast %add3A_308 : i32 to index
        %swap3A_310 = arith.constant 80 : index
        %swap3A_311 = tpu.vector_load %arg7[%swap3A_309, %swap3A_310] {strides = array<i32>} : memref<200x256xf32, #tpu.memory_space<vmem>>, vector<16xf32>,
        tpu.vector_store %arg7[%swap3A_309, %swap3A_310], %gather3A_291 {strides = array<i32>} : memref<200x256xf32, #tpu.memory_space<vmem>>, vector<16xf32>,
        %add3A_312 = arith.constant 96 : i32
        %add3A_313 = vector.broadcast %add3A_312 : i32 to vector<16xi32>
        %add3A_314 = arith.addi %add3A_72, %add3A_313 : vector<16xi32>
        %gather3A_315 = tpu.vector_load_idx %arg8[%add3A_314] : memref<768xf32, #tpu.memory_space<vmem>>[vector<16xi32>], vector<16xf32>,
        %add3A_316 = arith.constant 96 : i32
        %add3A_317 = vector.broadcast %add3A_316 : i32 to vector<16xi32>
        %add3A_318 = arith.addi %add3A_80, %add3A_317 : vector<16xi32>
        %gather3A_319 = tpu.vector_load_idx %arg8[%add3A_318] : memref<768xf32, #tpu.memory_space<vmem>>[vector<16xi32>], vector<16xf32>,
        %add3A_320 = arith.constant 96 : i32
        %add3A_321 = vector.broadcast %add3A_320 : i32 to vector<16xi32>
        %add3A_322 = arith.addi %add3A_88, %add3A_321 : vector<16xi32>
        %gather3A_323 = tpu.vector_load_idx %arg8[%add3A_322] : memref<768xf32, #tpu.memory_space<vmem>>[vector<16xi32>], vector<16xf32>,
        %add3A_324 = arith.constant 96 : i32
        %add3A_325 = vector.broadcast %add3A_324 : i32 to vector<16xi32>
        %add3A_326 = arith.addi %add3A_96, %add3A_325 : vector<16xi32>
        %gather3A_327 = tpu.vector_load_idx %arg8[%add3A_326] : memref<768xf32, #tpu.memory_space<vmem>>[vector<16xi32>], vector<16xf32>,
        %add3A_328 = arith.constant 0 : i32
        %add3A_329 = arith.addi %add3A_65, %add3A_328 : i32
        %swap3A_330 = arith.index_cast %add3A_329 : i32 to index
        %swap3A_331 = arith.constant 96 : index
        %swap3A_332 = tpu.vector_load %arg7[%swap3A_330, %swap3A_331] {strides = array<i32>} : memref<200x256xf32, #tpu.memory_space<vmem>>, vector<16xf32>,
        tpu.vector_store %arg7[%swap3A_330, %swap3A_331], %gather3A_315 {strides = array<i32>} : memref<200x256xf32, #tpu.memory_space<vmem>>, vector<16xf32>,
        %add3A_333 = arith.constant 1 : i32
        %add3A_334 = arith.addi %add3A_65, %add3A_333 : i32
        %swap3A_335 = arith.index_cast %add3A_334 : i32 to index
        %swap3A_336 = arith.constant 96 : index
        %swap3A_337 = tpu.vector_load %arg7[%swap3A_335, %swap3A_336] {strides = array<i32>} : memref<200x256xf32, #tpu.memory_space<vmem>>, vector<16xf32>,
        tpu.vector_store %arg7[%swap3A_335, %swap3A_336], %gather3A_319 {strides = array<i32>} : memref<200x256xf32, #tpu.memory_space<vmem>>, vector<16xf32>,
        %add3A_338 = arith.constant 2 : i32
        %add3A_339 = arith.addi %add3A_65, %add3A_338 : i32
        %swap3A_340 = arith.index_cast %add3A_339 : i32 to index
        %swap3A_341 = arith.constant 96 : index
        %swap3A_342 = tpu.vector_load %arg7[%swap3A_340, %swap3A_341] {strides = array<i32>} : memref<200x256xf32, #tpu.memory_space<vmem>>, vector<16xf32>,
        tpu.vector_store %arg7[%swap3A_340, %swap3A_341], %gather3A_323 {strides = array<i32>} : memref<200x256xf32, #tpu.memory_space<vmem>>, vector<16xf32>,
        %add3A_343 = arith.constant 3 : i32
        %add3A_344 = arith.addi %add3A_65, %add3A_343 : i32
        %swap3A_345 = arith.index_cast %add3A_344 : i32 to index
        %swap3A_346 = arith.constant 96 : index
        %swap3A_347 = tpu.vector_load %arg7[%swap3A_345, %swap3A_346] {strides = array<i32>} : memref<200x256xf32, #tpu.memory_space<vmem>>, vector<16xf32>,
        tpu.vector_store %arg7[%swap3A_345, %swap3A_346], %gather3A_327 {strides = array<i32>} : memref<200x256xf32, #tpu.memory_space<vmem>>, vector<16xf32>,
        %add3A_348 = arith.constant 112 : i32
        %add3A_349 = vector.broadcast %add3A_348 : i32 to vector<16xi32>
        %add3A_350 = arith.addi %add3A_72, %add3A_349 : vector<16xi32>
        %gather3A_351 = tpu.vector_load_idx %arg8[%add3A_350] : memref<768xf32, #tpu.memory_space<vmem>>[vector<16xi32>], vector<16xf32>,
        %add3A_352 = arith.constant 112 : i32
        %add3A_353 = vector.broadcast %add3A_352 : i32 to vector<16xi32>
        %add3A_354 = arith.addi %add3A_80, %add3A_353 : vector<16xi32>
        %gather3A_355 = tpu.vector_load_idx %arg8[%add3A_354] : memref<768xf32, #tpu.memory_space<vmem>>[vector<16xi32>], vector<16xf32>,
        %add3A_356 = arith.constant 112 : i32
        %add3A_357 = vector.broadcast %add3A_356 : i32 to vector<16xi32>
        %add3A_358 = arith.addi %add3A_88, %add3A_357 : vector<16xi32>
        %gather3A_359 = tpu.vector_load_idx %arg8[%add3A_358] : memref<768xf32, #tpu.memory_space<vmem>>[vector<16xi32>], vector<16xf32>,
        %add3A_360 = arith.constant 112 : i32
        %add3A_361 = vector.broadcast %add3A_360 : i32 to vector<16xi32>
        %add3A_362 = arith.addi %add3A_96, %add3A_361 : vector<16xi32>
        %gather3A_363 = tpu.vector_load_idx %arg8[%add3A_362] : memref<768xf32, #tpu.memory_space<vmem>>[vector<16xi32>], vector<16xf32>,
        %add3A_364 = arith.constant 0 : i32
        %add3A_365 = arith.addi %add3A_65, %add3A_364 : i32
        %swap3A_366 = arith.index_cast %add3A_365 : i32 to index
        %swap3A_367 = arith.constant 112 : index
        %swap3A_368 = tpu.vector_load %arg7[%swap3A_366, %swap3A_367] {strides = array<i32>} : memref<200x256xf32, #tpu.memory_space<vmem>>, vector<16xf32>,
        tpu.vector_store %arg7[%swap3A_366, %swap3A_367], %gather3A_351 {strides = array<i32>} : memref<200x256xf32, #tpu.memory_space<vmem>>, vector<16xf32>,
        %add3A_369 = arith.constant 1 : i32
        %add3A_370 = arith.addi %add3A_65, %add3A_369 : i32
        %swap3A_371 = arith.index_cast %add3A_370 : i32 to index
        %swap3A_372 = arith.constant 112 : index
        %swap3A_373 = tpu.vector_load %arg7[%swap3A_371, %swap3A_372] {strides = array<i32>} : memref<200x256xf32, #tpu.memory_space<vmem>>, vector<16xf32>,
        tpu.vector_store %arg7[%swap3A_371, %swap3A_372], %gather3A_355 {strides = array<i32>} : memref<200x256xf32, #tpu.memory_space<vmem>>, vector<16xf32>,
        %add3A_374 = arith.constant 2 : i32
        %add3A_375 = arith.addi %add3A_65, %add3A_374 : i32
        %swap3A_376 = arith.index_cast %add3A_375 : i32 to index
        %swap3A_377 = arith.constant 112 : index
        %swap3A_378 = tpu.vector_load %arg7[%swap3A_376, %swap3A_377] {strides = array<i32>} : memref<200x256xf32, #tpu.memory_space<vmem>>, vector<16xf32>,
        tpu.vector_store %arg7[%swap3A_376, %swap3A_377], %gather3A_359 {strides = array<i32>} : memref<200x256xf32, #tpu.memory_space<vmem>>, vector<16xf32>,
        %add3A_379 = arith.constant 3 : i32
        %add3A_380 = arith.addi %add3A_65, %add3A_379 : i32
        %swap3A_381 = arith.index_cast %add3A_380 : i32 to index
        %swap3A_382 = arith.constant 112 : index
        %swap3A_383 = tpu.vector_load %arg7[%swap3A_381, %swap3A_382] {strides = array<i32>} : memref<200x256xf32, #tpu.memory_space<vmem>>, vector<16xf32>,
        tpu.vector_store %arg7[%swap3A_381, %swap3A_382], %gather3A_363 {strides = array<i32>} : memref<200x256xf32, #tpu.memory_space<vmem>>, vector<16xf32>,
        %add3A_384 = arith.constant 128 : i32
        %add3A_385 = vector.broadcast %add3A_384 : i32 to vector<16xi32>
        %add3A_386 = arith.addi %add3A_72, %add3A_385 : vector<16xi32>
        %gather3A_387 = tpu.vector_load_idx %arg8[%add3A_386] : memref<768xf32, #tpu.memory_space<vmem>>[vector<16xi32>], vector<16xf32>,
        %add3A_388 = arith.constant 128 : i32
        %add3A_389 = vector.broadcast %add3A_388 : i32 to vector<16xi32>
        %add3A_390 = arith.addi %add3A_80, %add3A_389 : vector<16xi32>
        %gather3A_391 = tpu.vector_load_idx %arg8[%add3A_390] : memref<768xf32, #tpu.memory_space<vmem>>[vector<16xi32>], vector<16xf32>,
        %add3A_392 = arith.constant 128 : i32
        %add3A_393 = vector.broadcast %add3A_392 : i32 to vector<16xi32>
        %add3A_394 = arith.addi %add3A_88, %add3A_393 : vector<16xi32>
        %gather3A_395 = tpu.vector_load_idx %arg8[%add3A_394] : memref<768xf32, #tpu.memory_space<vmem>>[vector<16xi32>], vector<16xf32>,
        %add3A_396 = arith.constant 128 : i32
        %add3A_397 = vector.broadcast %add3A_396 : i32 to vector<16xi32>
        %add3A_398 = arith.addi %add3A_96, %add3A_397 : vector<16xi32>
        %gather3A_399 = tpu.vector_load_idx %arg8[%add3A_398] : memref<768xf32, #tpu.memory_space<vmem>>[vector<16xi32>], vector<16xf32>,
        %add3A_400 = arith.constant 0 : i32
        %add3A_401 = arith.addi %add3A_65, %add3A_400 : i32
        %swap3A_402 = arith.index_cast %add3A_401 : i32 to index
        %swap3A_403 = arith.constant 128 : index
        %swap3A_404 = tpu.vector_load %arg7[%swap3A_402, %swap3A_403] {strides = array<i32>} : memref<200x256xf32, #tpu.memory_space<vmem>>, vector<16xf32>,
        tpu.vector_store %arg7[%swap3A_402, %swap3A_403], %gather3A_387 {strides = array<i32>} : memref<200x256xf32, #tpu.memory_space<vmem>>, vector<16xf32>,
        %add3A_405 = arith.constant 1 : i32
        %add3A_406 = arith.addi %add3A_65, %add3A_405 : i32
        %swap3A_407 = arith.index_cast %add3A_406 : i32 to index
        %swap3A_408 = arith.constant 128 : index
        %swap3A_409 = tpu.vector_load %arg7[%swap3A_407, %swap3A_408] {strides = array<i32>} : memref<200x256xf32, #tpu.memory_space<vmem>>, vector<16xf32>,
        tpu.vector_store %arg7[%swap3A_407, %swap3A_408], %gather3A_391 {strides = array<i32>} : memref<200x256xf32, #tpu.memory_space<vmem>>, vector<16xf32>,
        %add3A_410 = arith.constant 2 : i32
        %add3A_411 = arith.addi %add3A_65, %add3A_410 : i32
        %swap3A_412 = arith.index_cast %add3A_411 : i32 to index
        %swap3A_413 = arith.constant 128 : index
        %swap3A_414 = tpu.vector_load %arg7[%swap3A_412, %swap3A_413] {strides = array<i32>} : memref<200x256xf32, #tpu.memory_space<vmem>>, vector<16xf32>,
        tpu.vector_store %arg7[%swap3A_412, %swap3A_413], %gather3A_395 {strides = array<i32>} : memref<200x256xf32, #tpu.memory_space<vmem>>, vector<16xf32>,
        %add3A_415 = arith.constant 3 : i32
        %add3A_416 = arith.addi %add3A_65, %add3A_415 : i32
        %swap3A_417 = arith.index_cast %add3A_416 : i32 to index
        %swap3A_418 = arith.constant 128 : index
        %swap3A_419 = tpu.vector_load %arg7[%swap3A_417, %swap3A_418] {strides = array<i32>} : memref<200x256xf32, #tpu.memory_space<vmem>>, vector<16xf32>,
        tpu.vector_store %arg7[%swap3A_417, %swap3A_418], %gather3A_399 {strides = array<i32>} : memref<200x256xf32, #tpu.memory_space<vmem>>, vector<16xf32>,
        %add3A_420 = arith.constant 144 : i32
        %add3A_421 = vector.broadcast %add3A_420 : i32 to vector<16xi32>
        %add3A_422 = arith.addi %add3A_72, %add3A_421 : vector<16xi32>
        %gather3A_423 = tpu.vector_load_idx %arg8[%add3A_422] : memref<768xf32, #tpu.memory_space<vmem>>[vector<16xi32>], vector<16xf32>,
        %add3A_424 = arith.constant 144 : i32
        %add3A_425 = vector.broadcast %add3A_424 : i32 to vector<16xi32>
        %add3A_426 = arith.addi %add3A_80, %add3A_425 : vector<16xi32>
        %gather3A_427 = tpu.vector_load_idx %arg8[%add3A_426] : memref<768xf32, #tpu.memory_space<vmem>>[vector<16xi32>], vector<16xf32>,
        %add3A_428 = arith.constant 144 : i32
        %add3A_429 = vector.broadcast %add3A_428 : i32 to vector<16xi32>
        %add3A_430 = arith.addi %add3A_88, %add3A_429 : vector<16xi32>
        %gather3A_431 = tpu.vector_load_idx %arg8[%add3A_430] : memref<768xf32, #tpu.memory_space<vmem>>[vector<16xi32>], vector<16xf32>,
        %add3A_432 = arith.constant 144 : i32
        %add3A_433 = vector.broadcast %add3A_432 : i32 to vector<16xi32>
        %add3A_434 = arith.addi %add3A_96, %add3A_433 : vector<16xi32>
        %gather3A_435 = tpu.vector_load_idx %arg8[%add3A_434] : memref<768xf32, #tpu.memory_space<vmem>>[vector<16xi32>], vector<16xf32>,
        %add3A_436 = arith.constant 0 : i32
        %add3A_437 = arith.addi %add3A_65, %add3A_436 : i32
        %swap3A_438 = arith.index_cast %add3A_437 : i32 to index
        %swap3A_439 = arith.constant 144 : index
        %swap3A_440 = tpu.vector_load %arg7[%swap3A_438, %swap3A_439] {strides = array<i32>} : memref<200x256xf32, #tpu.memory_space<vmem>>, vector<16xf32>,
        tpu.vector_store %arg7[%swap3A_438, %swap3A_439], %gather3A_423 {strides = array<i32>} : memref<200x256xf32, #tpu.memory_space<vmem>>, vector<16xf32>,
        %add3A_441 = arith.constant 1 : i32
        %add3A_442 = arith.addi %add3A_65, %add3A_441 : i32
        %swap3A_443 = arith.index_cast %add3A_442 : i32 to index
        %swap3A_444 = arith.constant 144 : index
        %swap3A_445 = tpu.vector_load %arg7[%swap3A_443, %swap3A_444] {strides = array<i32>} : memref<200x256xf32, #tpu.memory_space<vmem>>, vector<16xf32>,
        tpu.vector_store %arg7[%swap3A_443, %swap3A_444], %gather3A_427 {strides = array<i32>} : memref<200x256xf32, #tpu.memory_space<vmem>>, vector<16xf32>,
        %add3A_446 = arith.constant 2 : i32
        %add3A_447 = arith.addi %add3A_65, %add3A_446 : i32
        %swap3A_448 = arith.index_cast %add3A_447 : i32 to index
        %swap3A_449 = arith.constant 144 : index
        %swap3A_450 = tpu.vector_load %arg7[%swap3A_448, %swap3A_449] {strides = array<i32>} : memref<200x256xf32, #tpu.memory_space<vmem>>, vector<16xf32>,
        tpu.vector_store %arg7[%swap3A_448, %swap3A_449], %gather3A_431 {strides = array<i32>} : memref<200x256xf32, #tpu.memory_space<vmem>>, vector<16xf32>,
        %add3A_451 = arith.constant 3 : i32
        %add3A_452 = arith.addi %add3A_65, %add3A_451 : i32
        %swap3A_453 = arith.index_cast %add3A_452 : i32 to index
        %swap3A_454 = arith.constant 144 : index
        %swap3A_455 = tpu.vector_load %arg7[%swap3A_453, %swap3A_454] {strides = array<i32>} : memref<200x256xf32, #tpu.memory_space<vmem>>, vector<16xf32>,
        tpu.vector_store %arg7[%swap3A_453, %swap3A_454], %gather3A_435 {strides = array<i32>} : memref<200x256xf32, #tpu.memory_space<vmem>>, vector<16xf32>,
        %add3A_456 = arith.constant 160 : i32
        %add3A_457 = vector.broadcast %add3A_456 : i32 to vector<16xi32>
        %add3A_458 = arith.addi %add3A_72, %add3A_457 : vector<16xi32>
        %gather3A_459 = tpu.vector_load_idx %arg8[%add3A_458] : memref<768xf32, #tpu.memory_space<vmem>>[vector<16xi32>], vector<16xf32>,
        %add3A_460 = arith.constant 160 : i32
        %add3A_461 = vector.broadcast %add3A_460 : i32 to vector<16xi32>
        %add3A_462 = arith.addi %add3A_80, %add3A_461 : vector<16xi32>
        %gather3A_463 = tpu.vector_load_idx %arg8[%add3A_462] : memref<768xf32, #tpu.memory_space<vmem>>[vector<16xi32>], vector<16xf32>,
        %add3A_464 = arith.constant 160 : i32
        %add3A_465 = vector.broadcast %add3A_464 : i32 to vector<16xi32>
        %add3A_466 = arith.addi %add3A_88, %add3A_465 : vector<16xi32>
        %gather3A_467 = tpu.vector_load_idx %arg8[%add3A_466] : memref<768xf32, #tpu.memory_space<vmem>>[vector<16xi32>], vector<16xf32>,
        %add3A_468 = arith.constant 160 : i32
        %add3A_469 = vector.broadcast %add3A_468 : i32 to vector<16xi32>
        %add3A_470 = arith.addi %add3A_96, %add3A_469 : vector<16xi32>
        %gather3A_471 = tpu.vector_load_idx %arg8[%add3A_470] : memref<768xf32, #tpu.memory_space<vmem>>[vector<16xi32>], vector<16xf32>,
        %add3A_472 = arith.constant 0 : i32
        %add3A_473 = arith.addi %add3A_65, %add3A_472 : i32
        %swap3A_474 = arith.index_cast %add3A_473 : i32 to index
        %swap3A_475 = arith.constant 160 : index
        %swap3A_476 = tpu.vector_load %arg7[%swap3A_474, %swap3A_475] {strides = array<i32>} : memref<200x256xf32, #tpu.memory_space<vmem>>, vector<16xf32>,
        tpu.vector_store %arg7[%swap3A_474, %swap3A_475], %gather3A_459 {strides = array<i32>} : memref<200x256xf32, #tpu.memory_space<vmem>>, vector<16xf32>,
        %add3A_477 = arith.constant 1 : i32
        %add3A_478 = arith.addi %add3A_65, %add3A_477 : i32
        %swap3A_479 = arith.index_cast %add3A_478 : i32 to index
        %swap3A_480 = arith.constant 160 : index
        %swap3A_481 = tpu.vector_load %arg7[%swap3A_479, %swap3A_480] {strides = array<i32>} : memref<200x256xf32, #tpu.memory_space<vmem>>, vector<16xf32>,
        tpu.vector_store %arg7[%swap3A_479, %swap3A_480], %gather3A_463 {strides = array<i32>} : memref<200x256xf32, #tpu.memory_space<vmem>>, vector<16xf32>,
        %add3A_482 = arith.constant 2 : i32
        %add3A_483 = arith.addi %add3A_65, %add3A_482 : i32
        %swap3A_484 = arith.index_cast %add3A_483 : i32 to index
        %swap3A_485 = arith.constant 160 : index
        %swap3A_486 = tpu.vector_load %arg7[%swap3A_484, %swap3A_485] {strides = array<i32>} : memref<200x256xf32, #tpu.memory_space<vmem>>, vector<16xf32>,
        tpu.vector_store %arg7[%swap3A_484, %swap3A_485], %gather3A_467 {strides = array<i32>} : memref<200x256xf32, #tpu.memory_space<vmem>>, vector<16xf32>,
        %add3A_487 = arith.constant 3 : i32
        %add3A_488 = arith.addi %add3A_65, %add3A_487 : i32
        %swap3A_489 = arith.index_cast %add3A_488 : i32 to index
        %swap3A_490 = arith.constant 160 : index
        %swap3A_491 = tpu.vector_load %arg7[%swap3A_489, %swap3A_490] {strides = array<i32>} : memref<200x256xf32, #tpu.memory_space<vmem>>, vector<16xf32>,
        tpu.vector_store %arg7[%swap3A_489, %swap3A_490], %gather3A_471 {strides = array<i32>} : memref<200x256xf32, #tpu.memory_space<vmem>>, vector<16xf32>,
        %add3A_492 = arith.constant 176 : i32
        %add3A_493 = vector.broadcast %add3A_492 : i32 to vector<16xi32>
        %add3A_494 = arith.addi %add3A_72, %add3A_493 : vector<16xi32>
        %gather3A_495 = tpu.vector_load_idx %arg8[%add3A_494] : memref<768xf32, #tpu.memory_space<vmem>>[vector<16xi32>], vector<16xf32>,
        %add3A_496 = arith.constant 176 : i32
        %add3A_497 = vector.broadcast %add3A_496 : i32 to vector<16xi32>
        %add3A_498 = arith.addi %add3A_80, %add3A_497 : vector<16xi32>
        %gather3A_499 = tpu.vector_load_idx %arg8[%add3A_498] : memref<768xf32, #tpu.memory_space<vmem>>[vector<16xi32>], vector<16xf32>,
        %add3A_500 = arith.constant 176 : i32
        %add3A_501 = vector.broadcast %add3A_500 : i32 to vector<16xi32>
        %add3A_502 = arith.addi %add3A_88, %add3A_501 : vector<16xi32>
        %gather3A_503 = tpu.vector_load_idx %arg8[%add3A_502] : memref<768xf32, #tpu.memory_space<vmem>>[vector<16xi32>], vector<16xf32>,
        %add3A_504 = arith.constant 176 : i32
        %add3A_505 = vector.broadcast %add3A_504 : i32 to vector<16xi32>
        %add3A_506 = arith.addi %add3A_96, %add3A_505 : vector<16xi32>
        %gather3A_507 = tpu.vector_load_idx %arg8[%add3A_506] : memref<768xf32, #tpu.memory_space<vmem>>[vector<16xi32>], vector<16xf32>,
        %add3A_508 = arith.constant 0 : i32
        %add3A_509 = arith.addi %add3A_65, %add3A_508 : i32
        %swap3A_510 = arith.index_cast %add3A_509 : i32 to index
        %swap3A_511 = arith.constant 176 : index
        %swap3A_512 = tpu.vector_load %arg7[%swap3A_510, %swap3A_511] {strides = array<i32>} : memref<200x256xf32, #tpu.memory_space<vmem>>, vector<16xf32>,
        tpu.vector_store %arg7[%swap3A_510, %swap3A_511], %gather3A_495 {strides = array<i32>} : memref<200x256xf32, #tpu.memory_space<vmem>>, vector<16xf32>,
        %add3A_513 = arith.constant 1 : i32
        %add3A_514 = arith.addi %add3A_65, %add3A_513 : i32
        %swap3A_515 = arith.index_cast %add3A_514 : i32 to index
        %swap3A_516 = arith.constant 176 : index
        %swap3A_517 = tpu.vector_load %arg7[%swap3A_515, %swap3A_516] {strides = array<i32>} : memref<200x256xf32, #tpu.memory_space<vmem>>, vector<16xf32>,
        tpu.vector_store %arg7[%swap3A_515, %swap3A_516], %gather3A_499 {strides = array<i32>} : memref<200x256xf32, #tpu.memory_space<vmem>>, vector<16xf32>,
        %add3A_518 = arith.constant 2 : i32
        %add3A_519 = arith.addi %add3A_65, %add3A_518 : i32
        %swap3A_520 = arith.index_cast %add3A_519 : i32 to index
        %swap3A_521 = arith.constant 176 : index
        %swap3A_522 = tpu.vector_load %arg7[%swap3A_520, %swap3A_521] {strides = array<i32>} : memref<200x256xf32, #tpu.memory_space<vmem>>, vector<16xf32>,
        tpu.vector_store %arg7[%swap3A_520, %swap3A_521], %gather3A_503 {strides = array<i32>} : memref<200x256xf32, #tpu.memory_space<vmem>>, vector<16xf32>,
        %add3A_523 = arith.constant 3 : i32
        %add3A_524 = arith.addi %add3A_65, %add3A_523 : i32
        %swap3A_525 = arith.index_cast %add3A_524 : i32 to index
        %swap3A_526 = arith.constant 176 : index
        %swap3A_527 = tpu.vector_load %arg7[%swap3A_525, %swap3A_526] {strides = array<i32>} : memref<200x256xf32, #tpu.memory_space<vmem>>, vector<16xf32>,
        tpu.vector_store %arg7[%swap3A_525, %swap3A_526], %gather3A_507 {strides = array<i32>} : memref<200x256xf32, #tpu.memory_space<vmem>>, vector<16xf32>,
        %add3A_528 = arith.constant 192 : i32
        %add3A_529 = vector.broadcast %add3A_528 : i32 to vector<16xi32>
        %add3A_530 = arith.addi %add3A_72, %add3A_529 : vector<16xi32>
        %gather3A_531 = tpu.vector_load_idx %arg8[%add3A_530] : memref<768xf32, #tpu.memory_space<vmem>>[vector<16xi32>], vector<16xf32>,
        %add3A_532 = arith.constant 192 : i32
        %add3A_533 = vector.broadcast %add3A_532 : i32 to vector<16xi32>
        %add3A_534 = arith.addi %add3A_80, %add3A_533 : vector<16xi32>
        %gather3A_535 = tpu.vector_load_idx %arg8[%add3A_534] : memref<768xf32, #tpu.memory_space<vmem>>[vector<16xi32>], vector<16xf32>,
        %add3A_536 = arith.constant 192 : i32
        %add3A_537 = vector.broadcast %add3A_536 : i32 to vector<16xi32>
        %add3A_538 = arith.addi %add3A_88, %add3A_537 : vector<16xi32>
        %gather3A_539 = tpu.vector_load_idx %arg8[%add3A_538] : memref<768xf32, #tpu.memory_space<vmem>>[vector<16xi32>], vector<16xf32>,
        %add3A_540 = arith.constant 192 : i32
        %add3A_541 = vector.broadcast %add3A_540 : i32 to vector<16xi32>
        %add3A_542 = arith.addi %add3A_96, %add3A_541 : vector<16xi32>
        %gather3A_543 = tpu.vector_load_idx %arg8[%add3A_542] : memref<768xf32, #tpu.memory_space<vmem>>[vector<16xi32>], vector<16xf32>,
        %add3A_544 = arith.constant 0 : i32
        %add3A_545 = arith.addi %add3A_65, %add3A_544 : i32
        %swap3A_546 = arith.index_cast %add3A_545 : i32 to index
        %swap3A_547 = arith.constant 192 : index
        %swap3A_548 = tpu.vector_load %arg7[%swap3A_546, %swap3A_547] {strides = array<i32>} : memref<200x256xf32, #tpu.memory_space<vmem>>, vector<16xf32>,
        tpu.vector_store %arg7[%swap3A_546, %swap3A_547], %gather3A_531 {strides = array<i32>} : memref<200x256xf32, #tpu.memory_space<vmem>>, vector<16xf32>,
        %add3A_549 = arith.constant 1 : i32
        %add3A_550 = arith.addi %add3A_65, %add3A_549 : i32
        %swap3A_551 = arith.index_cast %add3A_550 : i32 to index
        %swap3A_552 = arith.constant 192 : index
        %swap3A_553 = tpu.vector_load %arg7[%swap3A_551, %swap3A_552] {strides = array<i32>} : memref<200x256xf32, #tpu.memory_space<vmem>>, vector<16xf32>,
        tpu.vector_store %arg7[%swap3A_551, %swap3A_552], %gather3A_535 {strides = array<i32>} : memref<200x256xf32, #tpu.memory_space<vmem>>, vector<16xf32>,
        %add3A_554 = arith.constant 2 : i32
        %add3A_555 = arith.addi %add3A_65, %add3A_554 : i32
        %swap3A_556 = arith.index_cast %add3A_555 : i32 to index
        %swap3A_557 = arith.constant 192 : index
        %swap3A_558 = tpu.vector_load %arg7[%swap3A_556, %swap3A_557] {strides = array<i32>} : memref<200x256xf32, #tpu.memory_space<vmem>>, vector<16xf32>,
        tpu.vector_store %arg7[%swap3A_556, %swap3A_557], %gather3A_539 {strides = array<i32>} : memref<200x256xf32, #tpu.memory_space<vmem>>, vector<16xf32>,
        %add3A_559 = arith.constant 3 : i32
        %add3A_560 = arith.addi %add3A_65, %add3A_559 : i32
        %swap3A_561 = arith.index_cast %add3A_560 : i32 to index
        %swap3A_562 = arith.constant 192 : index
        %swap3A_563 = tpu.vector_load %arg7[%swap3A_561, %swap3A_562] {strides = array<i32>} : memref<200x256xf32, #tpu.memory_space<vmem>>, vector<16xf32>,
        tpu.vector_store %arg7[%swap3A_561, %swap3A_562], %gather3A_543 {strides = array<i32>} : memref<200x256xf32, #tpu.memory_space<vmem>>, vector<16xf32>,
        %add3A_564 = arith.constant 208 : i32
        %add3A_565 = vector.broadcast %add3A_564 : i32 to vector<16xi32>
        %add3A_566 = arith.addi %add3A_72, %add3A_565 : vector<16xi32>
        %gather3A_567 = tpu.vector_load_idx %arg8[%add3A_566] : memref<768xf32, #tpu.memory_space<vmem>>[vector<16xi32>], vector<16xf32>,
        %add3A_568 = arith.constant 208 : i32
        %add3A_569 = vector.broadcast %add3A_568 : i32 to vector<16xi32>
        %add3A_570 = arith.addi %add3A_80, %add3A_569 : vector<16xi32>
        %gather3A_571 = tpu.vector_load_idx %arg8[%add3A_570] : memref<768xf32, #tpu.memory_space<vmem>>[vector<16xi32>], vector<16xf32>,
        %add3A_572 = arith.constant 208 : i32
        %add3A_573 = vector.broadcast %add3A_572 : i32 to vector<16xi32>
        %add3A_574 = arith.addi %add3A_88, %add3A_573 : vector<16xi32>
        %gather3A_575 = tpu.vector_load_idx %arg8[%add3A_574] : memref<768xf32, #tpu.memory_space<vmem>>[vector<16xi32>], vector<16xf32>,
        %add3A_576 = arith.constant 208 : i32
        %add3A_577 = vector.broadcast %add3A_576 : i32 to vector<16xi32>
        %add3A_578 = arith.addi %add3A_96, %add3A_577 : vector<16xi32>
        %gather3A_579 = tpu.vector_load_idx %arg8[%add3A_578] : memref<768xf32, #tpu.memory_space<vmem>>[vector<16xi32>], vector<16xf32>,
        %add3A_580 = arith.constant 0 : i32
        %add3A_581 = arith.addi %add3A_65, %add3A_580 : i32
        %swap3A_582 = arith.index_cast %add3A_581 : i32 to index
        %swap3A_583 = arith.constant 208 : index
        %swap3A_584 = tpu.vector_load %arg7[%swap3A_582, %swap3A_583] {strides = array<i32>} : memref<200x256xf32, #tpu.memory_space<vmem>>, vector<16xf32>,
        tpu.vector_store %arg7[%swap3A_582, %swap3A_583], %gather3A_567 {strides = array<i32>} : memref<200x256xf32, #tpu.memory_space<vmem>>, vector<16xf32>,
        %add3A_585 = arith.constant 1 : i32
        %add3A_586 = arith.addi %add3A_65, %add3A_585 : i32
        %swap3A_587 = arith.index_cast %add3A_586 : i32 to index
        %swap3A_588 = arith.constant 208 : index
        %swap3A_589 = tpu.vector_load %arg7[%swap3A_587, %swap3A_588] {strides = array<i32>} : memref<200x256xf32, #tpu.memory_space<vmem>>, vector<16xf32>,
        tpu.vector_store %arg7[%swap3A_587, %swap3A_588], %gather3A_571 {strides = array<i32>} : memref<200x256xf32, #tpu.memory_space<vmem>>, vector<16xf32>,
        %add3A_590 = arith.constant 2 : i32
        %add3A_591 = arith.addi %add3A_65, %add3A_590 : i32
        %swap3A_592 = arith.index_cast %add3A_591 : i32 to index
        %swap3A_593 = arith.constant 208 : index
        %swap3A_594 = tpu.vector_load %arg7[%swap3A_592, %swap3A_593] {strides = array<i32>} : memref<200x256xf32, #tpu.memory_space<vmem>>, vector<16xf32>,
        tpu.vector_store %arg7[%swap3A_592, %swap3A_593], %gather3A_575 {strides = array<i32>} : memref<200x256xf32, #tpu.memory_space<vmem>>, vector<16xf32>,
        %add3A_595 = arith.constant 3 : i32
        %add3A_596 = arith.addi %add3A_65, %add3A_595 : i32
        %swap3A_597 = arith.index_cast %add3A_596 : i32 to index
        %swap3A_598 = arith.constant 208 : index
        %swap3A_599 = tpu.vector_load %arg7[%swap3A_597, %swap3A_598] {strides = array<i32>} : memref<200x256xf32, #tpu.memory_space<vmem>>, vector<16xf32>,
        tpu.vector_store %arg7[%swap3A_597, %swap3A_598], %gather3A_579 {strides = array<i32>} : memref<200x256xf32, #tpu.memory_space<vmem>>, vector<16xf32>,
        %add3A_600 = arith.constant 224 : i32
        %add3A_601 = vector.broadcast %add3A_600 : i32 to vector<16xi32>
        %add3A_602 = arith.addi %add3A_72, %add3A_601 : vector<16xi32>
        %gather3A_603 = tpu.vector_load_idx %arg8[%add3A_602] : memref<768xf32, #tpu.memory_space<vmem>>[vector<16xi32>], vector<16xf32>,
        %add3A_604 = arith.constant 224 : i32
        %add3A_605 = vector.broadcast %add3A_604 : i32 to vector<16xi32>
        %add3A_606 = arith.addi %add3A_80, %add3A_605 : vector<16xi32>
        %gather3A_607 = tpu.vector_load_idx %arg8[%add3A_606] : memref<768xf32, #tpu.memory_space<vmem>>[vector<16xi32>], vector<16xf32>,
        %add3A_608 = arith.constant 224 : i32
        %add3A_609 = vector.broadcast %add3A_608 : i32 to vector<16xi32>
        %add3A_610 = arith.addi %add3A_88, %add3A_609 : vector<16xi32>
        %gather3A_611 = tpu.vector_load_idx %arg8[%add3A_610] : memref<768xf32, #tpu.memory_space<vmem>>[vector<16xi32>], vector<16xf32>,
        %add3A_612 = arith.constant 224 : i32
        %add3A_613 = vector.broadcast %add3A_612 : i32 to vector<16xi32>
        %add3A_614 = arith.addi %add3A_96, %add3A_613 : vector<16xi32>
        %gather3A_615 = tpu.vector_load_idx %arg8[%add3A_614] : memref<768xf32, #tpu.memory_space<vmem>>[vector<16xi32>], vector<16xf32>,
        %add3A_616 = arith.constant 0 : i32
        %add3A_617 = arith.addi %add3A_65, %add3A_616 : i32
        %swap3A_618 = arith.index_cast %add3A_617 : i32 to index
        %swap3A_619 = arith.constant 224 : index
        %swap3A_620 = tpu.vector_load %arg7[%swap3A_618, %swap3A_619] {strides = array<i32>} : memref<200x256xf32, #tpu.memory_space<vmem>>, vector<16xf32>,
        tpu.vector_store %arg7[%swap3A_618, %swap3A_619], %gather3A_603 {strides = array<i32>} : memref<200x256xf32, #tpu.memory_space<vmem>>, vector<16xf32>,
        %add3A_621 = arith.constant 1 : i32
        %add3A_622 = arith.addi %add3A_65, %add3A_621 : i32
        %swap3A_623 = arith.index_cast %add3A_622 : i32 to index
        %swap3A_624 = arith.constant 224 : index
        %swap3A_625 = tpu.vector_load %arg7[%swap3A_623, %swap3A_624] {strides = array<i32>} : memref<200x256xf32, #tpu.memory_space<vmem>>, vector<16xf32>,
        tpu.vector_store %arg7[%swap3A_623, %swap3A_624], %gather3A_607 {strides = array<i32>} : memref<200x256xf32, #tpu.memory_space<vmem>>, vector<16xf32>,
        %add3A_626 = arith.constant 2 : i32
        %add3A_627 = arith.addi %add3A_65, %add3A_626 : i32
        %swap3A_628 = arith.index_cast %add3A_627 : i32 to index
        %swap3A_629 = arith.constant 224 : index
        %swap3A_630 = tpu.vector_load %arg7[%swap3A_628, %swap3A_629] {strides = array<i32>} : memref<200x256xf32, #tpu.memory_space<vmem>>, vector<16xf32>,
        tpu.vector_store %arg7[%swap3A_628, %swap3A_629], %gather3A_611 {strides = array<i32>} : memref<200x256xf32, #tpu.memory_space<vmem>>, vector<16xf32>,
        %add3A_631 = arith.constant 3 : i32
        %add3A_632 = arith.addi %add3A_65, %add3A_631 : i32
        %swap3A_633 = arith.index_cast %add3A_632 : i32 to index
        %swap3A_634 = arith.constant 224 : index
        %swap3A_635 = tpu.vector_load %arg7[%swap3A_633, %swap3A_634] {strides = array<i32>} : memref<200x256xf32, #tpu.memory_space<vmem>>, vector<16xf32>,
        tpu.vector_store %arg7[%swap3A_633, %swap3A_634], %gather3A_615 {strides = array<i32>} : memref<200x256xf32, #tpu.memory_space<vmem>>, vector<16xf32>,
        %add3A_636 = arith.constant 240 : i32
        %add3A_637 = vector.broadcast %add3A_636 : i32 to vector<16xi32>
        %add3A_638 = arith.addi %add3A_72, %add3A_637 : vector<16xi32>
        %gather3A_639 = tpu.vector_load_idx %arg8[%add3A_638] : memref<768xf32, #tpu.memory_space<vmem>>[vector<16xi32>], vector<16xf32>,
        %add3A_640 = arith.constant 240 : i32
        %add3A_641 = vector.broadcast %add3A_640 : i32 to vector<16xi32>
        %add3A_642 = arith.addi %add3A_80, %add3A_641 : vector<16xi32>
        %gather3A_643 = tpu.vector_load_idx %arg8[%add3A_642] : memref<768xf32, #tpu.memory_space<vmem>>[vector<16xi32>], vector<16xf32>,
        %add3A_644 = arith.constant 240 : i32
        %add3A_645 = vector.broadcast %add3A_644 : i32 to vector<16xi32>
        %add3A_646 = arith.addi %add3A_88, %add3A_645 : vector<16xi32>
        %gather3A_647 = tpu.vector_load_idx %arg8[%add3A_646] : memref<768xf32, #tpu.memory_space<vmem>>[vector<16xi32>], vector<16xf32>,
        %add3A_648 = arith.constant 240 : i32
        %add3A_649 = vector.broadcast %add3A_648 : i32 to vector<16xi32>
        %add3A_650 = arith.addi %add3A_96, %add3A_649 : vector<16xi32>
        %gather3A_651 = tpu.vector_load_idx %arg8[%add3A_650] : memref<768xf32, #tpu.memory_space<vmem>>[vector<16xi32>], vector<16xf32>,
        %add3A_652 = arith.constant 0 : i32
        %add3A_653 = arith.addi %add3A_65, %add3A_652 : i32
        %swap3A_654 = arith.index_cast %add3A_653 : i32 to index
        %swap3A_655 = arith.constant 240 : index
        %swap3A_656 = tpu.vector_load %arg7[%swap3A_654, %swap3A_655] {strides = array<i32>} : memref<200x256xf32, #tpu.memory_space<vmem>>, vector<16xf32>,
        tpu.vector_store %arg7[%swap3A_654, %swap3A_655], %gather3A_639 {strides = array<i32>} : memref<200x256xf32, #tpu.memory_space<vmem>>, vector<16xf32>,
        %add3A_657 = arith.constant 1 : i32
        %add3A_658 = arith.addi %add3A_65, %add3A_657 : i32
        %swap3A_659 = arith.index_cast %add3A_658 : i32 to index
        %swap3A_660 = arith.constant 240 : index
        %swap3A_661 = tpu.vector_load %arg7[%swap3A_659, %swap3A_660] {strides = array<i32>} : memref<200x256xf32, #tpu.memory_space<vmem>>, vector<16xf32>,
        tpu.vector_store %arg7[%swap3A_659, %swap3A_660], %gather3A_643 {strides = array<i32>} : memref<200x256xf32, #tpu.memory_space<vmem>>, vector<16xf32>,
        %add3A_662 = arith.constant 2 : i32
        %add3A_663 = arith.addi %add3A_65, %add3A_662 : i32
        %swap3A_664 = arith.index_cast %add3A_663 : i32 to index
        %swap3A_665 = arith.constant 240 : index
        %swap3A_666 = tpu.vector_load %arg7[%swap3A_664, %swap3A_665] {strides = array<i32>} : memref<200x256xf32, #tpu.memory_space<vmem>>, vector<16xf32>,
        tpu.vector_store %arg7[%swap3A_664, %swap3A_665], %gather3A_647 {strides = array<i32>} : memref<200x256xf32, #tpu.memory_space<vmem>>, vector<16xf32>,
        %add3A_667 = arith.constant 3 : i32
        %add3A_668 = arith.addi %add3A_65, %add3A_667 : i32
        %swap3A_669 = arith.index_cast %add3A_668 : i32 to index
        %swap3A_670 = arith.constant 240 : index
        %swap3A_671 = tpu.vector_load %arg7[%swap3A_669, %swap3A_670] {strides = array<i32>} : memref<200x256xf32, #tpu.memory_space<vmem>>, vector<16xf32>,
        tpu.vector_store %arg7[%swap3A_669, %swap3A_670], %gather3A_651 {strides = array<i32>} : memref<200x256xf32, #tpu.memory_space<vmem>>, vector<16xf32>,
      }
      %scan3A_51 = arith.constant 50 : i32
      %mul3A_52 = arith.constant 32 : i32
      %mul3A_53 = arith.muli %add3A, %mul3A_52 : i32
      %add3A_54 = arith.addi %mul3A_53, %add3A_41 : i32
      %mul3A_55 = arith.constant 200 : i32
      %mul3A_56 = arith.muli %add3A_54, %mul3A_55 : i32
      %dma_start3A_57 = arith.constant 0 : i32
      %dma_start3A_58 = tpu.memref_slice %arg4[%mul3A_56, %dma_start3A_57] : memref<204800x256xf32, #tpu.memory_space<hbm>> -> memref<200x256xf32, #tpu.memory_space<hbm>>
      %dma_start3A_59 = arith.constant 0 : i32
      %dma_start3A_60 = tpu.memref_slice %arg4[%mul3A_56, %dma_start3A_59] : memref<204800x256xf32, #tpu.memory_space<hbm>> -> memref<200x256xf32, #tpu.memory_space<hbm>>
      tpu.enqueue_dma source(%arg7 : memref<200x256xf32, #tpu.memory_space<vmem>>) target(%dma_start3A_60 : memref<200x256xf32, #tpu.memory_space<hbm>>) target_semaphore(%arg10 : memref<!tpu.dma_semaphore, #tpu.memory_space<semaphore_mem>>)
    }
    %scan3A_6 = arith.constant 16 : i32
    %dma_wait3A = arith.constant 0 : i32
    %dma_wait3A_7 = arith.constant 0 : i32
    %dma_wait3A_8 = tpu.memref_slice %arg4[%dma_wait3A, %dma_wait3A_7] : memref<204800x256xf32, #tpu.memory_space<hbm>> -> memref<200x256xf32, #tpu.memory_space<hbm>>
    %dma_wait3A_9 = arith.constant 0 : i32
    %dma_wait3A_10 = arith.constant 0 : i32
    %dma_wait3A_11 = tpu.memref_slice %arg4[%dma_wait3A_9, %dma_wait3A_10] : memref<204800x256xf32, #tpu.memory_space<hbm>> -> memref<200x256xf32, #tpu.memory_space<hbm>>
    tpu.wait_dma2 semaphore(%arg9 : memref<!tpu.dma_semaphore, #tpu.memory_space<semaphore_mem>>) src(%arg6 : memref<200x256xf32, #tpu.memory_space<vmem>>) dst(%dma_wait3A_11 : memref<200x256xf32, #tpu.memory_space<hbm>>)
    %dma_wait3A_12 = arith.constant 0 : i32
    %dma_wait3A_13 = arith.constant 0 : i32
    %dma_wait3A_14 = tpu.memref_slice %arg4[%dma_wait3A_12, %dma_wait3A_13] : memref<204800x256xf32, #tpu.memory_space<hbm>> -> memref<200x256xf32, #tpu.memory_space<hbm>>
    %dma_wait3A_15 = arith.constant 0 : i32
    %dma_wait3A_16 = arith.constant 0 : i32
    %dma_wait3A_17 = tpu.memref_slice %arg4[%dma_wait3A_15, %dma_wait3A_16] : memref<204800x256xf32, #tpu.memory_space<hbm>> -> memref<200x256xf32, #tpu.memory_space<hbm>>
    tpu.wait_dma2 semaphore(%arg10 : memref<!tpu.dma_semaphore, #tpu.memory_space<semaphore_mem>>) src(%arg7 : memref<200x256xf32, #tpu.memory_space<vmem>>) dst(%dma_wait3A_17 : memref<200x256xf32, #tpu.memory_space<hbm>>)
    return
  }
}

module attributes {stable_mosaic.version = 14 : i64} {
  func.func @_prep_body(%arg0: memref<3x256xf32, #tpu.memory_space<vmem>>, %arg1: memref<2x256xf32, #tpu.memory_space<vmem>>, %arg2: memref<3x256xf32, #tpu.memory_space<vmem>>) attributes {dimension_semantics = [], scalar_prefetch = 0 : i64, scratch_operands = 0 : i64, tpu.core_type = #tpu.core_type<tc>} {
    %get3A = arith.constant 0 : index
    %get3A_0 = arith.constant 0 : index
    %get3A_1 = vector.load %arg0[%get3A, %get3A_0] : memref<3x256xf32, #tpu.memory_space<vmem>>, vector<3x256xf32>
    %get3A_2 = arith.constant 0 : index
    %get3A_3 = arith.constant 0 : index
    %get3A_4 = vector.load %arg1[%get3A_2, %get3A_3] : memref<2x256xf32, #tpu.memory_space<vmem>>, vector<1x256xf32>
    %add3A = vector.broadcast %get3A_4 : vector<1x256xf32> to vector<3x256xf32>
    %add3A_5 = arith.addf %get3A_1, %add3A : vector<3x256xf32>
    %swap3A = arith.constant 0 : index
    %swap3A_6 = arith.constant 0 : index
    %swap3A_7 = vector.load %arg2[%swap3A, %swap3A_6] : memref<3x256xf32, #tpu.memory_space<vmem>>, vector<3x256xf32>
    tpu.vector_store %arg2[%swap3A, %swap3A_6], %add3A_5 {strides = array<i32>} : memref<3x256xf32, #tpu.memory_space<vmem>>, vector<3x256xf32>,
    return
  }
}

module attributes {stable_mosaic.version = 14 : i64} {
  func.func @_coord_body(%arg0: i32, %arg1: memref<16x200xf32, #tpu.memory_space<vmem>>, %arg2: memref<16x200xf32, #tpu.memory_space<vmem>>, %arg3: memref<2x256xf32, #tpu.memory_space<vmem>>, %arg4: memref<1x256xf32, #tpu.memory_space<vmem>>, %arg5: memref<2x256xf32, #tpu.memory_space<vmem>>, %arg6: memref<16x200x256xf32, #tpu.memory_space<vmem>>) attributes {dimension_semantics = [#tpu.dimension_semantics<arbitrary>], iteration_bounds = array<i64: 64>, scalar_prefetch = 0 : i64, scratch_operands = 0 : i64, tpu.core_type = #tpu.core_type<tc>, window_params = [{transform_indices = @transform_0, window_bounds = array<i64: 16, 200>}, {transform_indices = @transform_1, window_bounds = array<i64: 16, 200>}, {pipeline_mode = #tpu.pipeline_mode<synchronous>, transform_indices = @transform_2, window_bounds = array<i64: 2, 256>}, {pipeline_mode = #tpu.pipeline_mode<synchronous>, transform_indices = @transform_3, window_bounds = array<i64: 1, 256>}, {pipeline_mode = #tpu.pipeline_mode<synchronous>, transform_indices = @transform_4, window_bounds = array<i64: 2, 256>}, {transform_indices = @transform_5, window_bounds = array<i64: 16, 200, 256>}]} {
    %get3A = arith.constant 0 : index
    %get3A_0 = arith.constant 0 : index
    %get3A_1 = vector.load %arg4[%get3A, %get3A_0] : memref<1x256xf32, #tpu.memory_space<vmem>>, vector<1x256xf32>
    %get3A_2 = arith.constant 1 : index
    %get3A_3 = arith.constant 0 : index
    %get3A_4 = vector.load %arg5[%get3A_2, %get3A_3] : memref<2x256xf32, #tpu.memory_space<vmem>>, vector<1x256xf32>
    %add3A = arith.addf %get3A_1, %get3A_4 : vector<1x256xf32>
    %reshape3A = vector.shape_cast %add3A : vector<1x256xf32> to vector<1x1x256xf32>
    %get3A_5 = arith.constant 0 : index
    %get3A_6 = arith.constant 0 : index
    %get3A_7 = vector.load %arg3[%get3A_5, %get3A_6] : memref<2x256xf32, #tpu.memory_space<vmem>>, vector<1x256xf32>
    %reshape3A_8 = vector.shape_cast %get3A_7 : vector<1x256xf32> to vector<1x1x256xf32>
    %get3A_9 = arith.constant 1 : index
    %get3A_10 = arith.constant 0 : index
    %get3A_11 = vector.load %arg3[%get3A_9, %get3A_10] : memref<2x256xf32, #tpu.memory_space<vmem>>, vector<1x256xf32>
    %reshape3A_12 = vector.shape_cast %get3A_11 : vector<1x256xf32> to vector<1x1x256xf32>
    %get3A_13 = arith.constant 0 : index
    %get3A_14 = arith.constant 0 : index
    %get3A_15 = vector.load %arg1[%get3A_13, %get3A_14] : memref<16x200xf32, #tpu.memory_space<vmem>>, vector<16x200xf32>
    %broadcast_in_dim3A = vector.shape_cast %get3A_15 : vector<16x200xf32> to vector<16x200x1xf32>
    %broadcast_in_dim3A_16 = vector.broadcast %broadcast_in_dim3A : vector<16x200x1xf32> to vector<16x200x256xf32>
    %get3A_17 = arith.constant 0 : index
    %get3A_18 = arith.constant 0 : index
    %get3A_19 = vector.load %arg2[%get3A_17, %get3A_18] : memref<16x200xf32, #tpu.memory_space<vmem>>, vector<16x200xf32>
    %broadcast_in_dim3A_20 = vector.shape_cast %get3A_19 : vector<16x200xf32> to vector<16x200x1xf32>
    %broadcast_in_dim3A_21 = vector.broadcast %broadcast_in_dim3A_20 : vector<16x200x1xf32> to vector<16x200x256xf32>
    %mul3A = vector.broadcast %reshape3A_8 : vector<1x1x256xf32> to vector<16x200x256xf32>
    %mul3A_22 = arith.mulf %broadcast_in_dim3A_16, %mul3A : vector<16x200x256xf32>
    %mul3A_23 = vector.broadcast %reshape3A_12 : vector<1x1x256xf32> to vector<16x200x256xf32>
    %mul3A_24 = arith.mulf %broadcast_in_dim3A_21, %mul3A_23 : vector<16x200x256xf32>
    %add3A_25 = arith.addf %mul3A_22, %mul3A_24 : vector<16x200x256xf32>
    %add3A_26 = vector.broadcast %reshape3A : vector<1x1x256xf32> to vector<16x200x256xf32>
    %add3A_27 = arith.addf %add3A_25, %add3A_26 : vector<16x200x256xf32>
    %swap3A = arith.constant 0 : index
    %swap3A_28 = arith.constant 0 : index
    %swap3A_29 = arith.constant 0 : index
    %swap3A_30 = vector.load %arg6[%swap3A, %swap3A_28, %swap3A_29] : memref<16x200x256xf32, #tpu.memory_space<vmem>>, vector<16x200x256xf32>
    tpu.vector_store %arg6[%swap3A, %swap3A_28, %swap3A_29], %add3A_27 {strides = array<i32>} : memref<16x200x256xf32, #tpu.memory_space<vmem>>, vector<16x200x256xf32>,
    return
  }
  func.func @transform_0(%arg0: i32) -> (i32, i32) {
    %c0_i32 = arith.constant 0 : i32
    %c0_i32_0 = arith.constant 0 : i32
    return %arg0, %c0_i32 : i32, i32
  }
  func.func @transform_1(%arg0: i32) -> (i32, i32) {
    %c0_i32 = arith.constant 0 : i32
    %c0_i32_0 = arith.constant 0 : i32
    return %arg0, %c0_i32 : i32, i32
  }
  func.func @transform_2(%arg0: i32) -> (i32, i32) {
    %c0_i32 = arith.constant 0 : i32
    %c0_i32_0 = arith.constant 0 : i32
    %c0_i32_1 = arith.constant 0 : i32
    return %c0_i32, %c0_i32_0 : i32, i32
  }
  func.func @transform_3(%arg0: i32) -> (i32, i32) {
    %c0_i32 = arith.constant 0 : i32
    %c0_i32_0 = arith.constant 0 : i32
    %c0_i32_1 = arith.constant 0 : i32
    return %c0_i32, %c0_i32_0 : i32, i32
  }
  func.func @transform_4(%arg0: i32) -> (i32, i32) {
    %c0_i32 = arith.constant 0 : i32
    %c0_i32_0 = arith.constant 0 : i32
    %c0_i32_1 = arith.constant 0 : i32
    return %c0_i32, %c0_i32_0 : i32, i32
  }
  func.func @transform_5(%arg0: i32) -> (i32, i32, i32) {
    %c0_i32 = arith.constant 0 : i32
    %c0_i32_0 = arith.constant 0 : i32
    %c0_i32_1 = arith.constant 0 : i32
    return %arg0, %c0_i32, %c0_i32_0 : i32, i32, i32
  }
}

</mosaic_0001>

<sc_bundles>
// kernel: kernel.5.cloned.1.call-start
scs
__scs_entry_jumppad:
0x0: {  	(pc) =	sbr.rel $0x88, $3  }
0x1: {  	(tag) =	ssettag $0x0;
	lr =	simm.s32 $0x1  }
0x2: {  	[smem:$0x3F9B] =	sst lr;
	_ =	strace $0xD0000000  }
0x3: {  	_ = 	snop  }
0x4: {  	_ = 	snop  }
0x5: {  	_ = 	snop  }
0x6: {  	_ = 	snop  }
0x7: {  	_ = 	snop  }
__scs_overlays_trampoline_lowered:
0x8: {  	[smem:$0x3FAA] =	sst s0  }
0x9: {  	[smem:$0x3FAB] =	sst s1  }
0xa: {  	[smem:$0x3FAC] =	sst s2  }
0xb: {  	[smem:$0x3FAD] =	sst s3  }
0xc: {  	[smem:$0x3FAE] =	sst s4  }
0xd: {  	[smem:$0x3FAF] =	sst s5  }
0xe: {  	[smem:$0x3FB0] =	sst s6  }
0xf: {  	[smem:$0x3FB1] =	sst s7  }
0x10: {  	[smem:$0x3FB2] =	sst s8  }
0x11: {  	[smem:$0x3FB3] =	sst s9;
	s0 =	simm.s32 @!p0 $0x0  }
0x12: {  	s1 =	sld [smem:$0x3F99];
	s0 =	simm.s32 @p0 $0x1  }
0x13: {  	[smem:$0x3FB4] =	sst s0;
	s0 =	simm.s32 @!p1 $0x0  }
0x14: {  	s2 =	sld [smem:$0x3F98];
	s0 =	simm.s32 @p1 $0x1  }
0x15: {  	[smem:$0x3FB5] =	sst s0;
	s0 =	simm.s32 @!p2 $0x0  }
0x16: {  	s3 =	sld [smem:$0x3FDB];
	s0 =	simm.s32 @p2 $0x1  }
0x17: {  	s4 =	simm.s32 $0x1BF5;
	[smem:$0x3FB7] =	sst s0  }
0x18: {  	s0 =	sld [smem:$0x3F9A];
	_ =	swait.ge [sflag:s4], $0x0  }
0x19: {  	s7 =	sld [smem:$0x3F9B]  }
0x1a: {  	s8 =	sadd.s32 $0xFFFFE003, lr  }
0x1b: {  	s9 =	sadd.s32 $0xFFFFFEF7, lr;
	s5 =	simm.s32 $0xFFFFFFFF;
	p2 =	slt.u32 s8, $0xFFFFF086  }
0x1c: {  	p1 =	slt.u32 s9, $0xF7A;
	s5 =	simm.s32 @!p2 $0x0  }
0x1d: {  	s5 =	simm.s32 @p1 $0x1;
	p0 =	seq.s32 s7, s2  }
0x1e: {  	s7 =	smul.u32 @!p0 $0xF7A, s2;
	p2 =	seq.s32 @!p0 s5, $0x0  }
0x1f: {  	s9 =	smul.u32 $0xF7A, s1;
	s8 =	simm.s32 @!p0 $0x1BF5;
	p2 =	por !p2, p0  }
0x20: {  	[sflag:s8] =	ssyncset.s32 @!p0 $0xFFFFF086;
	s6 =	sadd.s32 @!p0 s3, s7;
	s7 =	simm.s32 @!p0 $0x108  }
0x21: {  	s3 =	sadd.s32 s3, s9;
	s6 =	sadd.s32 @!p0 $0x88, s6;
	s7 =	simm.s32 @p2 $0x1082  }
0x22: {  	[simem:s7], [sflag:s8] =	dma.local @!p0 [hbm:s6], $0xF7A  }
0x23: {  	s9 =	sor.u32 $0xD0000000, s2;
	s6 =	simm.s32 $0x108;
	_ =	swait.ge @!p0 [sflag:s8], $0x0  }
0x24: {  	s3 =	sadd.s32 $0x88, s3;
	s6 =	simm.s32 @!p1 $0x1082;
	[sflag:s4] =	ssyncset.s32 $0xFFFFF086  }
0x25: {  	[simem:s6], [sflag:s4] =	dma.local [hbm:s3], $0xF7A  }
0x26: {  	[smem:$0x3F9B] =	sst s1;
	(tag) =	ssettag s2;
	_ =	strace s9  }
0x27: {  	s1 =	sld [smem:$0x3FAB]  }
0x28: {  	s2 =	sld [smem:$0x3FAC]  }
0x29: {  	s4 =	sld [smem:$0x3FAE]  }
0x2a: {  	p0 =	seq.s32 s5, $0x0;
	s5 =	sld [smem:$0x3FAF]  }
0x2b: {  	s6 =	sld [smem:$0x3FB0]  }
0x2c: {  	s7 =	sld [smem:$0x3FB1]  }
0x2d: {  	s3 =	simm.s32 $0x108;
	s8 =	sld [smem:$0x3FB2]  }
0x2e: {  	s3 =	simm.s32 @!p0 $0x1082;
	s9 =	sld [smem:$0x3FB3]  }
0x2f: {  	lr =	sadd.s32 s0, s3;
	s0 =	sld [smem:$0x3FAA]  }
0x30: {  	s3 =	sld [smem:$0x3FAD]  }
0x31: {  	[smem:$0x3FB6] =	sst s10  }
0x32: {  	s10 =	sld [smem:$0x3FB4];
	_ =	sdelay $0x3  }
0x33: {  	p0 =	seq.s32 s10, $0x1;
	s10 =	sld [smem:$0x3FB6];
	_ =	sdelay $0x3  }
0x34: {  	[smem:$0x3FB6] =	sst s10  }
0x35: {  	s10 =	sld [smem:$0x3FB5];
	_ =	sdelay $0x3  }
0x36: {  	p1 =	seq.s32 s10, $0x1;
	s10 =	sld [smem:$0x3FB6];
	_ =	sdelay $0x3  }
0x37: {  	[smem:$0x3FB6] =	sst s10  }
0x38: {  	s10 =	sld [smem:$0x3FB7]  }
0x39: {  	_ = 	snop;
	(pc) =	sbr.ind lr, $3  }
0x3a: {  	_ = 	snop  }
0x3b: {  	_ = 	snop  }
0x3c: {  	p2 =	seq.s32 s10, $0x1;
	s10 =	sld [smem:$0x3FB6]  }
0x3d: {  	_ =	shalt  }
0x3e: {  	_ =	shalt  }
0x3f: {  	_ =	shalt  }
0x40: {  	_ =	shalt  }
0x41: {  	_ =	shalt  }
0x42: {  	_ =	shalt  }
0x43: {  	_ =	shalt  }
0x44: {  	_ =	shalt  }
0x45: {  	_ =	shalt  }
0x46: {  	_ =	shalt  }
0x47: {  	_ =	shalt  }
0x48: {  	_ =	shalt  }
0x49: {  	_ =	shalt  }
0x4a: {  	_ =	shalt  }
0x4b: {  	_ =	shalt  }
0x4c: {  	_ =	shalt  }
0x4d: {  	_ =	shalt  }
0x4e: {  	_ =	shalt  }
0x4f: {  	_ =	shalt  }
0x50: {  	_ =	shalt  }
0x51: {  	_ =	shalt  }
0x52: {  	_ =	shalt  }
0x53: {  	_ =	shalt  }
0x54: {  	_ =	shalt  }
0x55: {  	_ =	shalt  }
0x56: {  	_ =	shalt  }
0x57: {  	_ =	shalt  }
0x58: {  	_ =	shalt  }
0x59: {  	_ =	shalt  }
0x5a: {  	_ =	shalt  }
0x5b: {  	_ =	shalt  }
0x5c: {  	_ =	shalt  }
0x5d: {  	_ =	shalt  }
0x5e: {  	_ =	shalt  }
0x5f: {  	_ =	shalt  }
0x60: {  	_ =	shalt  }
0x61: {  	_ =	shalt  }
0x62: {  	_ =	shalt  }
0x63: {  	_ =	shalt  }
0x64: {  	_ =	shalt  }
0x65: {  	_ =	shalt  }
0x66: {  	_ =	shalt  }
0x67: {  	_ =	shalt  }
0x68: {  	_ =	shalt  }
0x69: {  	_ =	shalt  }
0x6a: {  	_ =	shalt  }
0x6b: {  	_ =	shalt  }
0x6c: {  	_ =	shalt  }
0x6d: {  	_ =	shalt  }
0x6e: {  	_ =	shalt  }
0x6f: {  	_ =	shalt  }
0x70: {  	_ =	shalt  }
0x71: {  	_ =	shalt  }
0x72: {  	_ =	shalt  }
0x73: {  	_ =	shalt  }
0x74: {  	_ =	shalt  }
0x75: {  	_ =	shalt  }
0x76: {  	_ =	shalt  }
0x77: {  	_ =	shalt  }
0x78: {  	_ =	shalt  }
0x79: {  	_ =	shalt  }
0x7a: {  	_ =	shalt  }
0x7b: {  	_ =	shalt  }
0x7c: {  	_ =	shalt  }
0x7d: {  	_ =	shalt  }
0x7e: {  	_ =	shalt  }
0x7f: {  	_ =	shalt  }
0x80: {  	_ =	shalt  }
0x81: {  	_ =	shalt  }
0x82: {  	_ =	shalt  }
0x83: {  	_ =	shalt  }
0x84: {  	_ =	shalt  }
0x85: {  	_ =	shalt  }
0x86: {  	_ =	shalt  }
0x87: {  	_ =	shalt  }
.Lfunc_end0:
.L_simem_size_0:
called_computation_lowered:
.L_overlay_start_0:
0x88: {  	s2 =	sld [smem:$0x3FD9]  }
0x89: {  	s3 =	sld [smem:$0x3FFE];
	_ =	sdelay $0x1  }
0x8a: {  	s1 =	srdreg.scid  }
0x8b: {  	s0 =	sand.u32 $0x1, s1  }
0x8c: {  	s14 =	sshll.u32 s0, $0xA;
	s2 =	sadd.s32 s3, s2  }
0x8d: {  	s2 =	sadd.s32 s2, s14  }
0x8e: {  	[smem:$0x3FC2] =	sst s2  }
0x8f: {  	_ = 	snop  }
0x90: {  	s2 =	sld [smem:$0x3FD0];
	_ =	sdelay $0x2  }
0x91: {  	s15 =	simm.s32 $0xA;
	s4 =	simm.s32 $0x10  }
0x92: {  	[smem:s4], [sflag:s15] =	dma.local [hbm:s2], $0x1  }
0x93: {  	_ =	swait.eq [sflag:s15], $0x1  }
0x94: {  	[sflag:s15] =	ssyncset.done $0x0  }
0x95: {  	[sflag:s15] =	ssyncadd.s32 $0xFFFFFFFF  }
0x96: {  	s16 =	sld [smem:$0x10];
	(tm) =	ssettm $0x1  }
0x97: {  	s17 =	sld [smem:$0x3FFB];
	_ =	sdelay $0x3  }
0x98: {  	_ =	strace s17  }
0x99: {  	s3 =	sld [smem:$0x3FFC];
	_ =	sdelay $0x3  }
0x9a: {  	_ =	strace s3  }
0x9b: {  	s3 =	sld [smem:$0x3FFD];
	_ =	sdelay $0x3  }
0x9c: {  	_ =	strace s3  }
0x9d: {  	_ =	strace $0x8FFFFFFF  }
0x9e: {  	s18 =	sld [smem:$0x3FDB];
	_ =	sdelay $0x1  }
0x9f: {  	s19 =	simm.s32 $_scs_section_size  }
0xa0: {  	s5 =	simm.s32 $_size__tile_overlayer_lowered;
	s6 =	simm.s32 $_tile_overlayer_lowered  }
0xa1: {  	s22 =	simm.s32 $0x1BFF;
	s21 =	sshll.u32 s6, $0x1;
	s3 =	sadd.s32 s19, s18  }
0xa2: {  	s7 =	simm.s32 $0x0;
	s20 =	sshll.u32 s5, $0x1;
	s5 =	sadd.s32 s21, s3  }
0xa3: {  	[timem:s7], [sflag:s22] =	dma.local [hbm:s5], s20  }
0xa4: {  	_ =	swait.ge [sflag:s22], s20  }
0xa5: {  	s4 =	ssub.s32 $0x0, s20;
	[sflag:s22] =	ssyncset.done $0x0  }
0xa6: {  	[sflag:s22] =	ssyncadd.s32 s4;
	_ =	sdelay $0x1  }
0xa7: {  	s23 =	simm.s32 $0x1B8B  }
0xa8: {  	_ =	swait.ge [sflag:s23], $0x1  }
0xa9: {  	[sflag:s23] =	ssyncset.done $0x0  }
0xaa: {  	s25 =	simm.s32 $0x1B8E;
	s24 =	sld [smem:$0x3FFE];
	[sflag:s23] =	ssyncadd.s32 $0xFFFFFFFF  }
0xab: {  	s26 =	simm.s32 $execute0_lowered;
	[smem:$0x3FD2] =	sst s25  }
0xac: {  	s5 =	sshll.u32 s26, $0x1;
	_ =	strace $0x80000046;
	[dreg:$0x1] =	wrdreg $0xFFFFFFFF  }
0xad: {  	s28 =	simm.s32 $_size_execute0_lowered;
	s3 =	sadd.s32 s3, s5;
	[dreg:$0x0] =	wrdreg $0x0  }
0xae: {  	s5 =	sshll.u32 s28, $0x1;
	[dreg:$0x2] =	wrdreg s3  }
0xaf: {  	[dreg:$0x3] =	wrdreg s5  }
0xb0: {  	[dreg:$0x4] =	wrdreg $0xC0  }
0xb1: {  	_ =	task [dreg:s7], $0x5FFFF  }
0xb2: {  	[dreg:$0x1] =	wrdreg $0xFFFFFFFF  }
0xb3: {  	[dreg:$0x0] =	wrdreg $0x60  }
0xb4: {  	[dreg:$0x2] =	wrdreg s24  }
0xb5: {  	[dreg:$0x3] =	wrdreg s16  }
0xb6: {  	[dreg:$0x4] =	wrdreg $0x9  }
0xb7: {  	_ =	task.clear_ibuf [dreg:s7], $0x5FFFF;
	_ =	strace $0x90000046  }
0xb8: {  	s29 =	simm.s32 $0x9;
	_ =	strace $0x80000048  }
0xb9: {  	_ =	swait.ge [sflag:s29], $0x1  }
0xba: {  	[sflag:s29] =	ssyncadd.s32 $0xFFFFFFFF  }
0xbb: {  	_ =	strace $0x90000048  }
0xbc: {  	_ =	sfence  }
0xbd: {  	s30 =	sld [smem:$0x0];
	_ =	sdelay $0x2  }
0xbe: {  	s31 =	sshll.u32 s1, $0xD;
	s1 =	sshrl.u32 s1, $0x2  }
0xbf: {  	s3 =	sand.u32 $0x4000, s31;
	s1 =	sadd.s32 s1, s30  }
0xc0: {  	s0 =	sor.u32 s3, s0;
	s1 =	sshll.u32 s1, $0x11  }
0xc1: {  	s0 =	sor.u32 s1, s0  }
0xc2: {  	s0 =	sadd.s32 $0x8F2B, s0  }
0xc3: {  	[sflag:s0] =	ssyncadd.remote.s32 $0x1  }
0xc4: {  	_ =	sfence.sel $0xFFFF  }
0xc5: {  	[dreg:$0x0] =	wrdreg $0xFFFFFFFF;
	(pc) =	sbr.abs _section_cstart, $3  }
0xc6: {  	[dreg:$0x1] =	wrdreg $0xFFFFFFFF  }
0xc7: {  	_ =	task.clear_ibuf [dreg:s7], $0x2FFFF;
	_ =	strace $0x9FFFFFFF  }
0xc8: {  	(tm) =	ssettm $0x7FFFFFFF  }
0xc9: {  	_ =	shalt  }
tec
execute0_lowered:
.L_overlay_start_1:
0x0: {  	(tag) =	ssettag $0x1  }
0x1: {  	s0 =	rddreg [dreg:$0x0]  }
0x2: {  	s2 =	rddreg [dreg:$0x1]  }
0x3: {  	s3 =	srdreg.scid;
	s1 =	stileid.u32;
	s9 =	simm.s32 $0x1B000  }
0x4: {  	s10 =	simm.s32 $0x1;
	s11 =	simm.s32 $0x2000;
	s12 =	simm.s32 $0xE800  }
0x5: {  	v0 =	vlaneseq.u32;
	s13 =	simm.s32 $0x2;
	s14 =	simm.s32 $0x0;
	s5 =	sand.u32 $0x1, s3  }
0x6: {  	s3 =	simm.s32 $0x0;
	s4 =	sshll.u32 s1, $0x6;
	v1 =	vor.u32 $0x10, v0;
	v2 =	vor.u32 $0x20, v0;
	v3 =	vor.u32 $0x30, v0;
	s6 =	sshll.u32 s5, $0x5  }
0x7: {  	v4 =	vor.u32 $0x40, v0;
	v5 =	vor.u32 $0x50, v0;
	v6 =	vor.u32 $0x60, v0;
	[smem:$0x7FF] =	sst s3;
	s30 =	ssub.s32 $0x2, s5;
	s4 =	sor.u32 s6, s4  }
0x8: {  	v7 =	vor.u32 $0x70, v0;
	v8 =	vor.u32 $0x80, v0;
	v9 =	vor.u32 $0x90, v0;
	s5 =	sadd.s32 $0x1200, s0;
	s8 =	sshrl.u32 s30, $0x1;
	s7 =	sshll.u32 s4, $0x5  }
0x9: {  	v10 =	vor.u32 $0xA0, v0;
	v11 =	vor.u32 $0xB0, v0;
	v12 =	vor.u32 $0xC0, v0;
	_ =	strace $0x80000047;
	s31 =	ssub.s32 s30, s8;
	s0 =	sadd.s32 s7, s0  }
0xa: {  	v13 =	vor.u32 $0xD0, v0;
	v14 =	vor.u32 $0xE0, v0;
	v15 =	vor.u32 $0xF0, v0;
	s8 =	simm.s32 $0x3;
	s7 =	smax.u32 s31, $0x1;
	s6 =	sadd.s32 $0x1400, s0  }
.LBB2_1:
0xb: {  	[tilespmem:s3], [sflag:$0x3] =	stream.linear.gather [hbm4b:s6+s3], $0x2000, $0x38;
	[tilespmem:$0x1B300] =	vst v63  }
0xc: {  	_ =	swait.ge [sflag:s8], $0x2000  }
0xd: {  	[sflag:s8] =	ssyncset.done $0x0  }
0xe: {  	[sflag:s8] =	ssyncadd.s32 $0xFFFFE000  }
0xf: {  	[tilespmem:s9], [sflag:$0x3] =	stream.linear.gather [hbm4b:s5+s3], $0x300, $0x38;
	[tilespmem:$0x1B300] =	vst v63  }
0x10: {  	_ =	swait.ge [sflag:s8], $0x300  }
0x11: {  	[sflag:s8] =	ssyncset.done $0x0  }
0x12: {  	s15 =	simm.s32 $0x0;
	[sflag:s8] =	ssyncadd.s32 $0xFFFFFD00  }
.LBB2_2:
0x13: {  	s17 =	sshll.u32 s15, $0x1  }
0x14: {  	v16 =	vmov s17  }
0x15: {  	s0 =	simm.s32 $0x0;
	v17 =	vshll.u32 v16, $0x8;
	v16 =	vshll.u32 v16, $0x7  }
0x16: {  	s24 =	simm.s32 $0x1;
	v18 =	vmov s0;
	v17 =	vand.u32 $0x1800, v17;
	v16 =	vand.u32 $0x300, v16  }
0x17: {  	s16 =	simm.s32 $0x3;
	v19 =	vmov s24;
	v16 =	vor.u32 v16, v17;
	v17 =	vshll.u32 v18, $0x3  }
0x18: {  	s25 =	simm.s32 $0x2;
	v20 =	vmov s16;
	v18 =	vand.u32 $0x7C, v18;
	v17 =	vand.u32 $0x400, v17  }
0x19: {  	v22 =	vmov s25;
	v17 =	vor.u32 v17, v18;
	v18 =	vshll.u32 v19, $0x3  }
0x1a: {  	v21 =	vshll.u32 v20, $0x3;
	v19 =	vand.u32 $0x7D, v19;
	v18 =	vand.u32 $0x400, v18  }
0x1b: {  	v20 =	vand.u32 $0x7F, v20;
	v18 =	vor.u32 v18, v19;
	v19 =	vshll.u32 v22, $0x3  }
0x1c: {  	p0 =	seq.s32 s15, $0x0;
	v17 =	vor.u32 v16, v17;
	v22 =	vand.u32 $0x7E, v22;
	v19 =	vand.u32 $0x400, v19  }
0x1d: {  	s0 =	simm.s32 @!p0 $0x1;
	v21 =	vand.u32 $0x400, v21;
	v18 =	vor.u32 v16, v18;
	v19 =	vor.u32 v19, v22  }
0x1e: {  	_ =	swait.ge @!p0 [sflag:s0], $0xC800;
	v20 =	vor.u32 v21, v20;
	v19 =	vor.u32 v16, v19  }
0x1f: {  	[sflag:s0] =	ssyncset.done @!p0 $0x0;
	v20 =	vor.u32 v16, v20  }
0x20: {  	[sflag:s0] =	ssyncadd.s32 @!p0 $0xFFFF3800  }
0x21: {  	v17 =	vld.idx.msk [tilespmem:v17+s3+$0x0], $0xffff  }
0x22: {  	v18 =	vld.idx.msk [tilespmem:v18+s3+$0x0], $0xffff  }
0x23: {  	v21 =	vld.idx.msk [tilespmem:v19+s3+$0x0], $0xffff  }
0x24: {  	v22 =	vld.idx.msk [tilespmem:v20+s3+$0x0], $0xffff;
	_ =	sdelay $0x1  }
0x25: {  	v19 =	vshll.u32 v17, $0x8  }
0x26: {  	v23 =	vor.u32 v0, v19;
	v17 =	vshll.u32 v18, $0x8  }
0x27: {  	v20 =	vshll.u32 v21, $0x8;
	v21 =	vor.u32 v0, v17  }
0x28: {  	v18 =	vshll.u32 v22, $0x8;
	v22 =	vor.u32 v0, v20  }
0x29: {  	v24 =	vor.u32 v0, v18;
	_ =	sdelay $0x1  }
0x2a: {  	v23 =	vld.idx.msk [tilespmem:v23+s9+$0x0], $0xffff  }
0x2b: {  	s16 =	simm.s32 $0x0;
	v21 =	vld.idx.msk [tilespmem:v21+s9+$0x0], $0xffff  }
0x2c: {  	s26 =	sand.u32 $0xF800, s16;
	v22 =	vld.idx.msk [tilespmem:v22+s9+$0x0], $0xffff  }
0x2d: {  	s19 =	simm.s32 $0x80;
	s18 =	sand.u32 $0x200, s16;
	s20 =	sadd.s32 $0x2000, s26;
	v24 =	vld.idx.msk [tilespmem:v24+s9+$0x0], $0xffff  }
0x2e: {  	s1 =	simm.s32 $0x100;
	s28 =	sand.u32 $0x280, s19;
	s0 =	sor.u32 s18, s20;
	v25 =	vor.u32 v1, v19  }
0x2f: {  	s21 =	simm.s32 $0x180;
	s19 =	sand.u32 $0x300, s1;
	s18 =	sor.u32 s28, s20;
	[tilespmem:s0+$0x0] =	vst v23;
	v23 =	vor.u32 v1, v17  }
0x30: {  	s21 =	sand.u32 $0x380, s21;
	s19 =	sor.u32 s19, s20;
	[tilespmem:s18+$0x0] =	vst v21;
	v21 =	vor.u32 v1, v20  }
0x31: {  	s20 =	sor.u32 s21, s20;
	[tilespmem:s19+$0x0] =	vst v22;
	v22 =	vor.u32 v1, v18  }
0x32: {  	[tilespmem:s20+$0x0] =	vst v24  }
0x33: {  	v24 =	vld.idx.msk [tilespmem:v25+s9+$0x0], $0xffff  }
0x34: {  	v23 =	vld.idx.msk [tilespmem:v23+s9+$0x0], $0xffff  }
0x35: {  	v21 =	vld.idx.msk [tilespmem:v21+s9+$0x0], $0xffff  }
0x36: {  	v22 =	vld.idx.msk [tilespmem:v22+s9+$0x0], $0xffff  }
0x37: {  	v25 =	vor.u32 v2, v19  }
0x38: {  	[tilespmem:s0+$0x10] =	vst v24;
	v24 =	vor.u32 v2, v17  }
0x39: {  	[tilespmem:s18+$0x10] =	vst v23;
	v23 =	vor.u32 v2, v20  }
0x3a: {  	[tilespmem:s19+$0x10] =	vst v21;
	v21 =	vor.u32 v2, v18  }
0x3b: {  	[tilespmem:s20+$0x10] =	vst v22  }
0x3c: {  	v22 =	vld.idx.msk [tilespmem:v25+s9+$0x0], $0xffff  }
0x3d: {  	v24 =	vld.idx.msk [tilespmem:v24+s9+$0x0], $0xffff  }
0x3e: {  	v23 =	vld.idx.msk [tilespmem:v23+s9+$0x0], $0xffff  }
0x3f: {  	v21 =	vld.idx.msk [tilespmem:v21+s9+$0x0], $0xffff  }
0x40: {  	v25 =	vor.u32 v3, v19  }
0x41: {  	[tilespmem:s0+$0x20] =	vst v22;
	v22 =	vor.u32 v3, v17  }
0x42: {  	[tilespmem:s18+$0x20] =	vst v24;
	v24 =	vor.u32 v3, v20  }
0x43: {  	[tilespmem:s19+$0x20] =	vst v23;
	v23 =	vor.u32 v3, v18  }
0x44: {  	[tilespmem:s20+$0x20] =	vst v21  }
0x45: {  	v21 =	vld.idx.msk [tilespmem:v25+s9+$0x0], $0xffff  }
0x46: {  	v22 =	vld.idx.msk [tilespmem:v22+s9+$0x0], $0xffff  }
0x47: {  	v24 =	vld.idx.msk [tilespmem:v24+s9+$0x0], $0xffff  }
0x48: {  	v23 =	vld.idx.msk [tilespmem:v23+s9+$0x0], $0xffff  }
0x49: {  	v25 =	vor.u32 v4, v19  }
0x4a: {  	[tilespmem:s0+$0x30] =	vst v21;
	v21 =	vor.u32 v4, v17  }
0x4b: {  	[tilespmem:s18+$0x30] =	vst v22;
	v22 =	vor.u32 v4, v20  }
0x4c: {  	[tilespmem:s19+$0x30] =	vst v24;
	v24 =	vor.u32 v4, v18  }
0x4d: {  	[tilespmem:s20+$0x30] =	vst v23  }
0x4e: {  	v23 =	vld.idx.msk [tilespmem:v25+s9+$0x0], $0xffff  }
0x4f: {  	v21 =	vld.idx.msk [tilespmem:v21+s9+$0x0], $0xffff  }
0x50: {  	v22 =	vld.idx.msk [tilespmem:v22+s9+$0x0], $0xffff  }
0x51: {  	v24 =	vld.idx.msk [tilespmem:v24+s9+$0x0], $0xffff  }
0x52: {  	v25 =	vor.u32 v5, v19  }
0x53: {  	[tilespmem:s0+$0x40] =	vst v23;
	v23 =	vor.u32 v5, v17  }
0x54: {  	[tilespmem:s18+$0x40] =	vst v21;
	v21 =	vor.u32 v5, v20  }
0x55: {  	[tilespmem:s19+$0x40] =	vst v22;
	v22 =	vor.u32 v5, v18  }
0x56: {  	[tilespmem:s20+$0x40] =	vst v24  }
0x57: {  	v24 =	vld.idx.msk [tilespmem:v25+s9+$0x0], $0xffff  }
0x58: {  	v23 =	vld.idx.msk [tilespmem:v23+s9+$0x0], $0xffff  }
0x59: {  	v21 =	vld.idx.msk [tilespmem:v21+s9+$0x0], $0xffff  }
0x5a: {  	v22 =	vld.idx.msk [tilespmem:v22+s9+$0x0], $0xffff  }
0x5b: {  	v25 =	vor.u32 v6, v19  }
0x5c: {  	[tilespmem:s0+$0x50] =	vst v24;
	v24 =	vor.u32 v6, v17  }
0x5d: {  	[tilespmem:s18+$0x50] =	vst v23;
	v23 =	vor.u32 v6, v20  }
0x5e: {  	[tilespmem:s19+$0x50] =	vst v21;
	v21 =	vor.u32 v6, v18  }
0x5f: {  	[tilespmem:s20+$0x50] =	vst v22  }
0x60: {  	v22 =	vld.idx.msk [tilespmem:v25+s9+$0x0], $0xffff  }
0x61: {  	v24 =	vld.idx.msk [tilespmem:v24+s9+$0x0], $0xffff  }
0x62: {  	v23 =	vld.idx.msk [tilespmem:v23+s9+$0x0], $0xffff  }
0x63: {  	v21 =	vld.idx.msk [tilespmem:v21+s9+$0x0], $0xffff  }
0x64: {  	v25 =	vor.u32 v7, v19  }
0x65: {  	[tilespmem:s0+$0x60] =	vst v22;
	v22 =	vor.u32 v7, v17  }
0x66: {  	[tilespmem:s18+$0x60] =	vst v24;
	v24 =	vor.u32 v7, v20  }
0x67: {  	[tilespmem:s19+$0x60] =	vst v23;
	v23 =	vor.u32 v7, v18  }
0x68: {  	[tilespmem:s20+$0x60] =	vst v21  }
0x69: {  	v21 =	vld.idx.msk [tilespmem:v25+s9+$0x0], $0xffff  }
0x6a: {  	v22 =	vld.idx.msk [tilespmem:v22+s9+$0x0], $0xffff  }
0x6b: {  	v24 =	vld.idx.msk [tilespmem:v24+s9+$0x0], $0xffff  }
0x6c: {  	v23 =	vld.idx.msk [tilespmem:v23+s9+$0x0], $0xffff  }
0x6d: {  	v25 =	vor.u32 v8, v19  }
0x6e: {  	[tilespmem:s0+$0x70] =	vst v21;
	v21 =	vor.u32 v8, v17  }
0x6f: {  	[tilespmem:s18+$0x70] =	vst v22;
	v22 =	vor.u32 v8, v20  }
0x70: {  	[tilespmem:s19+$0x70] =	vst v24;
	v24 =	vor.u32 v8, v18  }
0x71: {  	[tilespmem:s20+$0x70] =	vst v23  }
0x72: {  	p1 =	por $0x0, $0x0;
	s0 =	simm.s32 $0x1;
	v23 =	vld.idx.msk [tilespmem:v25+s9+$0x0], $0xffff  }
0x73: {  	s0 =	simm.s32 @!p1 $0x0;
	s19 =	sand.u32 $0x7, s16;
	v21 =	vld.idx.msk [tilespmem:v21+s9+$0x0], $0xffff  }
0x74: {  	s0 =	sshll.u32 s0, $0x9;
	s18 =	sshll.u32 s19, $0x7;
	s20 =	sand.u32 $0x3, s16;
	v22 =	vld.idx.msk [tilespmem:v22+s9+$0x0], $0xffff  }
0x75: {  	s25 =	sadd.s32 $0x0, s0;
	s18 =	sadd.s32 $0x0, s18;
	s19 =	sshll.u32 s20, $0x8;
	v24 =	vld.idx.msk [tilespmem:v24+s9+$0x0], $0xffff  }
0x76: {  	s22 =	sor.u32 $0x400, s25;
	v25 =	vor.u32 v9, v19;
	s21 =	sadd.s32 $0x0, s19;
	s24 =	sadd.s32 $0x80, s18  }
0x77: {  	s23 =	sor.u32 $0x400, s24;
	s26 =	sadd.s32 $0x100, s21;
	[tilespmem:s22+$0x2000] =	vst v23;
	v23 =	vor.u32 v9, v17  }
0x78: {  	s0 =	sor.u32 $0x400, s26;
	[tilespmem:s23+$0x2000] =	vst v21;
	s23 =	sadd.s32 $0x180, s18;
	v21 =	vor.u32 v9, v20  }
0x79: {  	[tilespmem:s0+$0x2000] =	vst v22;
	s28 =	sor.u32 $0x400, s23;
	v22 =	vor.u32 v9, v18  }
0x7a: {  	[tilespmem:s28+$0x2000] =	vst v24  }
0x7b: {  	v24 =	vld.idx.msk [tilespmem:v25+s9+$0x0], $0xffff  }
0x7c: {  	v23 =	vld.idx.msk [tilespmem:v23+s9+$0x0], $0xffff  }
0x7d: {  	v21 =	vld.idx.msk [tilespmem:v21+s9+$0x0], $0xffff  }
0x7e: {  	v22 =	vld.idx.msk [tilespmem:v22+s9+$0x0], $0xffff  }
0x7f: {  	s1 =	sor.u32 $0x410, s25;
	v25 =	vor.u32 v10, v19  }
0x80: {  	s18 =	sor.u32 $0x410, s24;
	[tilespmem:s1+$0x2000] =	vst v24;
	v24 =	vor.u32 v10, v17  }
0x81: {  	s19 =	sor.u32 $0x410, s26;
	[tilespmem:s18+$0x2000] =	vst v23;
	v23 =	vor.u32 v10, v20  }
0x82: {  	s20 =	sor.u32 $0x410, s23;
	[tilespmem:s19+$0x2000] =	vst v21;
	v21 =	vor.u32 v10, v18  }
0x83: {  	[tilespmem:s20+$0x2000] =	vst v22  }
0x84: {  	v22 =	vld.idx.msk [tilespmem:v25+s9+$0x0], $0xffff  }
0x85: {  	v24 =	vld.idx.msk [tilespmem:v24+s9+$0x0], $0xffff  }
0x86: {  	v23 =	vld.idx.msk [tilespmem:v23+s9+$0x0], $0xffff  }
0x87: {  	v21 =	vld.idx.msk [tilespmem:v21+s9+$0x0], $0xffff  }
0x88: {  	s21 =	sor.u32 $0x420, s25;
	v25 =	vor.u32 v11, v19  }
0x89: {  	s22 =	sor.u32 $0x420, s24;
	[tilespmem:s21+$0x2000] =	vst v22;
	v22 =	vor.u32 v11, v17  }
0x8a: {  	s28 =	sor.u32 $0x420, s26;
	[tilespmem:s22+$0x2000] =	vst v24;
	v24 =	vor.u32 v11, v20  }
0x8b: {  	s1 =	sor.u32 $0x420, s23;
	[tilespmem:s28+$0x2000] =	vst v23;
	v23 =	vor.u32 v11, v18  }
0x8c: {  	[tilespmem:s1+$0x2000] =	vst v21  }
0x8d: {  	v21 =	vld.idx.msk [tilespmem:v25+s9+$0x0], $0xffff  }
0x8e: {  	v22 =	vld.idx.msk [tilespmem:v22+s9+$0x0], $0xffff  }
0x8f: {  	v24 =	vld.idx.msk [tilespmem:v24+s9+$0x0], $0xffff  }
0x90: {  	v23 =	vld.idx.msk [tilespmem:v23+s9+$0x0], $0xffff  }
0x91: {  	s18 =	sor.u32 $0x430, s25;
	v25 =	vor.u32 v12, v19  }
0x92: {  	s19 =	sor.u32 $0x430, s24;
	[tilespmem:s18+$0x2000] =	vst v21;
	v21 =	vor.u32 v12, v17  }
0x93: {  	s20 =	sor.u32 $0x430, s26;
	[tilespmem:s19+$0x2000] =	vst v22;
	v22 =	vor.u32 v12, v20  }
0x94: {  	s21 =	sor.u32 $0x430, s23;
	[tilespmem:s20+$0x2000] =	vst v24;
	v24 =	vor.u32 v12, v18  }
0x95: {  	[tilespmem:s21+$0x2000] =	vst v23  }
0x96: {  	v23 =	vld.idx.msk [tilespmem:v25+s9+$0x0], $0xffff  }
0x97: {  	v25 =	vld.idx.msk [tilespmem:v21+s9+$0x0], $0xffff  }
0x98: {  	v22 =	vld.idx.msk [tilespmem:v22+s9+$0x0], $0xffff  }
0x99: {  	v24 =	vld.idx.msk [tilespmem:v24+s9+$0x0], $0xffff  }
0x9a: {  	v26 =	vor.u32 v13, v19;
	s22 =	sor.u32 $0x440, s25;
	s1 =	simm.s32 $0x4  }
0x9b: {  	s28 =	sor.u32 $0x440, s24;
	v27 =	vmov s1;
	[tilespmem:s22+$0x2000] =	vst v23;
	v23 =	vor.u32 v13, v17  }
0x9c: {  	v30 =	vor.u32 v13, v18;
	v28 =	vshll.u32 v27, $0x3;
	s19 =	sor.u32 $0x440, s26;
	s20 =	simm.s32 $0x5;
	s21 =	simm.s32 $0x7;
	[tilespmem:s28+$0x2000] =	vst v25;
	v25 =	vor.u32 v13, v20  }
0x9d: {  	v29 =	vmov s20;
	v21 =	vor.u32 v14, v19;
	s22 =	sor.u32 $0x440, s23;
	s28 =	simm.s32 $0x6;
	[tilespmem:s19+$0x2000] =	vst v22;
	v22 =	vmov s21  }
0x9e: {  	v31 =	vmov s28;
	[tilespmem:s22+$0x2000] =	vst v24;
	v24 =	vand.u32 $0x7C, v27;
	v27 =	vand.u32 $0x400, v28  }
0x9f: {  	v26 =	vld.idx.msk [tilespmem:v26+s9+$0x0], $0xffff;
	v24 =	vor.u32 v27, v24;
	v27 =	vand.u32 $0x7D, v29;
	v29 =	vshll.u32 v29, $0x3  }
0xa0: {  	p1 =	por !p1, !p1;
	s30 =	sor.u32 $0x450, s25;
	s31 =	sor.u32 $0x470, s25;
	v32 =	vshll.u32 v22, $0x3;
	v28 =	vld.idx.msk [tilespmem:v23+s9+$0x0], $0xffff;
	v23 =	vor.u32 v16, v24;
	v24 =	vand.u32 $0x400, v29  }
0xa1: {  	s29 =	sor.u32 $0x470, s26;
	s0 =	sor.u32 $0x470, s24;
	s18 =	simm.s32 $0x400;
	v29 =	vld.idx.msk [tilespmem:v25+s9+$0x0], $0xffff;
	v24 =	vor.u32 v24, v27;
	v27 =	vand.u32 $0x7E, v31;
	v25 =	vshll.u32 v31, $0x3  }
0xa2: {  	s20 =	simm.s32 $0x0;
	s19 =	simm.s32 $0x0;
	s22 =	simm.s32 $0x800;
	v30 =	vld.idx.msk [tilespmem:v30+s9+$0x0], $0xffff;
	v24 =	vor.u32 v16, v24;
	v31 =	vand.u32 $0x400, v25;
	v25 =	vand.u32 $0x400, v32  }
.LBB2_3:
0xa3: {  	v27 =	vor.u32 v31, v27;
	s16 =	sadd.s32 $0x200, s16;
	s20 =	sadd.s32 $0x4, s20;
	s19 =	sadd.s32 $0x2, s19  }
0xa4: {  	p2 =	sne.s32 s22, $0xC400;
	s28 =	sor.u32 $0x450, s24;
	v27 =	vor.u32 v16, v27;
	[tilespmem:s30+$0x2000] =	vst v26;
	v26 =	vor.u32 v14, v17;
	s30 =	sor.u32 $0x470, s23  }
0xa5: {  	s1 =	sor.u32 $0x450, s26;
	[tilespmem:s28+$0x2000] =	vst v28;
	v28 =	vor.u32 v14, v20;
	s28 =	smov.u32 s22;
	s22 =	sadd.s32 $0x400, s22  }
0xa6: {  	[tilespmem:s1+$0x2000] =	vst v29;
	s1 =	sor.u32 $0x450, s23;
	v29 =	vor.u32 v14, v18  }
0xa7: {  	[tilespmem:s1+$0x2000] =	vst v30  }
0xa8: {  	v21 =	vld.idx.msk [tilespmem:v21+s9+$0x0], $0xffff  }
0xa9: {  	v26 =	vld.idx.msk [tilespmem:v26+s9+$0x0], $0xffff  }
0xaa: {  	v28 =	vld.idx.msk [tilespmem:v28+s9+$0x0], $0xffff  }
0xab: {  	v29 =	vld.idx.msk [tilespmem:v29+s9+$0x0], $0xffff;
	_ =	sdelay $0x1  }
0xac: {  	v19 =	vor.u32 v15, v19;
	v20 =	vor.u32 v15, v20;
	s1 =	sor.u32 $0x460, s25  }
0xad: {  	[tilespmem:s1+$0x2000] =	vst v21;
	s1 =	sor.u32 $0x460, s24  }
0xae: {  	v17 =	vor.u32 v15, v17;
	[tilespmem:s1+$0x2000] =	vst v26;
	s1 =	sor.u32 $0x460, s26  }
0xaf: {  	v18 =	vor.u32 v15, v18;
	[tilespmem:s1+$0x2000] =	vst v28;
	s1 =	sor.u32 $0x460, s23  }
0xb0: {  	[tilespmem:s1+$0x2000] =	vst v29  }
0xb1: {  	v20 =	vld.idx.msk [tilespmem:v20+s9+$0x0], $0xffff  }
0xb2: {  	v19 =	vld.idx.msk [tilespmem:v19+s9+$0x0], $0xffff  }
0xb3: {  	v17 =	vld.idx.msk [tilespmem:v17+s9+$0x0], $0xffff  }
0xb4: {  	v18 =	vld.idx.msk [tilespmem:v18+s9+$0x0], $0xffff;
	_ =	sdelay $0x3  }
0xb5: {  	v21 =	vand.u32 $0x7F, v22;
	[tilespmem:s31+$0x2000] =	vst v19  }
0xb6: {  	v19 =	vor.u32 v25, v21;
	[tilespmem:s0+$0x2000] =	vst v17  }
0xb7: {  	v17 =	vor.u32 v16, v19;
	[tilespmem:s29+$0x2000] =	vst v20  }
0xb8: {  	[tilespmem:s30+$0x2000] =	vst v18  }
0xb9: {  	v18 =	vld.idx.msk [tilespmem:v23+s3+$0x0], $0xffff  }
0xba: {  	v20 =	vld.idx.msk [tilespmem:v24+s3+$0x0], $0xffff  }
0xbb: {  	v22 =	vld.idx.msk [tilespmem:v27+s3+$0x0], $0xffff  }
0xbc: {  	v23 =	vld.idx.msk [tilespmem:v17+s3+$0x0], $0xffff;
	_ =	sdelay $0x2  }
0xbd: {  	v19 =	vshll.u32 v18, $0x8  }
0xbe: {  	v17 =	vshll.u32 v20, $0x8;
	v24 =	vor.u32 v0, v19;
	v21 =	vor.u32 v14, v19  }
0xbf: {  	v20 =	vshll.u32 v22, $0x8;
	v22 =	vor.u32 v0, v17  }
0xc0: {  	v18 =	vshll.u32 v23, $0x8;
	v23 =	vor.u32 v0, v20  }
0xc1: {  	v25 =	vor.u32 v0, v18;
	_ =	sdelay $0x1  }
0xc2: {  	v24 =	vld.idx.msk [tilespmem:v24+s9+$0x0], $0xffff  }
0xc3: {  	v22 =	vld.idx.msk [tilespmem:v22+s9+$0x0], $0xffff  }
0xc4: {  	v23 =	vld.idx.msk [tilespmem:v23+s9+$0x0], $0xffff  }
0xc5: {  	s0 =	sand.u32 $0xF800, s18;
	v25 =	vld.idx.msk [tilespmem:v25+s9+$0x0], $0xffff  }
0xc6: {  	s24 =	sadd.s32 $0x80, s16;
	s1 =	sand.u32 $0x200, s16;
	s0 =	sadd.s32 $0x2000, s0  }
0xc7: {  	s25 =	sadd.s32 $0x100, s16;
	s23 =	sor.u32 s1, s0;
	s1 =	sand.u32 $0x280, s24;
	v26 =	vor.u32 v1, v19  }
0xc8: {  	s26 =	sadd.s32 $0x180, s16;
	s24 =	sor.u32 s1, s0;
	s1 =	sand.u32 $0x300, s25;
	[tilespmem:s23+$0x0] =	vst v24;
	v24 =	vor.u32 v1, v17  }
0xc9: {  	s25 =	sor.u32 s1, s0;
	s1 =	sand.u32 $0x380, s26;
	[tilespmem:s24+$0x0] =	vst v22;
	v22 =	vor.u32 v1, v20  }
0xca: {  	s26 =	sor.u32 s1, s0;
	[tilespmem:s25+$0x0] =	vst v23;
	v23 =	vor.u32 v1, v18  }
0xcb: {  	[tilespmem:s26+$0x0] =	vst v25  }
0xcc: {  	v25 =	vld.idx.msk [tilespmem:v26+s9+$0x0], $0xffff  }
0xcd: {  	v24 =	vld.idx.msk [tilespmem:v24+s9+$0x0], $0xffff  }
0xce: {  	v22 =	vld.idx.msk [tilespmem:v22+s9+$0x0], $0xffff  }
0xcf: {  	v23 =	vld.idx.msk [tilespmem:v23+s9+$0x0], $0xffff;
	_ =	sdelay $0x1  }
0xd0: {  	v26 =	vor.u32 v2, v19  }
0xd1: {  	[tilespmem:s23+$0x10] =	vst v25;
	v25 =	vor.u32 v2, v17  }
0xd2: {  	[tilespmem:s24+$0x10] =	vst v24;
	v24 =	vor.u32 v2, v20  }
0xd3: {  	[tilespmem:s25+$0x10] =	vst v22;
	v22 =	vor.u32 v2, v18  }
0xd4: {  	[tilespmem:s26+$0x10] =	vst v23  }
0xd5: {  	v23 =	vld.idx.msk [tilespmem:v26+s9+$0x0], $0xffff  }
0xd6: {  	v25 =	vld.idx.msk [tilespmem:v25+s9+$0x0], $0xffff  }
0xd7: {  	v24 =	vld.idx.msk [tilespmem:v24+s9+$0x0], $0xffff  }
0xd8: {  	v22 =	vld.idx.msk [tilespmem:v22+s9+$0x0], $0xffff;
	_ =	sdelay $0x1  }
0xd9: {  	v26 =	vor.u32 v3, v19  }
0xda: {  	[tilespmem:s23+$0x20] =	vst v23;
	v23 =	vor.u32 v3, v17  }
0xdb: {  	[tilespmem:s24+$0x20] =	vst v25;
	v25 =	vor.u32 v3, v20  }
0xdc: {  	[tilespmem:s25+$0x20] =	vst v24;
	v24 =	vor.u32 v3, v18  }
0xdd: {  	[tilespmem:s26+$0x20] =	vst v22  }
0xde: {  	v22 =	vld.idx.msk [tilespmem:v26+s9+$0x0], $0xffff  }
0xdf: {  	v23 =	vld.idx.msk [tilespmem:v23+s9+$0x0], $0xffff  }
0xe0: {  	v25 =	vld.idx.msk [tilespmem:v25+s9+$0x0], $0xffff  }
0xe1: {  	v24 =	vld.idx.msk [tilespmem:v24+s9+$0x0], $0xffff;
	_ =	sdelay $0x1  }
0xe2: {  	v26 =	vor.u32 v4, v19  }
0xe3: {  	[tilespmem:s23+$0x30] =	vst v22;
	v22 =	vor.u32 v4, v17  }
0xe4: {  	[tilespmem:s24+$0x30] =	vst v23;
	v23 =	vor.u32 v4, v20  }
0xe5: {  	[tilespmem:s25+$0x30] =	vst v25;
	v25 =	vor.u32 v4, v18  }
0xe6: {  	[tilespmem:s26+$0x30] =	vst v24  }
0xe7: {  	v24 =	vld.idx.msk [tilespmem:v26+s9+$0x0], $0xffff  }
0xe8: {  	v22 =	vld.idx.msk [tilespmem:v22+s9+$0x0], $0xffff  }
0xe9: {  	v23 =	vld.idx.msk [tilespmem:v23+s9+$0x0], $0xffff  }
0xea: {  	v25 =	vld.idx.msk [tilespmem:v25+s9+$0x0], $0xffff;
	_ =	sdelay $0x1  }
0xeb: {  	v26 =	vor.u32 v5, v19  }
0xec: {  	[tilespmem:s23+$0x40] =	vst v24;
	v24 =	vor.u32 v5, v17  }
0xed: {  	[tilespmem:s24+$0x40] =	vst v22;
	v22 =	vor.u32 v5, v20  }
0xee: {  	[tilespmem:s25+$0x40] =	vst v23;
	v23 =	vor.u32 v5, v18  }
0xef: {  	[tilespmem:s26+$0x40] =	vst v25  }
0xf0: {  	v25 =	vld.idx.msk [tilespmem:v26+s9+$0x0], $0xffff  }
0xf1: {  	v24 =	vld.idx.msk [tilespmem:v24+s9+$0x0], $0xffff  }
0xf2: {  	v22 =	vld.idx.msk [tilespmem:v22+s9+$0x0], $0xffff  }
0xf3: {  	v23 =	vld.idx.msk [tilespmem:v23+s9+$0x0], $0xffff;
	_ =	sdelay $0x1  }
0xf4: {  	v26 =	vor.u32 v6, v19  }
0xf5: {  	[tilespmem:s23+$0x50] =	vst v25;
	v25 =	vor.u32 v6, v17  }
0xf6: {  	[tilespmem:s24+$0x50] =	vst v24;
	v24 =	vor.u32 v6, v20  }
0xf7: {  	[tilespmem:s25+$0x50] =	vst v22;
	v22 =	vor.u32 v6, v18  }
0xf8: {  	[tilespmem:s26+$0x50] =	vst v23  }
0xf9: {  	v23 =	vld.idx.msk [tilespmem:v26+s9+$0x0], $0xffff  }
0xfa: {  	v25 =	vld.idx.msk [tilespmem:v25+s9+$0x0], $0xffff  }
0xfb: {  	v24 =	vld.idx.msk [tilespmem:v24+s9+$0x0], $0xffff  }
0xfc: {  	v22 =	vld.idx.msk [tilespmem:v22+s9+$0x0], $0xffff;
	_ =	sdelay $0x1  }
0xfd: {  	v26 =	vor.u32 v7, v19  }
0xfe: {  	[tilespmem:s23+$0x60] =	vst v23;
	v23 =	vor.u32 v7, v17  }
0xff: {  	[tilespmem:s24+$0x60] =	vst v25;
	v25 =	vor.u32 v7, v20  }
0x100: {  	[tilespmem:s25+$0x60] =	vst v24;
	v24 =	vor.u32 v7, v18  }
0x101: {  	[tilespmem:s26+$0x60] =	vst v22  }
0x102: {  	v22 =	vld.idx.msk [tilespmem:v26+s9+$0x0], $0xffff  }
0x103: {  	v23 =	vld.idx.msk [tilespmem:v23+s9+$0x0], $0xffff  }
0x104: {  	v25 =	vld.idx.msk [tilespmem:v25+s9+$0x0], $0xffff  }
0x105: {  	v24 =	vld.idx.msk [tilespmem:v24+s9+$0x0], $0xffff;
	_ =	sdelay $0x1  }
0x106: {  	v26 =	vor.u32 v8, v19  }
0x107: {  	[tilespmem:s23+$0x70] =	vst v22;
	v22 =	vor.u32 v8, v17  }
0x108: {  	[tilespmem:s24+$0x70] =	vst v23;
	v23 =	vor.u32 v8, v20  }
0x109: {  	[tilespmem:s25+$0x70] =	vst v25;
	v25 =	vor.u32 v8, v18  }
0x10a: {  	[tilespmem:s26+$0x70] =	vst v24  }
0x10b: {  	v24 =	vld.idx.msk [tilespmem:v26+s9+$0x0], $0xffff  }
0x10c: {  	s1 =	simm.s32 $0x1;
	v22 =	vld.idx.msk [tilespmem:v22+s9+$0x0], $0xffff  }
0x10d: {  	s0 =	sand.u32 $0x7, s20;
	s1 =	simm.s32 @!p1 $0x0;
	v23 =	vld.idx.msk [tilespmem:v23+s9+$0x0], $0xffff  }
0x10e: {  	s0 =	sshll.u32 s0, $0x7;
	s1 =	sshll.u32 s1, $0x9;
	s23 =	sand.u32 $0x3, s19;
	v25 =	vld.idx.msk [tilespmem:v25+s9+$0x0], $0xffff  }
0x10f: {  	s0 =	sadd.s32 s18, s0;
	s23 =	sshll.u32 s23, $0x8;
	s25 =	sadd.s32 s1, s18  }
0x110: {  	s24 =	sadd.s32 $0x80, s0;
	s1 =	sadd.s32 s18, s23;
	s18 =	sor.u32 $0x400, s25;
	v26 =	vor.u32 v9, v19  }
0x111: {  	s26 =	sadd.s32 $0x100, s1;
	s30 =	sor.u32 $0x450, s25;
	[tilespmem:s18+$0x2000] =	vst v24;
	s18 =	sor.u32 $0x400, s24;
	v24 =	vor.u32 v9, v17  }
0x112: {  	s23 =	sadd.s32 $0x180, s0;
	s1 =	sor.u32 $0x400, s26;
	s29 =	sor.u32 $0x470, s26;
	[tilespmem:s18+$0x2000] =	vst v22;
	v22 =	vor.u32 v9, v20  }
0x113: {  	s0 =	sor.u32 $0x400, s23;
	s18 =	smov.u32 s28;
	[tilespmem:s1+$0x2000] =	vst v23;
	v23 =	vor.u32 v9, v18  }
0x114: {  	[tilespmem:s0+$0x2000] =	vst v25  }
0x115: {  	v25 =	vld.idx.msk [tilespmem:v26+s9+$0x0], $0xffff  }
0x116: {  	v24 =	vld.idx.msk [tilespmem:v24+s9+$0x0], $0xffff  }
0x117: {  	v22 =	vld.idx.msk [tilespmem:v22+s9+$0x0], $0xffff  }
0x118: {  	v23 =	vld.idx.msk [tilespmem:v23+s9+$0x0], $0xffff;
	_ =	sdelay $0x1  }
0x119: {  	s0 =	sor.u32 $0x410, s25;
	v26 =	vor.u32 v10, v19  }
0x11a: {  	[tilespmem:s0+$0x2000] =	vst v25;
	s0 =	sor.u32 $0x410, s24;
	v25 =	vor.u32 v10, v17  }
0x11b: {  	[tilespmem:s0+$0x2000] =	vst v24;
	s0 =	sor.u32 $0x410, s26;
	v24 =	vor.u32 v10, v20  }
0x11c: {  	[tilespmem:s0+$0x2000] =	vst v22;
	s0 =	sor.u32 $0x410, s23;
	v22 =	vor.u32 v10, v18  }
0x11d: {  	[tilespmem:s0+$0x2000] =	vst v23  }
0x11e: {  	v23 =	vld.idx.msk [tilespmem:v26+s9+$0x0], $0xffff  }
0x11f: {  	v25 =	vld.idx.msk [tilespmem:v25+s9+$0x0], $0xffff  }
0x120: {  	v24 =	vld.idx.msk [tilespmem:v24+s9+$0x0], $0xffff  }
0x121: {  	v22 =	vld.idx.msk [tilespmem:v22+s9+$0x0], $0xffff;
	_ =	sdelay $0x1  }
0x122: {  	s0 =	sor.u32 $0x420, s25;
	v26 =	vor.u32 v11, v19  }
0x123: {  	[tilespmem:s0+$0x2000] =	vst v23;
	s0 =	sor.u32 $0x420, s24;
	v23 =	vor.u32 v11, v17  }
0x124: {  	[tilespmem:s0+$0x2000] =	vst v25;
	s0 =	sor.u32 $0x420, s26;
	v25 =	vor.u32 v11, v20  }
0x125: {  	[tilespmem:s0+$0x2000] =	vst v24;
	s0 =	sor.u32 $0x420, s23;
	v24 =	vor.u32 v11, v18  }
0x126: {  	[tilespmem:s0+$0x2000] =	vst v22  }
0x127: {  	v22 =	vld.idx.msk [tilespmem:v26+s9+$0x0], $0xffff  }
0x128: {  	v23 =	vld.idx.msk [tilespmem:v23+s9+$0x0], $0xffff  }
0x129: {  	v25 =	vld.idx.msk [tilespmem:v25+s9+$0x0], $0xffff  }
0x12a: {  	v24 =	vld.idx.msk [tilespmem:v24+s9+$0x0], $0xffff;
	_ =	sdelay $0x1  }
0x12b: {  	s0 =	sor.u32 $0x430, s25;
	v26 =	vor.u32 v12, v19  }
0x12c: {  	[tilespmem:s0+$0x2000] =	vst v22;
	s0 =	sor.u32 $0x430, s24;
	v22 =	vor.u32 v12, v17  }
0x12d: {  	[tilespmem:s0+$0x2000] =	vst v23;
	s0 =	sor.u32 $0x430, s26;
	v23 =	vor.u32 v12, v20  }
0x12e: {  	[tilespmem:s0+$0x2000] =	vst v25;
	s0 =	sor.u32 $0x430, s23;
	v25 =	vor.u32 v12, v18  }
0x12f: {  	[tilespmem:s0+$0x2000] =	vst v24  }
0x130: {  	v24 =	vld.idx.msk [tilespmem:v26+s9+$0x0], $0xffff  }
0x131: {  	v22 =	vld.idx.msk [tilespmem:v22+s9+$0x0], $0xffff  }
0x132: {  	v23 =	vld.idx.msk [tilespmem:v23+s9+$0x0], $0xffff  }
0x133: {  	v25 =	vld.idx.msk [tilespmem:v25+s9+$0x0], $0xffff;
	_ =	sdelay $0x1  }
0x134: {  	s0 =	sor.u32 $0x440, s25;
	v26 =	vor.u32 v13, v19  }
0x135: {  	s21 =	sadd.s32 $0x4, s21;
	[tilespmem:s0+$0x2000] =	vst v24;
	s0 =	sor.u32 $0x440, s24;
	v24 =	vor.u32 v13, v17  }
0x136: {  	v27 =	vor.u32 v13, v20;
	s1 =	sadd.s32 $0xFFFFFFFD, s21;
	[tilespmem:s0+$0x2000] =	vst v22;
	s0 =	sor.u32 $0x440, s26  }
0x137: {  	v30 =	vor.u32 v13, v18;
	v28 =	vmov s1;
	s1 =	sadd.s32 $0xFFFFFFFE, s21;
	[tilespmem:s0+$0x2000] =	vst v23;
	s0 =	sor.u32 $0x440, s23  }
0x138: {  	v29 =	vmov s1;
	s1 =	sadd.s32 $0xFFFFFFFF, s21;
	v22 =	vmov s21;
	v23 =	vshll.u32 v28, $0x3;
	[tilespmem:s0+$0x2000] =	vst v25  }
.Ltmp0:
0x139: {  	v32 =	vshll.u32 v22, $0x3;
	v25 =	vand.u32 $0x7C, v28;
	v23 =	vand.u32 $0x400, v23;
	v26 =	vld.idx.msk [tilespmem:v26+s9+$0x0], $0xffff;
	(pc) =	sbr.rel @p2 .LBB2_3-.Ltmp0, $4  }
0x13a: {  	v23 =	vor.u32 v23, v25;
	v25 =	vand.u32 $0x7D, v29;
	v29 =	vshll.u32 v29, $0x3;
	v28 =	vld.idx.msk [tilespmem:v24+s9+$0x0], $0xffff  }
0x13b: {  	v31 =	vmov s1;
	v23 =	vor.u32 v16, v23;
	v24 =	vand.u32 $0x400, v29;
	v29 =	vld.idx.msk [tilespmem:v27+s9+$0x0], $0xffff  }
0x13c: {  	s31 =	sor.u32 $0x470, s25;
	v24 =	vor.u32 v24, v25;
	v27 =	vand.u32 $0x7E, v31;
	v25 =	vshll.u32 v31, $0x3;
	v30 =	vld.idx.msk [tilespmem:v30+s9+$0x0], $0xffff  }
0x13d: {  	p1 =	por !p1, !p1;
	s0 =	sor.u32 $0x470, s24;
	v24 =	vor.u32 v16, v24;
	v31 =	vand.u32 $0x400, v25;
	v25 =	vand.u32 $0x400, v32  }
0x13e: {  	[tilespmem:s30+$0x2000] =	vst v26;
	s1 =	sor.u32 $0x450, s24;
	v26 =	vor.u32 v14, v17  }
0x13f: {  	s21 =	sor.u32 $0x450, s26;
	[tilespmem:s1+$0x2000] =	vst v28;
	v28 =	vor.u32 v14, v20  }
0x140: {  	s22 =	sor.u32 $0x450, s23;
	[tilespmem:s21+$0x2000] =	vst v29;
	v29 =	vor.u32 v14, v18  }
0x141: {  	[tilespmem:s22+$0x2000] =	vst v30  }
0x142: {  	v21 =	vld.idx.msk [tilespmem:v21+s9+$0x0], $0xffff  }
0x143: {  	v26 =	vld.idx.msk [tilespmem:v26+s9+$0x0], $0xffff  }
0x144: {  	v28 =	vld.idx.msk [tilespmem:v28+s9+$0x0], $0xffff  }
0x145: {  	v29 =	vld.idx.msk [tilespmem:v29+s9+$0x0], $0xffff  }
0x146: {  	s25 =	sor.u32 $0x460, s25;
	v19 =	vor.u32 v15, v19  }
0x147: {  	s28 =	sor.u32 $0x460, s24;
	v17 =	vor.u32 v15, v17;
	[tilespmem:s25+$0x2000] =	vst v21  }
0x148: {  	v20 =	vor.u32 v15, v20;
	s21 =	sor.u32 $0x460, s26;
	[tilespmem:s28+$0x2000] =	vst v26  }
0x149: {  	v18 =	vor.u32 v15, v18;
	s22 =	sor.u32 $0x460, s23;
	[tilespmem:s21+$0x2000] =	vst v28  }
0x14a: {  	[tilespmem:s22+$0x2000] =	vst v29  }
0x14b: {  	v19 =	vld.idx.msk [tilespmem:v19+s9+$0x0], $0xffff  }
0x14c: {  	v17 =	vld.idx.msk [tilespmem:v17+s9+$0x0], $0xffff  }
0x14d: {  	v20 =	vld.idx.msk [tilespmem:v20+s9+$0x0], $0xffff  }
0x14e: {  	v18 =	vld.idx.msk [tilespmem:v18+s9+$0x0], $0xffff;
	_ =	sdelay $0x1  }
0x14f: {  	v22 =	vand.u32 $0x7F, v22;
	v21 =	vor.u32 v31, v27;
	[tilespmem:s31+$0x2000] =	vst v19  }
0x150: {  	v19 =	vor.u32 v16, v21;
	v21 =	vor.u32 v25, v22;
	[tilespmem:s0+$0x2000] =	vst v17  }
0x151: {  	s23 =	sor.u32 $0x470, s23;
	v16 =	vor.u32 v16, v21;
	[tilespmem:s29+$0x2000] =	vst v20  }
0x152: {  	[tilespmem:s23+$0x2000] =	vst v18  }
0x153: {  	v17 =	vld.idx.msk [tilespmem:v23+s3+$0x0], $0xffff  }
0x154: {  	v18 =	vld.idx.msk [tilespmem:v24+s3+$0x0], $0xffff  }
0x155: {  	v20 =	vld.idx.msk [tilespmem:v19+s3+$0x0], $0xffff  }
0x156: {  	v16 =	vld.idx.msk [tilespmem:v16+s3+$0x0], $0xffff;
	_ =	sdelay $0x1  }
0x157: {  	v19 =	vshll.u32 v17, $0x8  }
0x158: {  	v17 =	vshll.u32 v18, $0x8;
	v21 =	vor.u32 v0, v19  }
0x159: {  	v18 =	vshll.u32 v20, $0x8;
	v20 =	vor.u32 v0, v17  }
0x15a: {  	v16 =	vshll.u32 v16, $0x8;
	v22 =	vor.u32 v0, v18  }
0x15b: {  	v23 =	vor.u32 v0, v16;
	_ =	sdelay $0x1  }
0x15c: {  	v21 =	vld.idx.msk [tilespmem:v21+s9+$0x0], $0xffff  }
0x15d: {  	v20 =	vld.idx.msk [tilespmem:v20+s9+$0x0], $0xffff  }
0x15e: {  	s24 =	sadd.s32 $0x200, s16;
	s25 =	sand.u32 $0xF800, s18;
	v22 =	vld.idx.msk [tilespmem:v22+s9+$0x0], $0xffff  }
0x15f: {  	s16 =	sand.u32 $0x200, s24;
	s21 =	sadd.s32 $0x80, s24;
	s22 =	sadd.s32 $0x2000, s25;
	v23 =	vld.idx.msk [tilespmem:v23+s9+$0x0], $0xffff  }
0x160: {  	s28 =	sadd.s32 $0x100, s24;
	s26 =	sand.u32 $0x280, s21;
	s0 =	sor.u32 s16, s22;
	v24 =	vor.u32 v1, v19  }
0x161: {  	s1 =	sadd.s32 $0x180, s24;
	s21 =	sand.u32 $0x300, s28;
	s16 =	sor.u32 s26, s22;
	[tilespmem:s0+$0x0] =	vst v21;
	v21 =	vor.u32 v1, v17  }
0x162: {  	s1 =	sand.u32 $0x380, s1;
	s21 =	sor.u32 s21, s22;
	[tilespmem:s16+$0x0] =	vst v20;
	v20 =	vor.u32 v1, v18  }
0x163: {  	s22 =	sor.u32 s1, s22;
	[tilespmem:s21+$0x0] =	vst v22;
	v22 =	vor.u32 v1, v16  }
0x164: {  	[tilespmem:s22+$0x0] =	vst v23  }
0x165: {  	v23 =	vld.idx.msk [tilespmem:v24+s9+$0x0], $0xffff  }
0x166: {  	v21 =	vld.idx.msk [tilespmem:v21+s9+$0x0], $0xffff  }
0x167: {  	v20 =	vld.idx.msk [tilespmem:v20+s9+$0x0], $0xffff  }
0x168: {  	v22 =	vld.idx.msk [tilespmem:v22+s9+$0x0], $0xffff  }
0x169: {  	v24 =	vor.u32 v2, v19  }
0x16a: {  	[tilespmem:s0+$0x10] =	vst v23;
	v23 =	vor.u32 v2, v17  }
0x16b: {  	[tilespmem:s16+$0x10] =	vst v21;
	v21 =	vor.u32 v2, v18  }
0x16c: {  	[tilespmem:s21+$0x10] =	vst v20;
	v20 =	vor.u32 v2, v16  }
0x16d: {  	[tilespmem:s22+$0x10] =	vst v22  }
0x16e: {  	v22 =	vld.idx.msk [tilespmem:v24+s9+$0x0], $0xffff  }
0x16f: {  	v23 =	vld.idx.msk [tilespmem:v23+s9+$0x0], $0xffff  }
0x170: {  	v21 =	vld.idx.msk [tilespmem:v21+s9+$0x0], $0xffff  }
0x171: {  	v20 =	vld.idx.msk [tilespmem:v20+s9+$0x0], $0xffff  }
0x172: {  	v24 =	vor.u32 v3, v19  }
0x173: {  	[tilespmem:s0+$0x20] =	vst v22;
	v22 =	vor.u32 v3, v17  }
0x174: {  	[tilespmem:s16+$0x20] =	vst v23;
	v23 =	vor.u32 v3, v18  }
0x175: {  	[tilespmem:s21+$0x20] =	vst v21;
	v21 =	vor.u32 v3, v16  }
0x176: {  	[tilespmem:s22+$0x20] =	vst v20  }
0x177: {  	v20 =	vld.idx.msk [tilespmem:v24+s9+$0x0], $0xffff  }
0x178: {  	v22 =	vld.idx.msk [tilespmem:v22+s9+$0x0], $0xffff  }
0x179: {  	v23 =	vld.idx.msk [tilespmem:v23+s9+$0x0], $0xffff  }
0x17a: {  	v21 =	vld.idx.msk [tilespmem:v21+s9+$0x0], $0xffff  }
0x17b: {  	v24 =	vor.u32 v4, v19  }
0x17c: {  	[tilespmem:s0+$0x30] =	vst v20;
	v20 =	vor.u32 v4, v17  }
0x17d: {  	[tilespmem:s16+$0x30] =	vst v22;
	v22 =	vor.u32 v4, v18  }
0x17e: {  	[tilespmem:s21+$0x30] =	vst v23;
	v23 =	vor.u32 v4, v16  }
0x17f: {  	[tilespmem:s22+$0x30] =	vst v21  }
0x180: {  	v21 =	vld.idx.msk [tilespmem:v24+s9+$0x0], $0xffff  }
0x181: {  	v20 =	vld.idx.msk [tilespmem:v20+s9+$0x0], $0xffff  }
0x182: {  	v22 =	vld.idx.msk [tilespmem:v22+s9+$0x0], $0xffff  }
0x183: {  	v23 =	vld.idx.msk [tilespmem:v23+s9+$0x0], $0xffff  }
0x184: {  	v24 =	vor.u32 v5, v19  }
0x185: {  	[tilespmem:s0+$0x40] =	vst v21;
	v21 =	vor.u32 v5, v17  }
0x186: {  	[tilespmem:s16+$0x40] =	vst v20;
	v20 =	vor.u32 v5, v18  }
0x187: {  	[tilespmem:s21+$0x40] =	vst v22;
	v22 =	vor.u32 v5, v16  }
0x188: {  	[tilespmem:s22+$0x40] =	vst v23  }
0x189: {  	v23 =	vld.idx.msk [tilespmem:v24+s9+$0x0], $0xffff  }
0x18a: {  	v21 =	vld.idx.msk [tilespmem:v21+s9+$0x0], $0xffff  }
0x18b: {  	v20 =	vld.idx.msk [tilespmem:v20+s9+$0x0], $0xffff  }
0x18c: {  	v22 =	vld.idx.msk [tilespmem:v22+s9+$0x0], $0xffff  }
0x18d: {  	v24 =	vor.u32 v6, v19  }
0x18e: {  	[tilespmem:s0+$0x50] =	vst v23;
	v23 =	vor.u32 v6, v17  }
0x18f: {  	[tilespmem:s16+$0x50] =	vst v21;
	v21 =	vor.u32 v6, v18  }
0x190: {  	[tilespmem:s21+$0x50] =	vst v20;
	v20 =	vor.u32 v6, v16  }
0x191: {  	[tilespmem:s22+$0x50] =	vst v22  }
0x192: {  	v22 =	vld.idx.msk [tilespmem:v24+s9+$0x0], $0xffff  }
0x193: {  	v23 =	vld.idx.msk [tilespmem:v23+s9+$0x0], $0xffff  }
0x194: {  	v21 =	vld.idx.msk [tilespmem:v21+s9+$0x0], $0xffff  }
0x195: {  	v20 =	vld.idx.msk [tilespmem:v20+s9+$0x0], $0xffff  }
0x196: {  	v24 =	vor.u32 v7, v19  }
0x197: {  	[tilespmem:s0+$0x60] =	vst v22;
	v22 =	vor.u32 v7, v17  }
0x198: {  	[tilespmem:s16+$0x60] =	vst v23;
	v23 =	vor.u32 v7, v18  }
0x199: {  	[tilespmem:s21+$0x60] =	vst v21;
	v21 =	vor.u32 v7, v16  }
0x19a: {  	[tilespmem:s22+$0x60] =	vst v20  }
0x19b: {  	v20 =	vld.idx.msk [tilespmem:v24+s9+$0x0], $0xffff  }
0x19c: {  	v22 =	vld.idx.msk [tilespmem:v22+s9+$0x0], $0xffff  }
0x19d: {  	v23 =	vld.idx.msk [tilespmem:v23+s9+$0x0], $0xffff  }
0x19e: {  	v21 =	vld.idx.msk [tilespmem:v21+s9+$0x0], $0xffff  }
0x19f: {  	v24 =	vor.u32 v8, v19  }
0x1a0: {  	[tilespmem:s0+$0x70] =	vst v20;
	v20 =	vor.u32 v8, v17  }
0x1a1: {  	[tilespmem:s16+$0x70] =	vst v22;
	v22 =	vor.u32 v8, v18  }
0x1a2: {  	[tilespmem:s21+$0x70] =	vst v23;
	v23 =	vor.u32 v8, v16  }
0x1a3: {  	[tilespmem:s22+$0x70] =	vst v21  }
0x1a4: {  	s1 =	simm.s32 $0x1;
	s22 =	sadd.s32 $0x4, s20;
	v21 =	vld.idx.msk [tilespmem:v24+s9+$0x0], $0xffff  }
0x1a5: {  	s1 =	simm.s32 @!p1 $0x0;
	s23 =	sadd.s32 $0x2, s19;
	s0 =	sand.u32 $0x7, s22;
	v20 =	vld.idx.msk [tilespmem:v20+s9+$0x0], $0xffff  }
0x1a6: {  	s1 =	sshll.u32 s1, $0x9;
	s16 =	sand.u32 $0x3, s23;
	s0 =	sshll.u32 s0, $0x7;
	v22 =	vld.idx.msk [tilespmem:v22+s9+$0x0], $0xffff  }
0x1a7: {  	s16 =	sshll.u32 s16, $0x8;
	s21 =	sadd.s32 s1, s18;
	s0 =	sadd.s32 s18, s0;
	v23 =	vld.idx.msk [tilespmem:v23+s9+$0x0], $0xffff  }
0x1a8: {  	s24 =	sadd.s32 s18, s16;
	s25 =	sor.u32 $0x400, s21;
	v24 =	vor.u32 v9, v19;
	s20 =	sadd.s32 $0x80, s0  }
0x1a9: {  	s19 =	sadd.s32 $0x100, s24;
	s26 =	sor.u32 $0x400, s20;
	[tilespmem:s25+$0x2000] =	vst v21;
	v21 =	vor.u32 v9, v17  }
0x1aa: {  	s1 =	sor.u32 $0x400, s19;
	s18 =	sadd.s32 $0x180, s0;
	[tilespmem:s26+$0x2000] =	vst v20;
	v20 =	vor.u32 v9, v18  }
0x1ab: {  	s0 =	sor.u32 $0x400, s18;
	[tilespmem:s1+$0x2000] =	vst v22;
	v22 =	vor.u32 v9, v16  }
0x1ac: {  	[tilespmem:s0+$0x2000] =	vst v23  }
0x1ad: {  	v23 =	vld.idx.msk [tilespmem:v24+s9+$0x0], $0xffff  }
0x1ae: {  	v21 =	vld.idx.msk [tilespmem:v21+s9+$0x0], $0xffff  }
0x1af: {  	v20 =	vld.idx.msk [tilespmem:v20+s9+$0x0], $0xffff  }
0x1b0: {  	v22 =	vld.idx.msk [tilespmem:v22+s9+$0x0], $0xffff  }
0x1b1: {  	s28 =	sor.u32 $0x410, s21;
	v24 =	vor.u32 v10, v19  }
0x1b2: {  	s1 =	sor.u32 $0x410, s20;
	[tilespmem:s28+$0x2000] =	vst v23;
	v23 =	vor.u32 v10, v17  }
0x1b3: {  	s16 =	sor.u32 $0x410, s19;
	[tilespmem:s1+$0x2000] =	vst v21;
	v21 =	vor.u32 v10, v18  }
0x1b4: {  	s22 =	sor.u32 $0x410, s18;
	[tilespmem:s16+$0x2000] =	vst v20;
	v20 =	vor.u32 v10, v16  }
0x1b5: {  	[tilespmem:s22+$0x2000] =	vst v22  }
0x1b6: {  	v22 =	vld.idx.msk [tilespmem:v24+s9+$0x0], $0xffff  }
0x1b7: {  	v23 =	vld.idx.msk [tilespmem:v23+s9+$0x0], $0xffff  }
0x1b8: {  	v21 =	vld.idx.msk [tilespmem:v21+s9+$0x0], $0xffff  }
0x1b9: {  	v20 =	vld.idx.msk [tilespmem:v20+s9+$0x0], $0xffff  }
0x1ba: {  	s23 =	sor.u32 $0x420, s21;
	v24 =	vor.u32 v11, v19  }
0x1bb: {  	s24 =	sor.u32 $0x420, s20;
	[tilespmem:s23+$0x2000] =	vst v22;
	v22 =	vor.u32 v11, v17  }
0x1bc: {  	s25 =	sor.u32 $0x420, s19;
	[tilespmem:s24+$0x2000] =	vst v23;
	v23 =	vor.u32 v11, v18  }
0x1bd: {  	s26 =	sor.u32 $0x420, s18;
	[tilespmem:s25+$0x2000] =	vst v21;
	v21 =	vor.u32 v11, v16  }
0x1be: {  	[tilespmem:s26+$0x2000] =	vst v20  }
0x1bf: {  	v20 =	vld.idx.msk [tilespmem:v24+s9+$0x0], $0xffff  }
0x1c0: {  	v22 =	vld.idx.msk [tilespmem:v22+s9+$0x0], $0xffff  }
0x1c1: {  	v23 =	vld.idx.msk [tilespmem:v23+s9+$0x0], $0xffff  }
0x1c2: {  	v21 =	vld.idx.msk [tilespmem:v21+s9+$0x0], $0xffff  }
0x1c3: {  	s28 =	sor.u32 $0x430, s21;
	v24 =	vor.u32 v12, v19  }
0x1c4: {  	s1 =	sor.u32 $0x430, s20;
	[tilespmem:s28+$0x2000] =	vst v20;
	v20 =	vor.u32 v12, v17  }
0x1c5: {  	s16 =	sor.u32 $0x430, s19;
	[tilespmem:s1+$0x2000] =	vst v22;
	v22 =	vor.u32 v12, v18  }
0x1c6: {  	s22 =	sor.u32 $0x430, s18;
	[tilespmem:s16+$0x2000] =	vst v23;
	v23 =	vor.u32 v12, v16  }
0x1c7: {  	[tilespmem:s22+$0x2000] =	vst v21  }
0x1c8: {  	v21 =	vld.idx.msk [tilespmem:v24+s9+$0x0], $0xffff  }
0x1c9: {  	v20 =	vld.idx.msk [tilespmem:v20+s9+$0x0], $0xffff  }
0x1ca: {  	v22 =	vld.idx.msk [tilespmem:v22+s9+$0x0], $0xffff  }
0x1cb: {  	v23 =	vld.idx.msk [tilespmem:v23+s9+$0x0], $0xffff  }
0x1cc: {  	s23 =	sor.u32 $0x440, s21;
	v24 =	vor.u32 v13, v19  }
0x1cd: {  	s24 =	sor.u32 $0x440, s20;
	[tilespmem:s23+$0x2000] =	vst v21;
	v21 =	vor.u32 v13, v17  }
0x1ce: {  	s25 =	sor.u32 $0x440, s19;
	[tilespmem:s24+$0x2000] =	vst v20;
	v20 =	vor.u32 v13, v18  }
0x1cf: {  	s26 =	sor.u32 $0x440, s18;
	[tilespmem:s25+$0x2000] =	vst v22;
	v22 =	vor.u32 v13, v16  }
0x1d0: {  	[tilespmem:s26+$0x2000] =	vst v23  }
0x1d1: {  	v23 =	vld.idx.msk [tilespmem:v24+s9+$0x0], $0xffff  }
0x1d2: {  	v21 =	vld.idx.msk [tilespmem:v21+s9+$0x0], $0xffff  }
0x1d3: {  	v20 =	vld.idx.msk [tilespmem:v20+s9+$0x0], $0xffff  }
0x1d4: {  	v22 =	vld.idx.msk [tilespmem:v22+s9+$0x0], $0xffff  }
0x1d5: {  	s28 =	sor.u32 $0x450, s21;
	v24 =	vor.u32 v14, v19  }
0x1d6: {  	s1 =	sor.u32 $0x450, s20;
	[tilespmem:s28+$0x2000] =	vst v23;
	v23 =	vor.u32 v14, v17  }
0x1d7: {  	s16 =	sor.u32 $0x450, s19;
	[tilespmem:s1+$0x2000] =	vst v21;
	v21 =	vor.u32 v14, v18  }
0x1d8: {  	s22 =	sor.u32 $0x450, s18;
	[tilespmem:s16+$0x2000] =	vst v20;
	v20 =	vor.u32 v14, v16  }
0x1d9: {  	[tilespmem:s22+$0x2000] =	vst v22  }
0x1da: {  	v22 =	vld.idx.msk [tilespmem:v24+s9+$0x0], $0xffff  }
0x1db: {  	v23 =	vld.idx.msk [tilespmem:v23+s9+$0x0], $0xffff  }
0x1dc: {  	v21 =	vld.idx.msk [tilespmem:v21+s9+$0x0], $0xffff  }
0x1dd: {  	v20 =	vld.idx.msk [tilespmem:v20+s9+$0x0], $0xffff  }
0x1de: {  	s23 =	sor.u32 $0x460, s21;
	v19 =	vor.u32 v15, v19  }
0x1df: {  	s24 =	sor.u32 $0x460, s20;
	v17 =	vor.u32 v15, v17;
	[tilespmem:s23+$0x2000] =	vst v22  }
0x1e0: {  	s25 =	sor.u32 $0x460, s19;
	v18 =	vor.u32 v15, v18;
	[tilespmem:s24+$0x2000] =	vst v23  }
0x1e1: {  	s26 =	sor.u32 $0x460, s18;
	v16 =	vor.u32 v15, v16;
	[tilespmem:s25+$0x2000] =	vst v21  }
0x1e2: {  	[tilespmem:s26+$0x2000] =	vst v20  }
0x1e3: {  	s16 =	sor.u32 $0x1, s17;
	v19 =	vld.idx.msk [tilespmem:v19+s9+$0x0], $0xffff  }
0x1e4: {  	v20 =	vmov s16;
	v17 =	vld.idx.msk [tilespmem:v17+s9+$0x0], $0xffff  }
0x1e5: {  	s28 =	simm.s32 $0x0;
	v18 =	vld.idx.msk [tilespmem:v18+s9+$0x0], $0xffff;
	v21 =	vshll.u32 v20, $0x8;
	v20 =	vshll.u32 v20, $0x7  }
0x1e6: {  	v22 =	vld.idx.msk [tilespmem:v16+s9+$0x0], $0xffff;
	v16 =	vand.u32 $0x1800, v21;
	v20 =	vand.u32 $0x380, v20;
	v21 =	vmov s28  }
0x1e7: {  	s1 =	simm.s32 $0x1;
	v16 =	vor.u32 v20, v16;
	v20 =	vshll.u32 v21, $0x3  }
0x1e8: {  	s22 =	sor.u32 $0x470, s21;
	v23 =	vmov s1;
	v21 =	vand.u32 $0x7C, v21;
	v20 =	vand.u32 $0x400, v20  }
0x1e9: {  	s23 =	simm.s32 $0x3;
	s24 =	sor.u32 $0x470, s20;
	s25 =	sadd.s32 s4, s17;
	v20 =	vor.u32 v20, v21;
	v21 =	vshll.u32 v23, $0x3;
	[tilespmem:s22+$0x2000] =	vst v19  }
0x1ea: {  	s26 =	sor.u32 $0x470, s19;
	s19 =	simm.s32 $0x2;
	s28 =	smul.u32 $0x1900, s25;
	v19 =	vmov s23;
	v21 =	vand.u32 $0x400, v21;
	[tilespmem:s24+$0x2000] =	vst v17  }
0x1eb: {  	s18 =	sor.u32 $0x470, s18;
	v20 =	vor.u32 v16, v20;
	[tilespmem:s26+$0x2000] =	vst v18;
	v18 =	vand.u32 $0x7D, v23;
	v23 =	vmov s19  }
0x1ec: {  	s0 =	sadd.s32 s2, s28;
	v17 =	vshll.u32 v19, $0x3;
	[tilespmem:s18+$0x2000] =	vst v22;
	v18 =	vor.u32 v21, v18;
	v21 =	vshll.u32 v23, $0x3  }
0x1ed: {  	v19 =	vand.u32 $0x7F, v19;
	v22 =	vand.u32 $0x7E, v23;
	[hbm4b:s0+s3] =	stream.linear.scatter [tilespmem:s11], [sflag:$0x1], $0xC800, $0x38;
	v21 =	vand.u32 $0x400, v21;
	[tilespmem:$0x1B300] =	vst v63  }
0x1ee: {  	v17 =	vand.u32 $0x400, v17;
	v18 =	vor.u32 v16, v18;
	s0 =	simm.s32 @!p0 $0x2;
	v21 =	vor.u32 v21, v22  }
0x1ef: {  	v17 =	vor.u32 v17, v19;
	_ =	swait.ge @!p0 [sflag:s0], $0xC800;
	v21 =	vor.u32 v16, v21  }
0x1f0: {  	v17 =	vor.u32 v16, v17;
	[sflag:s0] =	ssyncset.done @!p0 $0x0  }
0x1f1: {  	[sflag:s0] =	ssyncadd.s32 @!p0 $0xFFFF3800  }
0x1f2: {  	v19 =	vld.idx.msk [tilespmem:v20+s3+$0x0], $0xffff  }
0x1f3: {  	v18 =	vld.idx.msk [tilespmem:v18+s3+$0x0], $0xffff  }
0x1f4: {  	v20 =	vld.idx.msk [tilespmem:v21+s3+$0x0], $0xffff  }
0x1f5: {  	v21 =	vld.idx.msk [tilespmem:v17+s3+$0x0], $0xffff;
	_ =	sdelay $0x1  }
0x1f6: {  	v19 =	vshll.u32 v19, $0x8  }
0x1f7: {  	v17 =	vshll.u32 v18, $0x8;
	v22 =	vor.u32 v0, v19  }
0x1f8: {  	v23 =	vor.u32 v0, v17;
	v20 =	vshll.u32 v20, $0x8  }
0x1f9: {  	v18 =	vshll.u32 v21, $0x8;
	v21 =	vor.u32 v0, v20  }
0x1fa: {  	v24 =	vor.u32 v0, v18;
	_ =	sdelay $0x1  }
0x1fb: {  	v22 =	vld.idx.msk [tilespmem:v22+s9+$0x0], $0xffff  }
0x1fc: {  	s17 =	simm.s32 $0x0;
	v23 =	vld.idx.msk [tilespmem:v23+s9+$0x0], $0xffff  }
0x1fd: {  	s20 =	sand.u32 $0xF800, s17;
	v21 =	vld.idx.msk [tilespmem:v21+s9+$0x0], $0xffff  }
0x1fe: {  	s21 =	sand.u32 $0x200, s17;
	s20 =	sadd.s32 $0xE800, s20;
	s22 =	simm.s32 $0x80;
	v24 =	vld.idx.msk [tilespmem:v24+s9+$0x0], $0xffff  }
0x1ff: {  	s23 =	sand.u32 $0x280, s22;
	s24 =	simm.s32 $0x100;
	s0 =	sor.u32 s21, s20;
	v25 =	vor.u32 v1, v19  }
0x200: {  	s25 =	sand.u32 $0x300, s24;
	s26 =	simm.s32 $0x180;
	s18 =	sor.u32 s23, s20;
	[tilespmem:s0+$0x0] =	vst v22;
	v22 =	vor.u32 v1, v17  }
0x201: {  	s19 =	sor.u32 s25, s20;
	s28 =	sand.u32 $0x380, s26;
	[tilespmem:s18+$0x0] =	vst v23;
	v23 =	vor.u32 v1, v20  }
0x202: {  	s20 =	sor.u32 s28, s20;
	[tilespmem:s19+$0x0] =	vst v21;
	v21 =	vor.u32 v1, v18  }
0x203: {  	[tilespmem:s20+$0x0] =	vst v24  }
0x204: {  	v24 =	vld.idx.msk [tilespmem:v25+s9+$0x0], $0xffff  }
0x205: {  	v22 =	vld.idx.msk [tilespmem:v22+s9+$0x0], $0xffff  }
0x206: {  	v23 =	vld.idx.msk [tilespmem:v23+s9+$0x0], $0xffff  }
0x207: {  	v21 =	vld.idx.msk [tilespmem:v21+s9+$0x0], $0xffff  }
0x208: {  	v25 =	vor.u32 v2, v19  }
0x209: {  	[tilespmem:s0+$0x10] =	vst v24;
	v24 =	vor.u32 v2, v17  }
0x20a: {  	[tilespmem:s18+$0x10] =	vst v22;
	v22 =	vor.u32 v2, v20  }
0x20b: {  	[tilespmem:s19+$0x10] =	vst v23;
	v23 =	vor.u32 v2, v18  }
0x20c: {  	[tilespmem:s20+$0x10] =	vst v21  }
0x20d: {  	v21 =	vld.idx.msk [tilespmem:v25+s9+$0x0], $0xffff  }
0x20e: {  	v24 =	vld.idx.msk [tilespmem:v24+s9+$0x0], $0xffff  }
0x20f: {  	v22 =	vld.idx.msk [tilespmem:v22+s9+$0x0], $0xffff  }
0x210: {  	v23 =	vld.idx.msk [tilespmem:v23+s9+$0x0], $0xffff  }
0x211: {  	v25 =	vor.u32 v3, v19  }
0x212: {  	[tilespmem:s0+$0x20] =	vst v21;
	v21 =	vor.u32 v3, v17  }
0x213: {  	[tilespmem:s18+$0x20] =	vst v24;
	v24 =	vor.u32 v3, v20  }
0x214: {  	[tilespmem:s19+$0x20] =	vst v22;
	v22 =	vor.u32 v3, v18  }
0x215: {  	[tilespmem:s20+$0x20] =	vst v23  }
0x216: {  	v23 =	vld.idx.msk [tilespmem:v25+s9+$0x0], $0xffff  }
0x217: {  	v21 =	vld.idx.msk [tilespmem:v21+s9+$0x0], $0xffff  }
0x218: {  	v24 =	vld.idx.msk [tilespmem:v24+s9+$0x0], $0xffff  }
0x219: {  	v22 =	vld.idx.msk [tilespmem:v22+s9+$0x0], $0xffff  }
0x21a: {  	v25 =	vor.u32 v4, v19  }
0x21b: {  	[tilespmem:s0+$0x30] =	vst v23;
	v23 =	vor.u32 v4, v17  }
0x21c: {  	[tilespmem:s18+$0x30] =	vst v21;
	v21 =	vor.u32 v4, v20  }
0x21d: {  	[tilespmem:s19+$0x30] =	vst v24;
	v24 =	vor.u32 v4, v18  }
0x21e: {  	[tilespmem:s20+$0x30] =	vst v22  }
0x21f: {  	v22 =	vld.idx.msk [tilespmem:v25+s9+$0x0], $0xffff  }
0x220: {  	v23 =	vld.idx.msk [tilespmem:v23+s9+$0x0], $0xffff  }
0x221: {  	v21 =	vld.idx.msk [tilespmem:v21+s9+$0x0], $0xffff  }
0x222: {  	v24 =	vld.idx.msk [tilespmem:v24+s9+$0x0], $0xffff  }
0x223: {  	v25 =	vor.u32 v5, v19  }
0x224: {  	[tilespmem:s0+$0x40] =	vst v22;
	v22 =	vor.u32 v5, v17  }
0x225: {  	[tilespmem:s18+$0x40] =	vst v23;
	v23 =	vor.u32 v5, v20  }
0x226: {  	[tilespmem:s19+$0x40] =	vst v21;
	v21 =	vor.u32 v5, v18  }
0x227: {  	[tilespmem:s20+$0x40] =	vst v24  }
0x228: {  	v24 =	vld.idx.msk [tilespmem:v25+s9+$0x0], $0xffff  }
0x229: {  	v22 =	vld.idx.msk [tilespmem:v22+s9+$0x0], $0xffff  }
0x22a: {  	v23 =	vld.idx.msk [tilespmem:v23+s9+$0x0], $0xffff  }
0x22b: {  	v21 =	vld.idx.msk [tilespmem:v21+s9+$0x0], $0xffff  }
0x22c: {  	v25 =	vor.u32 v6, v19  }
0x22d: {  	[tilespmem:s0+$0x50] =	vst v24;
	v24 =	vor.u32 v6, v17  }
0x22e: {  	[tilespmem:s18+$0x50] =	vst v22;
	v22 =	vor.u32 v6, v20  }
0x22f: {  	[tilespmem:s19+$0x50] =	vst v23;
	v23 =	vor.u32 v6, v18  }
0x230: {  	[tilespmem:s20+$0x50] =	vst v21  }
0x231: {  	v21 =	vld.idx.msk [tilespmem:v25+s9+$0x0], $0xffff  }
0x232: {  	v24 =	vld.idx.msk [tilespmem:v24+s9+$0x0], $0xffff  }
0x233: {  	v22 =	vld.idx.msk [tilespmem:v22+s9+$0x0], $0xffff  }
0x234: {  	v23 =	vld.idx.msk [tilespmem:v23+s9+$0x0], $0xffff  }
0x235: {  	v25 =	vor.u32 v7, v19  }
0x236: {  	[tilespmem:s0+$0x60] =	vst v21;
	v21 =	vor.u32 v7, v17  }
0x237: {  	[tilespmem:s18+$0x60] =	vst v24;
	v24 =	vor.u32 v7, v20  }
0x238: {  	[tilespmem:s19+$0x60] =	vst v22;
	v22 =	vor.u32 v7, v18  }
0x239: {  	[tilespmem:s20+$0x60] =	vst v23  }
0x23a: {  	v23 =	vld.idx.msk [tilespmem:v25+s9+$0x0], $0xffff  }
0x23b: {  	v21 =	vld.idx.msk [tilespmem:v21+s9+$0x0], $0xffff  }
0x23c: {  	v24 =	vld.idx.msk [tilespmem:v24+s9+$0x0], $0xffff  }
0x23d: {  	v22 =	vld.idx.msk [tilespmem:v22+s9+$0x0], $0xffff  }
0x23e: {  	v25 =	vor.u32 v8, v19  }
0x23f: {  	[tilespmem:s0+$0x70] =	vst v23;
	v23 =	vor.u32 v8, v17  }
0x240: {  	[tilespmem:s18+$0x70] =	vst v21;
	v21 =	vor.u32 v8, v20  }
0x241: {  	[tilespmem:s19+$0x70] =	vst v24;
	v24 =	vor.u32 v8, v18  }
0x242: {  	[tilespmem:s20+$0x70] =	vst v22  }
0x243: {  	p0 =	por $0x0, $0x0;
	s0 =	simm.s32 $0x1;
	v22 =	vld.idx.msk [tilespmem:v25+s9+$0x0], $0xffff  }
0x244: {  	s21 =	sand.u32 $0x7, s17;
	s0 =	simm.s32 @!p0 $0x0;
	v23 =	vld.idx.msk [tilespmem:v23+s9+$0x0], $0xffff  }
0x245: {  	s22 =	sand.u32 $0x3, s17;
	s1 =	sshll.u32 s21, $0x7;
	s0 =	sshll.u32 s0, $0x9;
	v21 =	vld.idx.msk [tilespmem:v21+s9+$0x0], $0xffff  }
0x246: {  	s1 =	sadd.s32 $0x0, s1;
	s18 =	sshll.u32 s22, $0x8;
	s25 =	sadd.s32 $0x0, s0;
	v24 =	vld.idx.msk [tilespmem:v24+s9+$0x0], $0xffff  }
0x247: {  	s24 =	sadd.s32 $0x80, s1;
	s23 =	sadd.s32 $0x0, s18;
	s26 =	sor.u32 $0x400, s25;
	v25 =	vor.u32 v9, v19  }
0x248: {  	s28 =	sor.u32 $0x400, s24;
	[tilespmem:s26+$0xE800] =	vst v22;
	s26 =	sadd.s32 $0x100, s23;
	v22 =	vor.u32 v9, v17  }
0x249: {  	s23 =	sadd.s32 $0x180, s1;
	[tilespmem:s28+$0xE800] =	vst v23;
	s0 =	sor.u32 $0x400, s26;
	v23 =	vor.u32 v9, v20  }
0x24a: {  	s1 =	sor.u32 $0x400, s23;
	[tilespmem:s0+$0xE800] =	vst v21;
	v21 =	vor.u32 v9, v18  }
0x24b: {  	[tilespmem:s1+$0xE800] =	vst v24  }
0x24c: {  	v24 =	vld.idx.msk [tilespmem:v25+s9+$0x0], $0xffff  }
0x24d: {  	v22 =	vld.idx.msk [tilespmem:v22+s9+$0x0], $0xffff  }
0x24e: {  	v23 =	vld.idx.msk [tilespmem:v23+s9+$0x0], $0xffff  }
0x24f: {  	v21 =	vld.idx.msk [tilespmem:v21+s9+$0x0], $0xffff  }
0x250: {  	s18 =	sor.u32 $0x410, s25;
	v25 =	vor.u32 v10, v19  }
0x251: {  	s19 =	sor.u32 $0x410, s24;
	[tilespmem:s18+$0xE800] =	vst v24;
	v24 =	vor.u32 v10, v17  }
0x252: {  	s20 =	sor.u32 $0x410, s26;
	[tilespmem:s19+$0xE800] =	vst v22;
	v22 =	vor.u32 v10, v20  }
0x253: {  	s21 =	sor.u32 $0x410, s23;
	[tilespmem:s20+$0xE800] =	vst v23;
	v23 =	vor.u32 v10, v18  }
0x254: {  	[tilespmem:s21+$0xE800] =	vst v21  }
0x255: {  	v21 =	vld.idx.msk [tilespmem:v25+s9+$0x0], $0xffff  }
0x256: {  	v24 =	vld.idx.msk [tilespmem:v24+s9+$0x0], $0xffff  }
0x257: {  	v22 =	vld.idx.msk [tilespmem:v22+s9+$0x0], $0xffff  }
0x258: {  	v23 =	vld.idx.msk [tilespmem:v23+s9+$0x0], $0xffff  }
0x259: {  	s22 =	sor.u32 $0x420, s25;
	v25 =	vor.u32 v11, v19  }
0x25a: {  	s28 =	sor.u32 $0x420, s24;
	[tilespmem:s22+$0xE800] =	vst v21;
	v21 =	vor.u32 v11, v17  }
0x25b: {  	s1 =	sor.u32 $0x420, s26;
	[tilespmem:s28+$0xE800] =	vst v24;
	v24 =	vor.u32 v11, v20  }
0x25c: {  	s18 =	sor.u32 $0x420, s23;
	[tilespmem:s1+$0xE800] =	vst v22;
	v22 =	vor.u32 v11, v18  }
0x25d: {  	[tilespmem:s18+$0xE800] =	vst v23  }
0x25e: {  	v23 =	vld.idx.msk [tilespmem:v25+s9+$0x0], $0xffff  }
0x25f: {  	v21 =	vld.idx.msk [tilespmem:v21+s9+$0x0], $0xffff  }
0x260: {  	v24 =	vld.idx.msk [tilespmem:v24+s9+$0x0], $0xffff  }
0x261: {  	v22 =	vld.idx.msk [tilespmem:v22+s9+$0x0], $0xffff  }
0x262: {  	s19 =	sor.u32 $0x430, s25;
	v25 =	vor.u32 v12, v19  }
0x263: {  	s20 =	sor.u32 $0x430, s24;
	[tilespmem:s19+$0xE800] =	vst v23;
	v23 =	vor.u32 v12, v17  }
0x264: {  	s21 =	sor.u32 $0x430, s26;
	[tilespmem:s20+$0xE800] =	vst v21;
	v21 =	vor.u32 v12, v20  }
0x265: {  	s22 =	sor.u32 $0x430, s23;
	[tilespmem:s21+$0xE800] =	vst v24;
	v24 =	vor.u32 v12, v18  }
0x266: {  	[tilespmem:s22+$0xE800] =	vst v22  }
0x267: {  	v22 =	vld.idx.msk [tilespmem:v25+s9+$0x0], $0xffff  }
0x268: {  	v23 =	vld.idx.msk [tilespmem:v23+s9+$0x0], $0xffff  }
0x269: {  	v25 =	vld.idx.msk [tilespmem:v21+s9+$0x0], $0xffff  }
0x26a: {  	v24 =	vld.idx.msk [tilespmem:v24+s9+$0x0], $0xffff  }
0x26b: {  	v26 =	vor.u32 v13, v19;
	s28 =	sor.u32 $0x440, s25  }
0x26c: {  	v27 =	vor.u32 v13, v17;
	v29 =	vor.u32 v13, v20;
	s1 =	sor.u32 $0x440, s24;
	s18 =	simm.s32 $0x4;
	s20 =	simm.s32 $0x5;
	[tilespmem:s28+$0xE800] =	vst v22  }
0x26d: {  	v30 =	vor.u32 v13, v18;
	s19 =	sor.u32 $0x440, s26;
	v28 =	vmov s20;
	[tilespmem:s1+$0xE800] =	vst v23;
	v23 =	vmov s18  }
0x26e: {  	s21 =	simm.s32 $0x7;
	s22 =	sor.u32 $0x440, s23;
	v31 =	vshll.u32 v28, $0x3;
	v21 =	vor.u32 v14, v19;
	[tilespmem:s19+$0xE800] =	vst v25;
	v25 =	vshll.u32 v23, $0x3  }
0x26f: {  	v22 =	vmov s21;
	v23 =	vand.u32 $0x7C, v23;
	[tilespmem:s22+$0xE800] =	vst v24;
	v24 =	vand.u32 $0x400, v25  }
0x270: {  	s28 =	simm.s32 $0x6;
	v25 =	vshll.u32 v22, $0x3;
	v26 =	vld.idx.msk [tilespmem:v26+s9+$0x0], $0xffff;
	v23 =	vor.u32 v24, v23;
	v24 =	vand.u32 $0x7D, v28  }
0x271: {  	s31 =	sor.u32 $0x470, s24;
	p0 =	por !p0, !p0;
	s30 =	sor.u32 $0x450, s25;
	v28 =	vld.idx.msk [tilespmem:v27+s9+$0x0], $0xffff;
	v27 =	vand.u32 $0x400, v31;
	v31 =	vmov s28;
	v25 =	vand.u32 $0x400, v25  }
0x272: {  	s29 =	sor.u32 $0x470, s26;
	s0 =	sor.u32 $0x470, s25;
	s20 =	simm.s32 $0x0;
	v29 =	vld.idx.msk [tilespmem:v29+s9+$0x0], $0xffff;
	v24 =	vor.u32 v27, v24;
	v27 =	vand.u32 $0x7E, v31;
	v31 =	vshll.u32 v31, $0x3  }
0x273: {  	s18 =	simm.s32 $0x400;
	s19 =	simm.s32 $0x0;
	s22 =	simm.s32 $0x800;
	v30 =	vld.idx.msk [tilespmem:v30+s9+$0x0], $0xffff;
	v23 =	vor.u32 v16, v23;
	v24 =	vor.u32 v16, v24;
	v31 =	vand.u32 $0x400, v31  }
.LBB2_5:
0x274: {  	v27 =	vor.u32 v31, v27;
	s17 =	sadd.s32 $0x200, s17;
	s20 =	sadd.s32 $0x4, s20;
	s19 =	sadd.s32 $0x2, s19  }
0x275: {  	p1 =	sne.s32 s22, $0xC400;
	s1 =	sor.u32 $0x450, s24;
	v27 =	vor.u32 v16, v27;
	[tilespmem:s30+$0xE800] =	vst v26;
	v26 =	vor.u32 v14, v17;
	s30 =	sor.u32 $0x470, s23  }
0x276: {  	s28 =	smov.u32 s22;
	s22 =	sadd.s32 $0x400, s22;
	[tilespmem:s1+$0xE800] =	vst v28;
	s1 =	sor.u32 $0x450, s26;
	v28 =	vor.u32 v14, v20  }
0x277: {  	[tilespmem:s1+$0xE800] =	vst v29;
	s1 =	sor.u32 $0x450, s23;
	v29 =	vor.u32 v14, v18  }
0x278: {  	[tilespmem:s1+$0xE800] =	vst v30  }
0x279: {  	v21 =	vld.idx.msk [tilespmem:v21+s9+$0x0], $0xffff  }
0x27a: {  	v26 =	vld.idx.msk [tilespmem:v26+s9+$0x0], $0xffff  }
0x27b: {  	v28 =	vld.idx.msk [tilespmem:v28+s9+$0x0], $0xffff  }
0x27c: {  	v29 =	vld.idx.msk [tilespmem:v29+s9+$0x0], $0xffff;
	_ =	sdelay $0x1  }
0x27d: {  	v19 =	vor.u32 v15, v19;
	v20 =	vor.u32 v15, v20;
	s1 =	sor.u32 $0x460, s25  }
0x27e: {  	[tilespmem:s1+$0xE800] =	vst v21;
	s1 =	sor.u32 $0x460, s24  }
0x27f: {  	v17 =	vor.u32 v15, v17;
	[tilespmem:s1+$0xE800] =	vst v26;
	s1 =	sor.u32 $0x460, s26  }
0x280: {  	v18 =	vor.u32 v15, v18;
	[tilespmem:s1+$0xE800] =	vst v28;
	s1 =	sor.u32 $0x460, s23  }
0x281: {  	[tilespmem:s1+$0xE800] =	vst v29  }
0x282: {  	v20 =	vld.idx.msk [tilespmem:v20+s9+$0x0], $0xffff  }
0x283: {  	v19 =	vld.idx.msk [tilespmem:v19+s9+$0x0], $0xffff  }
0x284: {  	v17 =	vld.idx.msk [tilespmem:v17+s9+$0x0], $0xffff  }
0x285: {  	v18 =	vld.idx.msk [tilespmem:v18+s9+$0x0], $0xffff;
	_ =	sdelay $0x3  }
0x286: {  	v21 =	vand.u32 $0x7F, v22;
	[tilespmem:s0+$0xE800] =	vst v19  }
0x287: {  	v19 =	vor.u32 v25, v21;
	[tilespmem:s31+$0xE800] =	vst v17  }
0x288: {  	v17 =	vor.u32 v16, v19;
	[tilespmem:s29+$0xE800] =	vst v20  }
0x289: {  	[tilespmem:s30+$0xE800] =	vst v18  }
0x28a: {  	v18 =	vld.idx.msk [tilespmem:v23+s3+$0x0], $0xffff  }
0x28b: {  	v20 =	vld.idx.msk [tilespmem:v24+s3+$0x0], $0xffff  }
0x28c: {  	v22 =	vld.idx.msk [tilespmem:v27+s3+$0x0], $0xffff  }
0x28d: {  	v23 =	vld.idx.msk [tilespmem:v17+s3+$0x0], $0xffff;
	_ =	sdelay $0x2  }
0x28e: {  	v19 =	vshll.u32 v18, $0x8  }
0x28f: {  	v17 =	vshll.u32 v20, $0x8;
	v24 =	vor.u32 v0, v19;
	v21 =	vor.u32 v14, v19  }
0x290: {  	v20 =	vshll.u32 v22, $0x8;
	v22 =	vor.u32 v0, v17  }
0x291: {  	v18 =	vshll.u32 v23, $0x8;
	v23 =	vor.u32 v0, v20  }
0x292: {  	v25 =	vor.u32 v0, v18;
	_ =	sdelay $0x1  }
0x293: {  	v24 =	vld.idx.msk [tilespmem:v24+s9+$0x0], $0xffff  }
0x294: {  	v22 =	vld.idx.msk [tilespmem:v22+s9+$0x0], $0xffff  }
0x295: {  	v23 =	vld.idx.msk [tilespmem:v23+s9+$0x0], $0xffff  }
0x296: {  	s0 =	sand.u32 $0xF800, s18;
	v25 =	vld.idx.msk [tilespmem:v25+s9+$0x0], $0xffff  }
0x297: {  	s24 =	sadd.s32 $0x80, s17;
	s1 =	sand.u32 $0x200, s17;
	s0 =	sadd.s32 $0xE800, s0  }
0x298: {  	s25 =	sadd.s32 $0x100, s17;
	s23 =	sor.u32 s1, s0;
	s1 =	sand.u32 $0x280, s24;
	v26 =	vor.u32 v1, v19  }
0x299: {  	s26 =	sadd.s32 $0x180, s17;
	s24 =	sor.u32 s1, s0;
	s1 =	sand.u32 $0x300, s25;
	[tilespmem:s23+$0x0] =	vst v24;
	v24 =	vor.u32 v1, v17  }
0x29a: {  	s25 =	sor.u32 s1, s0;
	s1 =	sand.u32 $0x380, s26;
	[tilespmem:s24+$0x0] =	vst v22;
	v22 =	vor.u32 v1, v20  }
0x29b: {  	s26 =	sor.u32 s1, s0;
	[tilespmem:s25+$0x0] =	vst v23;
	v23 =	vor.u32 v1, v18  }
0x29c: {  	[tilespmem:s26+$0x0] =	vst v25  }
0x29d: {  	v25 =	vld.idx.msk [tilespmem:v26+s9+$0x0], $0xffff  }
0x29e: {  	v24 =	vld.idx.msk [tilespmem:v24+s9+$0x0], $0xffff  }
0x29f: {  	v22 =	vld.idx.msk [tilespmem:v22+s9+$0x0], $0xffff  }
0x2a0: {  	v23 =	vld.idx.msk [tilespmem:v23+s9+$0x0], $0xffff;
	_ =	sdelay $0x1  }
0x2a1: {  	v26 =	vor.u32 v2, v19  }
0x2a2: {  	[tilespmem:s23+$0x10] =	vst v25;
	v25 =	vor.u32 v2, v17  }
0x2a3: {  	[tilespmem:s24+$0x10] =	vst v24;
	v24 =	vor.u32 v2, v20  }
0x2a4: {  	[tilespmem:s25+$0x10] =	vst v22;
	v22 =	vor.u32 v2, v18  }
0x2a5: {  	[tilespmem:s26+$0x10] =	vst v23  }
0x2a6: {  	v23 =	vld.idx.msk [tilespmem:v26+s9+$0x0], $0xffff  }
0x2a7: {  	v25 =	vld.idx.msk [tilespmem:v25+s9+$0x0], $0xffff  }
0x2a8: {  	v24 =	vld.idx.msk [tilespmem:v24+s9+$0x0], $0xffff  }
0x2a9: {  	v22 =	vld.idx.msk [tilespmem:v22+s9+$0x0], $0xffff;
	_ =	sdelay $0x1  }
0x2aa: {  	v26 =	vor.u32 v3, v19  }
0x2ab: {  	[tilespmem:s23+$0x20] =	vst v23;
	v23 =	vor.u32 v3, v17  }
0x2ac: {  	[tilespmem:s24+$0x20] =	vst v25;
	v25 =	vor.u32 v3, v20  }
0x2ad: {  	[tilespmem:s25+$0x20] =	vst v24;
	v24 =	vor.u32 v3, v18  }
0x2ae: {  	[tilespmem:s26+$0x20] =	vst v22  }
0x2af: {  	v22 =	vld.idx.msk [tilespmem:v26+s9+$0x0], $0xffff  }
0x2b0: {  	v23 =	vld.idx.msk [tilespmem:v23+s9+$0x0], $0xffff  }
0x2b1: {  	v25 =	vld.idx.msk [tilespmem:v25+s9+$0x0], $0xffff  }
0x2b2: {  	v24 =	vld.idx.msk [tilespmem:v24+s9+$0x0], $0xffff;
	_ =	sdelay $0x1  }
0x2b3: {  	v26 =	vor.u32 v4, v19  }
0x2b4: {  	[tilespmem:s23+$0x30] =	vst v22;
	v22 =	vor.u32 v4, v17  }
0x2b5: {  	[tilespmem:s24+$0x30] =	vst v23;
	v23 =	vor.u32 v4, v20  }
0x2b6: {  	[tilespmem:s25+$0x30] =	vst v25;
	v25 =	vor.u32 v4, v18  }
0x2b7: {  	[tilespmem:s26+$0x30] =	vst v24  }
0x2b8: {  	v24 =	vld.idx.msk [tilespmem:v26+s9+$0x0], $0xffff  }
0x2b9: {  	v22 =	vld.idx.msk [tilespmem:v22+s9+$0x0], $0xffff  }
0x2ba: {  	v23 =	vld.idx.msk [tilespmem:v23+s9+$0x0], $0xffff  }
0x2bb: {  	v25 =	vld.idx.msk [tilespmem:v25+s9+$0x0], $0xffff;
	_ =	sdelay $0x1  }
0x2bc: {  	v26 =	vor.u32 v5, v19  }
0x2bd: {  	[tilespmem:s23+$0x40] =	vst v24;
	v24 =	vor.u32 v5, v17  }
0x2be: {  	[tilespmem:s24+$0x40] =	vst v22;
	v22 =	vor.u32 v5, v20  }
0x2bf: {  	[tilespmem:s25+$0x40] =	vst v23;
	v23 =	vor.u32 v5, v18  }
0x2c0: {  	[tilespmem:s26+$0x40] =	vst v25  }
0x2c1: {  	v25 =	vld.idx.msk [tilespmem:v26+s9+$0x0], $0xffff  }
0x2c2: {  	v24 =	vld.idx.msk [tilespmem:v24+s9+$0x0], $0xffff  }
0x2c3: {  	v22 =	vld.idx.msk [tilespmem:v22+s9+$0x0], $0xffff  }
0x2c4: {  	v23 =	vld.idx.msk [tilespmem:v23+s9+$0x0], $0xffff;
	_ =	sdelay $0x1  }
0x2c5: {  	v26 =	vor.u32 v6, v19  }
0x2c6: {  	[tilespmem:s23+$0x50] =	vst v25;
	v25 =	vor.u32 v6, v17  }
0x2c7: {  	[tilespmem:s24+$0x50] =	vst v24;
	v24 =	vor.u32 v6, v20  }
0x2c8: {  	[tilespmem:s25+$0x50] =	vst v22;
	v22 =	vor.u32 v6, v18  }
0x2c9: {  	[tilespmem:s26+$0x50] =	vst v23  }
0x2ca: {  	v23 =	vld.idx.msk [tilespmem:v26+s9+$0x0], $0xffff  }
0x2cb: {  	v25 =	vld.idx.msk [tilespmem:v25+s9+$0x0], $0xffff  }
0x2cc: {  	v24 =	vld.idx.msk [tilespmem:v24+s9+$0x0], $0xffff  }
0x2cd: {  	v22 =	vld.idx.msk [tilespmem:v22+s9+$0x0], $0xffff;
	_ =	sdelay $0x1  }
0x2ce: {  	v26 =	vor.u32 v7, v19  }
0x2cf: {  	[tilespmem:s23+$0x60] =	vst v23;
	v23 =	vor.u32 v7, v17  }
0x2d0: {  	[tilespmem:s24+$0x60] =	vst v25;
	v25 =	vor.u32 v7, v20  }
0x2d1: {  	[tilespmem:s25+$0x60] =	vst v24;
	v24 =	vor.u32 v7, v18  }
0x2d2: {  	[tilespmem:s26+$0x60] =	vst v22  }
0x2d3: {  	v22 =	vld.idx.msk [tilespmem:v26+s9+$0x0], $0xffff  }
0x2d4: {  	v23 =	vld.idx.msk [tilespmem:v23+s9+$0x0], $0xffff  }
0x2d5: {  	v25 =	vld.idx.msk [tilespmem:v25+s9+$0x0], $0xffff  }
0x2d6: {  	v24 =	vld.idx.msk [tilespmem:v24+s9+$0x0], $0xffff;
	_ =	sdelay $0x1  }
0x2d7: {  	v26 =	vor.u32 v8, v19  }
0x2d8: {  	[tilespmem:s23+$0x70] =	vst v22;
	v22 =	vor.u32 v8, v17  }
0x2d9: {  	[tilespmem:s24+$0x70] =	vst v23;
	v23 =	vor.u32 v8, v20  }
0x2da: {  	[tilespmem:s25+$0x70] =	vst v25;
	v25 =	vor.u32 v8, v18  }
0x2db: {  	[tilespmem:s26+$0x70] =	vst v24  }
0x2dc: {  	v24 =	vld.idx.msk [tilespmem:v26+s9+$0x0], $0xffff  }
0x2dd: {  	s1 =	simm.s32 $0x1;
	v22 =	vld.idx.msk [tilespmem:v22+s9+$0x0], $0xffff  }
0x2de: {  	s0 =	sand.u32 $0x7, s20;
	s1 =	simm.s32 @!p0 $0x0;
	v23 =	vld.idx.msk [tilespmem:v23+s9+$0x0], $0xffff  }
0x2df: {  	s0 =	sshll.u32 s0, $0x7;
	s1 =	sshll.u32 s1, $0x9;
	s23 =	sand.u32 $0x3, s19;
	v25 =	vld.idx.msk [tilespmem:v25+s9+$0x0], $0xffff  }
0x2e0: {  	s0 =	sadd.s32 s18, s0;
	s23 =	sshll.u32 s23, $0x8;
	s25 =	sadd.s32 s1, s18  }
0x2e1: {  	s24 =	sadd.s32 $0x80, s0;
	s1 =	sadd.s32 s18, s23;
	s18 =	sor.u32 $0x400, s25;
	v26 =	vor.u32 v9, v19  }
0x2e2: {  	s26 =	sadd.s32 $0x100, s1;
	s30 =	sor.u32 $0x450, s25;
	[tilespmem:s18+$0xE800] =	vst v24;
	s18 =	sor.u32 $0x400, s24;
	v24 =	vor.u32 v9, v17  }
0x2e3: {  	s23 =	sadd.s32 $0x180, s0;
	s1 =	sor.u32 $0x400, s26;
	s29 =	sor.u32 $0x470, s26;
	[tilespmem:s18+$0xE800] =	vst v22;
	v22 =	vor.u32 v9, v20  }
0x2e4: {  	s0 =	sor.u32 $0x400, s23;
	s18 =	smov.u32 s28;
	[tilespmem:s1+$0xE800] =	vst v23;
	v23 =	vor.u32 v9, v18  }
0x2e5: {  	[tilespmem:s0+$0xE800] =	vst v25  }
0x2e6: {  	v25 =	vld.idx.msk [tilespmem:v26+s9+$0x0], $0xffff  }
0x2e7: {  	v24 =	vld.idx.msk [tilespmem:v24+s9+$0x0], $0xffff  }
0x2e8: {  	v22 =	vld.idx.msk [tilespmem:v22+s9+$0x0], $0xffff  }
0x2e9: {  	v23 =	vld.idx.msk [tilespmem:v23+s9+$0x0], $0xffff;
	_ =	sdelay $0x1  }
0x2ea: {  	s0 =	sor.u32 $0x410, s25;
	v26 =	vor.u32 v10, v19  }
0x2eb: {  	[tilespmem:s0+$0xE800] =	vst v25;
	s0 =	sor.u32 $0x410, s24;
	v25 =	vor.u32 v10, v17  }
0x2ec: {  	[tilespmem:s0+$0xE800] =	vst v24;
	s0 =	sor.u32 $0x410, s26;
	v24 =	vor.u32 v10, v20  }
0x2ed: {  	[tilespmem:s0+$0xE800] =	vst v22;
	s0 =	sor.u32 $0x410, s23;
	v22 =	vor.u32 v10, v18  }
0x2ee: {  	[tilespmem:s0+$0xE800] =	vst v23  }
0x2ef: {  	v23 =	vld.idx.msk [tilespmem:v26+s9+$0x0], $0xffff  }
0x2f0: {  	v25 =	vld.idx.msk [tilespmem:v25+s9+$0x0], $0xffff  }
0x2f1: {  	v24 =	vld.idx.msk [tilespmem:v24+s9+$0x0], $0xffff  }
0x2f2: {  	v22 =	vld.idx.msk [tilespmem:v22+s9+$0x0], $0xffff;
	_ =	sdelay $0x1  }
0x2f3: {  	s0 =	sor.u32 $0x420, s25;
	v26 =	vor.u32 v11, v19  }
0x2f4: {  	[tilespmem:s0+$0xE800] =	vst v23;
	s0 =	sor.u32 $0x420, s24;
	v23 =	vor.u32 v11, v17  }
0x2f5: {  	[tilespmem:s0+$0xE800] =	vst v25;
	s0 =	sor.u32 $0x420, s26;
	v25 =	vor.u32 v11, v20  }
0x2f6: {  	[tilespmem:s0+$0xE800] =	vst v24;
	s0 =	sor.u32 $0x420, s23;
	v24 =	vor.u32 v11, v18  }
0x2f7: {  	[tilespmem:s0+$0xE800] =	vst v22  }
0x2f8: {  	v22 =	vld.idx.msk [tilespmem:v26+s9+$0x0], $0xffff  }
0x2f9: {  	v23 =	vld.idx.msk [tilespmem:v23+s9+$0x0], $0xffff  }
0x2fa: {  	v25 =	vld.idx.msk [tilespmem:v25+s9+$0x0], $0xffff  }
0x2fb: {  	v24 =	vld.idx.msk [tilespmem:v24+s9+$0x0], $0xffff;
	_ =	sdelay $0x1  }
0x2fc: {  	s0 =	sor.u32 $0x430, s25;
	v26 =	vor.u32 v12, v19  }
0x2fd: {  	[tilespmem:s0+$0xE800] =	vst v22;
	s0 =	sor.u32 $0x430, s24;
	v22 =	vor.u32 v12, v17  }
0x2fe: {  	[tilespmem:s0+$0xE800] =	vst v23;
	s0 =	sor.u32 $0x430, s26;
	v23 =	vor.u32 v12, v20  }
0x2ff: {  	[tilespmem:s0+$0xE800] =	vst v25;
	s0 =	sor.u32 $0x430, s23;
	v25 =	vor.u32 v12, v18  }
0x300: {  	[tilespmem:s0+$0xE800] =	vst v24  }
0x301: {  	v24 =	vld.idx.msk [tilespmem:v26+s9+$0x0], $0xffff  }
0x302: {  	v22 =	vld.idx.msk [tilespmem:v22+s9+$0x0], $0xffff  }
0x303: {  	v23 =	vld.idx.msk [tilespmem:v23+s9+$0x0], $0xffff  }
0x304: {  	v25 =	vld.idx.msk [tilespmem:v25+s9+$0x0], $0xffff;
	_ =	sdelay $0x1  }
0x305: {  	s0 =	sor.u32 $0x440, s25;
	v26 =	vor.u32 v13, v19  }
0x306: {  	s21 =	sadd.s32 $0x4, s21;
	[tilespmem:s0+$0xE800] =	vst v24;
	s0 =	sor.u32 $0x440, s24;
	v24 =	vor.u32 v13, v17  }
0x307: {  	v27 =	vor.u32 v13, v20;
	s1 =	sadd.s32 $0xFFFFFFFD, s21;
	[tilespmem:s0+$0xE800] =	vst v22;
	s0 =	sor.u32 $0x440, s26  }
0x308: {  	v30 =	vor.u32 v13, v18;
	v28 =	vmov s1;
	s1 =	sadd.s32 $0xFFFFFFFE, s21;
	[tilespmem:s0+$0xE800] =	vst v23;
	s0 =	sor.u32 $0x440, s23  }
0x309: {  	v29 =	vmov s1;
	s1 =	sadd.s32 $0xFFFFFFFF, s21;
	v22 =	vmov s21;
	v23 =	vshll.u32 v28, $0x3;
	[tilespmem:s0+$0xE800] =	vst v25  }
.Ltmp1:
0x30a: {  	v32 =	vshll.u32 v22, $0x3;
	v25 =	vand.u32 $0x7C, v28;
	v23 =	vand.u32 $0x400, v23;
	v26 =	vld.idx.msk [tilespmem:v26+s9+$0x0], $0xffff;
	(pc) =	sbr.rel @p1 .LBB2_5-.Ltmp1, $4  }
0x30b: {  	v23 =	vor.u32 v23, v25;
	v25 =	vand.u32 $0x7D, v29;
	v29 =	vshll.u32 v29, $0x3;
	v28 =	vld.idx.msk [tilespmem:v24+s9+$0x0], $0xffff  }
0x30c: {  	v31 =	vmov s1;
	v23 =	vor.u32 v16, v23;
	v24 =	vand.u32 $0x400, v29;
	v29 =	vld.idx.msk [tilespmem:v27+s9+$0x0], $0xffff  }
0x30d: {  	s0 =	sor.u32 $0x470, s25;
	v24 =	vor.u32 v24, v25;
	v27 =	vand.u32 $0x7E, v31;
	v25 =	vshll.u32 v31, $0x3;
	v30 =	vld.idx.msk [tilespmem:v30+s9+$0x0], $0xffff  }
0x30e: {  	p0 =	por !p0, !p0;
	s31 =	sor.u32 $0x470, s24;
	v24 =	vor.u32 v16, v24;
	v31 =	vand.u32 $0x400, v25;
	v25 =	vand.u32 $0x400, v32  }
0x30f: {  	[tilespmem:s30+$0xE800] =	vst v26;
	s1 =	sor.u32 $0x450, s24;
	v35 =	vor.u32 v14, v17  }
0x310: {  	s21 =	sor.u32 $0x450, s26;
	v36 =	vor.u32 v14, v20;
	[tilespmem:s1+$0xE800] =	vst v28  }
0x311: {  	s22 =	sor.u32 $0x450, s23;
	v37 =	vor.u32 v14, v18;
	[tilespmem:s21+$0xE800] =	vst v29  }
0x312: {  	[tilespmem:s22+$0xE800] =	vst v30  }
0x313: {  	v21 =	vld.idx.msk [tilespmem:v21+s9+$0x0], $0xffff  }
0x314: {  	v26 =	vld.idx.msk [tilespmem:v35+s9+$0x0], $0xffff  }
0x315: {  	v28 =	vld.idx.msk [tilespmem:v36+s9+$0x0], $0xffff  }
0x316: {  	v29 =	vld.idx.msk [tilespmem:v37+s9+$0x0], $0xffff  }
0x317: {  	s28 =	sor.u32 $0x460, s25;
	v19 =	vor.u32 v15, v19  }
0x318: {  	s30 =	sor.u32 $0x460, s24;
	v17 =	vor.u32 v15, v17;
	[tilespmem:s28+$0xE800] =	vst v21  }
0x319: {  	v38 =	vor.u32 v15, v20;
	s21 =	sor.u32 $0x460, s26;
	[tilespmem:s30+$0xE800] =	vst v26  }
0x31a: {  	v39 =	vor.u32 v15, v18;
	s22 =	sor.u32 $0x460, s23;
	[tilespmem:s21+$0xE800] =	vst v28  }
0x31b: {  	[tilespmem:s22+$0xE800] =	vst v29  }
0x31c: {  	v19 =	vld.idx.msk [tilespmem:v19+s9+$0x0], $0xffff  }
0x31d: {  	v17 =	vld.idx.msk [tilespmem:v17+s9+$0x0], $0xffff  }
0x31e: {  	v20 =	vld.idx.msk [tilespmem:v38+s9+$0x0], $0xffff  }
0x31f: {  	v18 =	vld.idx.msk [tilespmem:v39+s9+$0x0], $0xffff;
	_ =	sdelay $0x1  }
0x320: {  	v40 =	vor.u32 v31, v27;
	v22 =	vand.u32 $0x7F, v22;
	[tilespmem:s0+$0xE800] =	vst v19  }
0x321: {  	v41 =	vor.u32 v16, v40;
	v42 =	vor.u32 v25, v22;
	[tilespmem:s31+$0xE800] =	vst v17  }
0x322: {  	v16 =	vor.u32 v16, v42;
	s23 =	sor.u32 $0x470, s23;
	[tilespmem:s29+$0xE800] =	vst v20  }
0x323: {  	[tilespmem:s23+$0xE800] =	vst v18  }
0x324: {  	v17 =	vld.idx.msk [tilespmem:v23+s3+$0x0], $0xffff  }
0x325: {  	v18 =	vld.idx.msk [tilespmem:v24+s3+$0x0], $0xffff  }
0x326: {  	v20 =	vld.idx.msk [tilespmem:v41+s3+$0x0], $0xffff  }
0x327: {  	v16 =	vld.idx.msk [tilespmem:v16+s3+$0x0], $0xffff;
	_ =	sdelay $0x1  }
0x328: {  	v19 =	vshll.u32 v17, $0x8  }
0x329: {  	v17 =	vshll.u32 v18, $0x8;
	v43 =	vor.u32 v0, v19  }
0x32a: {  	v18 =	vshll.u32 v20, $0x8;
	v44 =	vor.u32 v0, v17  }
0x32b: {  	v16 =	vshll.u32 v16, $0x8;
	v45 =	vor.u32 v0, v18  }
0x32c: {  	v46 =	vor.u32 v0, v16;
	_ =	sdelay $0x1  }
0x32d: {  	v21 =	vld.idx.msk [tilespmem:v43+s9+$0x0], $0xffff  }
0x32e: {  	v20 =	vld.idx.msk [tilespmem:v44+s9+$0x0], $0xffff  }
0x32f: {  	s24 =	sadd.s32 $0x200, s17;
	s25 =	sand.u32 $0xF800, s18;
	v22 =	vld.idx.msk [tilespmem:v45+s9+$0x0], $0xffff  }
0x330: {  	s17 =	sand.u32 $0x200, s24;
	s21 =	sadd.s32 $0x80, s24;
	s22 =	sadd.s32 $0xE800, s25;
	v23 =	vld.idx.msk [tilespmem:v46+s9+$0x0], $0xffff  }
0x331: {  	s28 =	sadd.s32 $0x100, s24;
	s26 =	sand.u32 $0x280, s21;
	s0 =	sor.u32 s17, s22;
	v47 =	vor.u32 v1, v19  }
0x332: {  	s1 =	sadd.s32 $0x180, s24;
	s21 =	sand.u32 $0x300, s28;
	s17 =	sor.u32 s26, s22;
	v48 =	vor.u32 v1, v17;
	[tilespmem:s0+$0x0] =	vst v21  }
0x333: {  	s1 =	sand.u32 $0x380, s1;
	s21 =	sor.u32 s21, s22;
	v49 =	vor.u32 v1, v18;
	[tilespmem:s17+$0x0] =	vst v20  }
0x334: {  	s22 =	sor.u32 s1, s22;
	v50 =	vor.u32 v1, v16;
	[tilespmem:s21+$0x0] =	vst v22  }
0x335: {  	[tilespmem:s22+$0x0] =	vst v23  }
0x336: {  	v23 =	vld.idx.msk [tilespmem:v47+s9+$0x0], $0xffff  }
0x337: {  	v21 =	vld.idx.msk [tilespmem:v48+s9+$0x0], $0xffff  }
0x338: {  	v20 =	vld.idx.msk [tilespmem:v49+s9+$0x0], $0xffff  }
0x339: {  	v22 =	vld.idx.msk [tilespmem:v50+s9+$0x0], $0xffff  }
0x33a: {  	v51 =	vor.u32 v2, v19  }
0x33b: {  	v52 =	vor.u32 v2, v17;
	[tilespmem:s0+$0x10] =	vst v23  }
0x33c: {  	v53 =	vor.u32 v2, v18;
	[tilespmem:s17+$0x10] =	vst v21  }
0x33d: {  	v54 =	vor.u32 v2, v16;
	[tilespmem:s21+$0x10] =	vst v20  }
0x33e: {  	[tilespmem:s22+$0x10] =	vst v22  }
0x33f: {  	v22 =	vld.idx.msk [tilespmem:v51+s9+$0x0], $0xffff  }
0x340: {  	v23 =	vld.idx.msk [tilespmem:v52+s9+$0x0], $0xffff  }
0x341: {  	v21 =	vld.idx.msk [tilespmem:v53+s9+$0x0], $0xffff  }
0x342: {  	v20 =	vld.idx.msk [tilespmem:v54+s9+$0x0], $0xffff  }
0x343: {  	v55 =	vor.u32 v3, v19  }
0x344: {  	v56 =	vor.u32 v3, v17;
	[tilespmem:s0+$0x20] =	vst v22  }
0x345: {  	v57 =	vor.u32 v3, v18;
	[tilespmem:s17+$0x20] =	vst v23  }
0x346: {  	v58 =	vor.u32 v3, v16;
	[tilespmem:s21+$0x20] =	vst v21  }
0x347: {  	[tilespmem:s22+$0x20] =	vst v20  }
0x348: {  	v20 =	vld.idx.msk [tilespmem:v55+s9+$0x0], $0xffff  }
0x349: {  	v22 =	vld.idx.msk [tilespmem:v56+s9+$0x0], $0xffff  }
0x34a: {  	v23 =	vld.idx.msk [tilespmem:v57+s9+$0x0], $0xffff  }
0x34b: {  	v21 =	vld.idx.msk [tilespmem:v58+s9+$0x0], $0xffff  }
0x34c: {  	v59 =	vor.u32 v4, v19  }
0x34d: {  	v60 =	vor.u32 v4, v17;
	[tilespmem:s0+$0x30] =	vst v20  }
0x34e: {  	v61 =	vor.u32 v4, v18;
	[tilespmem:s17+$0x30] =	vst v22  }
0x34f: {  	v62 =	vor.u32 v4, v16;
	[tilespmem:s21+$0x30] =	vst v23  }
0x350: {  	[tilespmem:s22+$0x30] =	vst v21  }
0x351: {  	v21 =	vld.idx.msk [tilespmem:v59+s9+$0x0], $0xffff  }
0x352: {  	v20 =	vld.idx.msk [tilespmem:v60+s9+$0x0], $0xffff  }
0x353: {  	v22 =	vld.idx.msk [tilespmem:v61+s9+$0x0], $0xffff  }
0x354: {  	v23 =	vld.idx.msk [tilespmem:v62+s9+$0x0], $0xffff  }
0x355: {  	v63 =	vor.u32 v5, v19  }
0x356: {  	v25 =	vor.u32 v5, v17;
	[tilespmem:s0+$0x40] =	vst v21  }
0x357: {  	v26 =	vor.u32 v5, v18;
	[tilespmem:s17+$0x40] =	vst v20  }
0x358: {  	v27 =	vor.u32 v5, v16;
	[tilespmem:s21+$0x40] =	vst v22  }
0x359: {  	[tilespmem:s22+$0x40] =	vst v23  }
0x35a: {  	v23 =	vld.idx.msk [tilespmem:v63+s9+$0x0], $0xffff  }
0x35b: {  	v21 =	vld.idx.msk [tilespmem:v25+s9+$0x0], $0xffff  }
0x35c: {  	v20 =	vld.idx.msk [tilespmem:v26+s9+$0x0], $0xffff  }
0x35d: {  	v22 =	vld.idx.msk [tilespmem:v27+s9+$0x0], $0xffff  }
0x35e: {  	v28 =	vor.u32 v6, v19  }
0x35f: {  	v29 =	vor.u32 v6, v17;
	[tilespmem:s0+$0x50] =	vst v23  }
0x360: {  	v30 =	vor.u32 v6, v18;
	[tilespmem:s17+$0x50] =	vst v21  }
0x361: {  	v31 =	vor.u32 v6, v16;
	[tilespmem:s21+$0x50] =	vst v20  }
0x362: {  	[tilespmem:s22+$0x50] =	vst v22  }
0x363: {  	v22 =	vld.idx.msk [tilespmem:v28+s9+$0x0], $0xffff  }
0x364: {  	v23 =	vld.idx.msk [tilespmem:v29+s9+$0x0], $0xffff  }
0x365: {  	v21 =	vld.idx.msk [tilespmem:v30+s9+$0x0], $0xffff  }
0x366: {  	v20 =	vld.idx.msk [tilespmem:v31+s9+$0x0], $0xffff  }
0x367: {  	v32 =	vor.u32 v7, v19  }
0x368: {  	v33 =	vor.u32 v7, v17;
	[tilespmem:s0+$0x60] =	vst v22  }
0x369: {  	v34 =	vor.u32 v7, v18;
	[tilespmem:s17+$0x60] =	vst v23  }
0x36a: {  	v35 =	vor.u32 v7, v16;
	[tilespmem:s21+$0x60] =	vst v21  }
0x36b: {  	[tilespmem:s22+$0x60] =	vst v20  }
0x36c: {  	v20 =	vld.idx.msk [tilespmem:v32+s9+$0x0], $0xffff  }
0x36d: {  	v22 =	vld.idx.msk [tilespmem:v33+s9+$0x0], $0xffff  }
0x36e: {  	v23 =	vld.idx.msk [tilespmem:v34+s9+$0x0], $0xffff  }
0x36f: {  	v21 =	vld.idx.msk [tilespmem:v35+s9+$0x0], $0xffff  }
0x370: {  	v36 =	vor.u32 v8, v19  }
0x371: {  	v37 =	vor.u32 v8, v17;
	[tilespmem:s0+$0x70] =	vst v20  }
0x372: {  	v38 =	vor.u32 v8, v18;
	[tilespmem:s17+$0x70] =	vst v22  }
0x373: {  	v39 =	vor.u32 v8, v16;
	[tilespmem:s21+$0x70] =	vst v23  }
0x374: {  	[tilespmem:s22+$0x70] =	vst v21  }
0x375: {  	s1 =	simm.s32 $0x1;
	s29 =	sadd.s32 $0x4, s20;
	v21 =	vld.idx.msk [tilespmem:v36+s9+$0x0], $0xffff  }
0x376: {  	s30 =	sadd.s32 $0x2, s19;
	s1 =	simm.s32 @!p0 $0x0;
	s0 =	sand.u32 $0x7, s29;
	v20 =	vld.idx.msk [tilespmem:v37+s9+$0x0], $0xffff  }
0x377: {  	s1 =	sshll.u32 s1, $0x9;
	s0 =	sshll.u32 s0, $0x7;
	s17 =	sand.u32 $0x3, s30;
	v22 =	vld.idx.msk [tilespmem:v38+s9+$0x0], $0xffff  }
0x378: {  	s31 =	sadd.s32 s18, s0;
	s20 =	sshll.u32 s17, $0x8;
	s17 =	sadd.s32 s1, s18;
	v23 =	vld.idx.msk [tilespmem:v39+s9+$0x0], $0xffff  }
0x379: {  	v40 =	vor.u32 v9, v19;
	s0 =	sadd.s32 s18, s20;
	s1 =	sor.u32 $0x400, s17;
	s18 =	sadd.s32 $0x80, s31  }
0x37a: {  	v41 =	vor.u32 v9, v17;
	s21 =	sor.u32 $0x400, s18;
	s0 =	sadd.s32 $0x100, s0;
	[tilespmem:s1+$0xE800] =	vst v21  }
0x37b: {  	v42 =	vor.u32 v9, v18;
	s19 =	sadd.s32 $0x180, s31;
	s22 =	sor.u32 $0x400, s0;
	[tilespmem:s21+$0xE800] =	vst v20  }
0x37c: {  	v43 =	vor.u32 v9, v16;
	s23 =	sor.u32 $0x400, s19;
	[tilespmem:s22+$0xE800] =	vst v22  }
0x37d: {  	[tilespmem:s23+$0xE800] =	vst v23  }
0x37e: {  	v23 =	vld.idx.msk [tilespmem:v40+s9+$0x0], $0xffff  }
0x37f: {  	v21 =	vld.idx.msk [tilespmem:v41+s9+$0x0], $0xffff  }
0x380: {  	v20 =	vld.idx.msk [tilespmem:v42+s9+$0x0], $0xffff  }
0x381: {  	v22 =	vld.idx.msk [tilespmem:v43+s9+$0x0], $0xffff  }
0x382: {  	v44 =	vor.u32 v10, v19;
	s24 =	sor.u32 $0x410, s17  }
0x383: {  	v45 =	vor.u32 v10, v17;
	s25 =	sor.u32 $0x410, s18;
	[tilespmem:s24+$0xE800] =	vst v23  }
0x384: {  	v46 =	vor.u32 v10, v18;
	s26 =	sor.u32 $0x410, s0;
	[tilespmem:s25+$0xE800] =	vst v21  }
0x385: {  	v47 =	vor.u32 v10, v16;
	s28 =	sor.u32 $0x410, s19;
	[tilespmem:s26+$0xE800] =	vst v20  }
0x386: {  	[tilespmem:s28+$0xE800] =	vst v22  }
0x387: {  	v22 =	vld.idx.msk [tilespmem:v44+s9+$0x0], $0xffff  }
0x388: {  	v23 =	vld.idx.msk [tilespmem:v45+s9+$0x0], $0xffff  }
0x389: {  	v21 =	vld.idx.msk [tilespmem:v46+s9+$0x0], $0xffff  }
0x38a: {  	v20 =	vld.idx.msk [tilespmem:v47+s9+$0x0], $0xffff  }
0x38b: {  	v48 =	vor.u32 v11, v19;
	s29 =	sor.u32 $0x420, s17  }
0x38c: {  	v49 =	vor.u32 v11, v17;
	s30 =	sor.u32 $0x420, s18;
	[tilespmem:s29+$0xE800] =	vst v22  }
0x38d: {  	v50 =	vor.u32 v11, v18;
	s31 =	sor.u32 $0x420, s0;
	[tilespmem:s30+$0xE800] =	vst v23  }
0x38e: {  	v51 =	vor.u32 v11, v16;
	s20 =	sor.u32 $0x420, s19;
	[tilespmem:s31+$0xE800] =	vst v21  }
0x38f: {  	[tilespmem:s20+$0xE800] =	vst v20  }
0x390: {  	v20 =	vld.idx.msk [tilespmem:v48+s9+$0x0], $0xffff  }
0x391: {  	v22 =	vld.idx.msk [tilespmem:v49+s9+$0x0], $0xffff  }
0x392: {  	v23 =	vld.idx.msk [tilespmem:v50+s9+$0x0], $0xffff  }
0x393: {  	v21 =	vld.idx.msk [tilespmem:v51+s9+$0x0], $0xffff  }
0x394: {  	v52 =	vor.u32 v12, v19;
	s21 =	sor.u32 $0x430, s17  }
0x395: {  	v53 =	vor.u32 v12, v17;
	s22 =	sor.u32 $0x430, s18;
	[tilespmem:s21+$0xE800] =	vst v20  }
0x396: {  	v54 =	vor.u32 v12, v18;
	s23 =	sor.u32 $0x430, s0;
	[tilespmem:s22+$0xE800] =	vst v22  }
0x397: {  	v55 =	vor.u32 v12, v16;
	s24 =	sor.u32 $0x430, s19;
	[tilespmem:s23+$0xE800] =	vst v23  }
0x398: {  	[tilespmem:s24+$0xE800] =	vst v21  }
0x399: {  	v21 =	vld.idx.msk [tilespmem:v52+s9+$0x0], $0xffff  }
0x39a: {  	v20 =	vld.idx.msk [tilespmem:v53+s9+$0x0], $0xffff  }
0x39b: {  	v22 =	vld.idx.msk [tilespmem:v54+s9+$0x0], $0xffff  }
0x39c: {  	v23 =	vld.idx.msk [tilespmem:v55+s9+$0x0], $0xffff  }
0x39d: {  	v56 =	vor.u32 v13, v19;
	s25 =	sor.u32 $0x440, s17  }
0x39e: {  	v57 =	vor.u32 v13, v17;
	s26 =	sor.u32 $0x440, s18;
	[tilespmem:s25+$0xE800] =	vst v21  }
0x39f: {  	v58 =	vor.u32 v13, v18;
	s28 =	sor.u32 $0x440, s0;
	[tilespmem:s26+$0xE800] =	vst v20  }
0x3a0: {  	v59 =	vor.u32 v13, v16;
	s29 =	sor.u32 $0x440, s19;
	[tilespmem:s28+$0xE800] =	vst v22  }
0x3a1: {  	[tilespmem:s29+$0xE800] =	vst v23  }
0x3a2: {  	v23 =	vld.idx.msk [tilespmem:v56+s9+$0x0], $0xffff  }
0x3a3: {  	v21 =	vld.idx.msk [tilespmem:v57+s9+$0x0], $0xffff  }
0x3a4: {  	v20 =	vld.idx.msk [tilespmem:v58+s9+$0x0], $0xffff  }
0x3a5: {  	v22 =	vld.idx.msk [tilespmem:v59+s9+$0x0], $0xffff  }
0x3a6: {  	v60 =	vor.u32 v14, v19;
	s30 =	sor.u32 $0x450, s17  }
0x3a7: {  	v61 =	vor.u32 v14, v17;
	s31 =	sor.u32 $0x450, s18;
	[tilespmem:s30+$0xE800] =	vst v23  }
0x3a8: {  	v62 =	vor.u32 v14, v18;
	s20 =	sor.u32 $0x450, s0;
	[tilespmem:s31+$0xE800] =	vst v21  }
0x3a9: {  	v63 =	vor.u32 v14, v16;
	s21 =	sor.u32 $0x450, s19;
	[tilespmem:s20+$0xE800] =	vst v20  }
0x3aa: {  	[tilespmem:s21+$0xE800] =	vst v22  }
0x3ab: {  	v22 =	vld.idx.msk [tilespmem:v60+s9+$0x0], $0xffff  }
0x3ac: {  	v23 =	vld.idx.msk [tilespmem:v61+s9+$0x0], $0xffff  }
0x3ad: {  	v21 =	vld.idx.msk [tilespmem:v62+s9+$0x0], $0xffff  }
0x3ae: {  	v20 =	vld.idx.msk [tilespmem:v63+s9+$0x0], $0xffff  }
0x3af: {  	v19 =	vor.u32 v15, v19;
	s22 =	sor.u32 $0x460, s17  }
0x3b0: {  	v17 =	vor.u32 v15, v17;
	s23 =	sor.u32 $0x460, s18;
	[tilespmem:s22+$0xE800] =	vst v22  }
0x3b1: {  	v18 =	vor.u32 v15, v18;
	s24 =	sor.u32 $0x460, s0;
	[tilespmem:s23+$0xE800] =	vst v23  }
0x3b2: {  	v16 =	vor.u32 v15, v16;
	s25 =	sor.u32 $0x460, s19;
	[tilespmem:s24+$0xE800] =	vst v21  }
0x3b3: {  	[tilespmem:s25+$0xE800] =	vst v20  }
0x3b4: {  	v19 =	vld.idx.msk [tilespmem:v19+s9+$0x0], $0xffff  }
0x3b5: {  	v17 =	vld.idx.msk [tilespmem:v17+s9+$0x0], $0xffff  }
0x3b6: {  	v18 =	vld.idx.msk [tilespmem:v18+s9+$0x0], $0xffff  }
0x3b7: {  	s15 =	sadd.s32 $0x1, s15;
	v16 =	vld.idx.msk [tilespmem:v16+s9+$0x0], $0xffff  }
0x3b8: {  	p0 =	sne.s32 s15, $0x10;
	s26 =	sor.u32 $0x470, s17  }
.Ltmp2:
0x3b9: {  	s28 =	sor.u32 $0x470, s18;
	s29 =	sadd.s32 s4, s16;
	[tilespmem:s26+$0xE800] =	vst v19;
	(pc) =	sbr.rel @p0 .LBB2_2-.Ltmp2, $4  }
0x3ba: {  	s0 =	sor.u32 $0x470, s0;
	s1 =	smul.u32 $0x1900, s29;
	[tilespmem:s28+$0xE800] =	vst v17  }
0x3bb: {  	s30 =	sor.u32 $0x470, s19;
	[tilespmem:s0+$0xE800] =	vst v18  }
0x3bc: {  	s31 =	sadd.s32 s2, s1;
	[tilespmem:s30+$0xE800] =	vst v16  }
0x3bd: {  	[hbm4b:s31+s3] =	stream.linear.scatter [tilespmem:s12], [sflag:$0x2], $0xC800, $0x38;
	[tilespmem:$0x1B300] =	vst v63  }
0x3be: {  	s14 =	sadd.s32 $0x1, s14  }
0x3bf: {  	_ =	swait.ge [sflag:s10], $0xC800;
	p0 =	sne.s32 s14, s7  }
.Ltmp3:
0x3c0: {  	[sflag:s10] =	ssyncset.done $0x0;
	(pc) =	sbr.rel @p0 .LBB2_1-.Ltmp3, $4  }
0x3c1: {  	[sflag:s10] =	ssyncadd.s32 $0xFFFF3800  }
0x3c2: {  	_ =	swait.ge [sflag:s13], $0xC800  }
0x3c3: {  	[sflag:s13] =	ssyncset.done $0x0  }
0x3c4: {  	[sflag:s13] =	ssyncadd.s32 $0xFFFF3800  }
0x3c5: {  	_ =	sfence.sel $0x180000  }
0x3c6: {  	[bflag:$0x0] =	sbarrier.arrive $0xFFFF  }
0x3c7: {  	_ =	strace $0x90000047  }
0x3c8: {  	s0 =	stileid.u32;
	[bflag:$0x2] =	sbarrier.arrive $0xFFFF  }
0x3c9: {  	p0 =	sne.s32 s0, $0x0;
	s0 =	rddreg [dreg:$0x2]  }
0x3ca: {  	s0 =	sadd.s32 @!p0 $0x100000, s0  }
0x3cb: {  	[sflag:s0] =	ssyncadd.tile.s32 @!p0 $0x1;
	_ =	shalt  }
.Lfunc_end2:
_tile_overlayer_lowered:
.L_overlay_start_2:
0x3cc: {  	(tag) =	ssettag $0x2  }
0x3cd: {  	s0 =	rddreg [dreg:$0x0];
	s2 =	stileid.u32  }
0x3ce: {  	s1 =	rddreg [dreg:$0x1];
	p0 =	sne.s32 s2, $0x0  }
0x3cf: {  	s3 =	rddreg [dreg:$0x2];
	[bflag:$0x3] =	sbarrier.arrive $0xFFFF;
	s2 =	simm.s32 @!p0 $0x1C03  }
0x3d0: {  	[timem:s3], [sflag:s2] =	dma.local @!p0 [hbm:s0], s1  }
0x3d1: {  	s0 =	simm.s32 @!p0 $0x3  }
0x3d2: {  	_ =	swait.ge @!p0 [sflag:s0], s1  }
0x3d3: {  	s1 =	ssub.s32 @!p0 $0x0, s1;
	[sflag:s0] =	ssyncset.done @!p0 $0x0  }
0x3d4: {  	[sflag:s0] =	ssyncadd.s32 @!p0 s1  }
0x3d5: {  	[bflag:$0x3] =	sbarrier.arrive $0xFFFF  }
0x3d6: {  	_ =	shalt  }

</sc_bundles>
